<compile_context>
chip_gen: v7x
topology: tpu7x:2x2x1
jax: 0.10.2.dev20260603
libtpu: 0.0.44.dev20260713+nightly
codegen_flags: <defaults>
</compile_context>

<pallas_src>
import functools

import jax
import jax.numpy as jnp
from jax import lax
from jax.experimental import pallas as pl
from jax.experimental.pallas import tpu as pltpu
from jax.experimental.pallas import tpu_sc as plsc

N = 10000
E = 320000
H = 128
GROUP = 25
R_OUT = N // GROUP

NC = 2
NS = 16
NW = NC * NS
L = 16

CH = 128
NCHUNK = 80
NHALF = NCHUNK // 2
E_PAD = NW * NCHUNK * CH
N_ACC = NCHUNK * CH
ROWS_PER_TILE = N_ACC // NS

def _zero_rows(rows_ref):
    zeros16 = jnp.zeros((L,), jnp.float32)

    def zb(i, carry):
        rows_ref[i // (H // L), pl.ds((i % (H // L)) * L, L)] = zeros16
        return carry

    lax.fori_loop(0, CH * (H // L), zb, 0)


def _zero_acc_slice(rows_ref, acc, s):
    nfull = ROWS_PER_TILE // CH
    for k in range(nfull):
        pltpu.sync_copy(rows_ref, acc.at[pl.ds(s * ROWS_PER_TILE + k * CH, CH)])
    rem = ROWS_PER_TILE - nfull * CH
    if rem:
        pltpu.sync_copy(
            rows_ref.at[pl.ds(0, rem)],
            acc.at[pl.ds(s * ROWS_PER_TILE + nfull * CH, rem)],
        )


def _writeback(acc, out_hbm, c, s):
    pltpu.sync_copy(
        acc.at[pl.ds(s * ROWS_PER_TILE, ROWS_PER_TILE)],
        out_hbm.at[c, pl.ds(s * ROWS_PER_TILE, ROWS_PER_TILE)],
    )


def _edge_scatter_body(
    t_hbm, src_hbm, dst_hbm, out_hbm, src_v, dst_v, rows_a, rows_b, acc, sem_a, sem_b
):
    c = lax.axis_index("c")
    s = lax.axis_index("s")
    wid = s * NC + c

    _zero_rows(rows_a)
    _zero_acc_slice(rows_a, acc, s)
    plsc.subcore_barrier()

    for half in range(2):
        pltpu.sync_copy(src_hbm.at[wid, pl.ds(half * NHALF, NHALF)], src_v)
        pltpu.sync_copy(dst_hbm.at[wid, pl.ds(half * NHALF, NHALF)], dst_v)
        pltpu.async_copy(t_hbm.at[src_v.at[0]], rows_a, sem_a)

        def body(i, carry):
            k = 2 * i
            pltpu.async_copy(t_hbm.at[src_v.at[k + 1]], rows_b, sem_b)
            pltpu.make_async_copy(t_hbm.at[src_v.at[k]], rows_a, sem_a).wait()
            pltpu.sync_copy(rows_a, acc.at[dst_v.at[k]], add=True)
            pltpu.async_copy(t_hbm.at[src_v.at[k + 2]], rows_a, sem_a)
            pltpu.make_async_copy(t_hbm.at[src_v.at[k + 1]], rows_b, sem_b).wait()
            pltpu.sync_copy(rows_b, acc.at[dst_v.at[k + 1]], add=True)
            return carry

        lax.fori_loop(0, NHALF // 2 - 1, body, 0)
        pltpu.async_copy(t_hbm.at[src_v.at[NHALF - 1]], rows_b, sem_b)
        pltpu.make_async_copy(t_hbm.at[src_v.at[NHALF - 2]], rows_a, sem_a).wait()
        pltpu.sync_copy(rows_a, acc.at[dst_v.at[NHALF - 2]], add=True)
        pltpu.make_async_copy(t_hbm.at[src_v.at[NHALF - 1]], rows_b, sem_b).wait()
        pltpu.sync_copy(rows_b, acc.at[dst_v.at[NHALF - 1]], add=True)
    plsc.subcore_barrier()
    _writeback(acc, out_hbm, c, s)




def _deg_scatter_body(dst_hbm, out_hbm, dst_v, rows_v, acc):
    c = lax.axis_index("c")
    s = lax.axis_index("s")
    wid = s * NC + c

    _zero_rows(rows_v)
    _zero_acc_slice(rows_v, acc, s)
    pltpu.sync_copy(dst_hbm.at[wid], dst_v)
    ones16 = jnp.ones((L,), jnp.float32)

    def ob(i, carry):
        rows_v[i // (H // L), pl.ds((i % (H // L)) * L, L)] = ones16
        return carry

    lax.fori_loop(0, CH * (H // L), ob, 0)
    plsc.subcore_barrier()

    def body(j, carry):
        pltpu.sync_copy(rows_v, acc.at[dst_v.at[j]], add=True)
        return carry

    lax.fori_loop(0, NCHUNK, body, 0)
    plsc.subcore_barrier()
    _writeback(acc, out_hbm, c, s)


@functools.cache
def _sc_kernels():
    mesh = plsc.VectorSubcoreMesh(
        core_axis_name="c", subcore_axis_name="s", num_cores=NC, num_subcores=NS
    )
    edge_scatter = pl.kernel(
        _edge_scatter_body,
        out_type=jax.ShapeDtypeStruct((NC, N_ACC, H), jnp.float32),
        mesh=mesh,
        scratch_types=[
            pltpu.VMEM((NHALF, CH), jnp.int32),
            pltpu.VMEM((NHALF, CH), jnp.int32),
            pltpu.VMEM((CH, H), jnp.float32),
            pltpu.VMEM((CH, H), jnp.float32),
            pltpu.VMEM_SHARED((N_ACC, H), jnp.float32),
            pltpu.SemaphoreType.DMA,
            pltpu.SemaphoreType.DMA,
        ],
    )
    deg_scatter = pl.kernel(
        _deg_scatter_body,
        out_type=jax.ShapeDtypeStruct((NC, N_ACC, H), jnp.float32),
        mesh=mesh,
        scratch_types=[
            pltpu.VMEM((NCHUNK, CH), jnp.int32),
            pltpu.VMEM((CH, H), jnp.float32),
            pltpu.VMEM_SHARED((N_ACC, H), jnp.float32),
        ],
    )
    return edge_scatter, deg_scatter


def _m1_body(x_ref, w_ref, d0_ref, d1_ref, u_ref, t_ref, di_ref, dg_ref):
    deg = d0_ref[...] + d1_ref[...] + 1.0
    dinv = 1.0 / jnp.sqrt(deg)
    u = jnp.dot(x_ref[...], w_ref[...], preferred_element_type=jnp.float32)
    u_ref[...] = u
    t_ref[...] = dinv * u
    di_ref[...] = dinv
    dg_ref[...] = 1.0 / deg


_m1 = pl.pallas_call(
    _m1_body,
    out_shape=[
        jax.ShapeDtypeStruct((N, H), jnp.float32),
        jax.ShapeDtypeStruct((N, H), jnp.float32),
        jax.ShapeDtypeStruct((N, 1), jnp.float32),
        jax.ShapeDtypeStruct((N, 1), jnp.float32),
    ],
)


def _m2_body(p0_ref, p1_ref, u1_ref, di_ref, dg_ref, b1_ref, w2_ref, u2_ref, t2_ref):
    di = di_ref[...]
    g = jnp.maximum(
        di * (p0_ref[...] + p1_ref[...]) + dg_ref[...] * u1_ref[...] + b1_ref[...],
        0.0,
    )
    u2 = jnp.dot(g, w2_ref[...], preferred_element_type=jnp.float32)
    u2_ref[...] = u2
    t2_ref[...] = di * u2


_m2 = pl.pallas_call(
    _m2_body,
    out_shape=[
        jax.ShapeDtypeStruct((N, H), jnp.float32),
        jax.ShapeDtypeStruct((N, H), jnp.float32),
    ],
)

def _m3_body(q0_ref, q1_ref, u2_ref, di_ref, dg_ref, b2_ref, g2_ref):
    g2_ref[...] = jnp.maximum(
        di_ref[...] * (q0_ref[...] + q1_ref[...])
        + dg_ref[...] * u2_ref[...]
        + b2_ref[...],
        0.0,
    )


_m3 = pl.pallas_call(
    _m3_body,
    out_shape=jax.ShapeDtypeStruct((N, H), jnp.float32),
)


def _m4_body(g_ref, w_ref, bfc_ref, out_ref):
    out_ref[...] = jnp.dot(g_ref[...], w_ref[...]) + bfc_ref[...]


_m4 = pl.pallas_call(
    _m4_body,
    out_shape=jax.ShapeDtypeStruct((R_OUT, 1), jnp.float32),
)


def kernel(x, edges, W1, b1, W2, b2, Wfc, bfc):
    pad = E_PAD - E
    pad_src = jnp.arange(pad, dtype=edges.dtype) % N
    pad_dst = N + jnp.arange(pad, dtype=edges.dtype) % (N_ACC - N)
    src = jnp.concatenate([edges[0], pad_src]).reshape(NW, NCHUNK, CH)
    dst = jnp.concatenate([edges[1], pad_dst]).reshape(NW, NCHUNK, CH)

    edge_scatter, deg_scatter = _sc_kernels()
    degp = deg_scatter(dst)
    d0 = degp[0, :N, :1]
    d1 = degp[1, :N, :1]

    u1, t1, dinv, dginv = _m1(x, W1, d0, d1)
    p = edge_scatter(t1, src, dst)
    u2, t2 = _m2(p[0, :N], p[1, :N], u1, dinv, dginv, b1.reshape(1, H), W2)
    q = edge_scatter(t2, src, dst)
    g2 = _m3(q[0, :N], q[1, :N], u2, dinv, dginv, b2.reshape(1, H))
    out = _m4(g2.reshape(R_OUT, H * GROUP), Wfc, bfc.reshape(1, 1))
    return out

# --- scband reference (transcript-rebuilt; emitter-appended) ---
"""Pipeline reference for scband-estimator-2345052144206 (READ-ONLY COPY).

The authoritative reference and input builder live on the scoring server;
editing this copy changes nothing except your own understanding.
"""

import jax, jax.numpy as jnp
import numpy as np

N = 10000
E = 320000
H1 = 128
H2 = 128
H3 = 128
NODEN = 23


def setup_inputs(seed: int = 0) -> dict:
    key = jax.random.key(seed)
    ks = jax.random.split(key, 8)
    x = jax.random.normal(ks[0], (N, H1), dtype=jnp.float32)
    edges = jax.random.randint(ks[1], (2, E), 0, N, dtype=jnp.int32)
    W1 = jax.random.normal(ks[2], (H1, H2), dtype=jnp.float32) * (1.0 / np.sqrt(H1))
    b1 = jnp.zeros((H2,), dtype=jnp.float32)
    W2 = jax.random.normal(ks[3], (H2, H3), dtype=jnp.float32) * (1.0 / np.sqrt(H2))
    b2 = jnp.zeros((H3,), dtype=jnp.float32)
    Wfc = jax.random.normal(ks[4], (H3 * (NODEN + 2), 1), dtype=jnp.float32) * (1.0 / np.sqrt(H3 * (NODEN + 2)))
    bfc = jnp.zeros((1,), dtype=jnp.float32)
    return {"x": x, "edges": edges, "W1": W1, "b1": b1, "W2": W2, "b2": b2, "Wfc": Wfc, "bfc": bfc}


def _gcn_conv(x, src, dst, W, b, n):
    # GCNConv: D^{-1/2} (A + I) D^{-1/2} X W + b (self-loops already in src/dst)
    h = x @ W
    deg = jnp.zeros((n,), dtype=x.dtype).at[dst].add(1.0)
    dinv = deg ** -0.5
    norm = dinv[src] * dinv[dst]
    out = jnp.zeros_like(h).at[dst].add(norm[:, None] * h[src])
    return out + b


def reference(x, edges, W1, b1, W2, b2, Wfc, bfc):
    loop = jnp.arange(N, dtype=edges.dtype)
    src = jnp.concatenate([edges[0], loop])
    dst = jnp.concatenate([edges[1], loop])
    h = jax.nn.relu(_gcn_conv(x, src, dst, W1, b1, N))
    # dropout is identity in eval mode
    h = jax.nn.relu(_gcn_conv(h, src, dst, W2, b2, N))
    h = h.reshape(-1, H3 * (NODEN + 2))
    out = h @ Wfc + bfc
    return out

if __name__ == "__main__":
    import jax
    _d = setup_inputs()
    print(jax.jit(kernel)(*tuple(_d.values())))

</pallas_src>

<mosaic_0001>
#map = affine_map<(d0, d1) -> (0, 0)>
#map1 = affine_map<(d0, d1) -> (0, 0, 0)>
module attributes {stable_mosaic.version = 14 : i64} {
  func.func @_edge_scatter_body(%arg0: i32, %arg1: i32, %arg2: memref<10000x128xf32, #tpu.memory_space<hbm>>, %arg3: memref<32x80x128xi32, #tpu.memory_space<hbm>>, %arg4: memref<32x80x128xi32, #tpu.memory_space<hbm>>, %arg5: memref<2x10240x128xf32, #tpu.memory_space<hbm>>, %arg6: memref<40x128xi32, #tpu.memory_space<vmem>>, %arg7: memref<40x128xi32, #tpu.memory_space<vmem>>, %arg8: memref<128x128xf32, #tpu.memory_space<vmem>>, %arg9: memref<128x128xf32, #tpu.memory_space<vmem>>, %arg10: memref<10240x128xf32, #tpu.memory_space<vmem_shared>>, %arg11: memref<!tpu.dma_semaphore, #tpu.memory_space<semaphore_mem>>, %arg12: memref<!tpu.dma_semaphore, #tpu.memory_space<semaphore_mem>>) attributes {dimension_semantics = [#tpu.dimension_semantics<core_parallel>, #tpu.dimension_semantics<subcore_parallel>], iteration_bounds = array<i64: 2, 16>, scalar_prefetch = 0 : i64, scratch_operands = 7 : i64, tpu.core_type = #tpu.core_type<sc_vector_subcore>, window_params = [{transform_indices = #map}, {transform_indices = #map1}, {transform_indices = #map1}, {transform_indices = #map1}]} {
    %mul3A = arith.constant 2 : i32
    %mul3A_0 = arith.muli %arg1, %mul3A : i32
    %add3A = arith.addi %mul3A_0, %arg0 : i32
    %broadcast_in_dim3A = arith.constant 0.000000e+00 : f32
    %broadcast_in_dim3A_1 = vector.broadcast %broadcast_in_dim3A : f32 to vector<16xf32>
    %scan3A = arith.constant 0 : i32
    %scan3A_2 = arith.constant 0 : i32
    %scan3A_3 = arith.constant 1024 : i32
    %scan3A_4 = arith.addi %scan3A_2, %scan3A_3 : i32
    %scan3A_5 = arith.constant 1 : i32
    scf.for %scan3A_101 = %scan3A_2 to %scan3A_4 step %scan3A_5  : i32 {
      %jit3A = arith.constant 8 : i32
      %div3A = arith.divsi %scan3A_101, %jit3A : i32
      %sign3A = arith.constant 0 : i32
      %sign3A_102 = arith.cmpi sgt, %scan3A_101, %sign3A : i32
      %sign3A_103 = arith.extui %sign3A_102 : i1 to i32
      %sign3A_104 = arith.constant 0 : i32
      %sign3A_105 = arith.cmpi slt, %scan3A_101, %sign3A_104 : i32
      %sign3A_106 = arith.extui %sign3A_105 : i1 to i32
      %sign3A_107 = arith.subi %sign3A_103, %sign3A_106 : i32
      %sign3A_108 = arith.constant 0 : i32
      %sign3A_109 = arith.cmpi sgt, %jit3A, %sign3A_108 : i32
      %sign3A_110 = arith.extui %sign3A_109 : i1 to i32
      %sign3A_111 = arith.constant 0 : i32
      %sign3A_112 = arith.cmpi slt, %jit3A, %sign3A_111 : i32
      %sign3A_113 = arith.extui %sign3A_112 : i1 to i32
      %sign3A_114 = arith.subi %sign3A_110, %sign3A_113 : i32
      %ne3A = arith.cmpi ne, %sign3A_107, %sign3A_114 : i32
      %rem3A = arith.remsi %scan3A_101, %jit3A : i32
      %ne3A_115 = arith.constant 0 : i32
      %ne3A_116 = arith.cmpi ne, %rem3A, %ne3A_115 : i32
      %and3A = arith.andi %ne3A, %ne3A_116 : i1
      %sub3A = arith.constant 1 : i32
      %sub3A_117 = arith.subi %div3A, %sub3A : i32
      %select_n3A = arith.select %and3A, %sub3A_117, %div3A : i32
      %jit3A_118 = arith.constant 8 : i32
      %eq3A = arith.constant 0 : i32
      %eq3A_119 = arith.cmpi eq, %jit3A_118, %eq3A : i32
      %jit3A_120 = arith.constant 1 : i32
      %select_n3A_121 = arith.select %eq3A_119, %jit3A_120, %jit3A_118 : i32
      %rem3A_122 = arith.remsi %scan3A_101, %select_n3A_121 : i32
      %ne3A_123 = arith.constant 0 : i32
      %ne3A_124 = arith.cmpi ne, %rem3A_122, %ne3A_123 : i32
      %lt3A = arith.constant 0 : i32
      %lt3A_125 = arith.cmpi slt, %rem3A_122, %lt3A : i32
      %lt3A_126 = arith.constant 0 : i32
      %lt3A_127 = arith.cmpi slt, %select_n3A_121, %lt3A_126 : i32
      %ne3A_128 = arith.xori %lt3A_125, %lt3A_127 : i1
      %and3A_129 = arith.andi %ne3A_128, %ne3A_124 : i1
      %add3A_130 = arith.addi %rem3A_122, %select_n3A_121 : i32
      %select_n3A_131 = arith.select %and3A_129, %add3A_130, %rem3A_122 : i32
      %mul3A_132 = arith.constant 16 : i32
      %mul3A_133 = arith.muli %select_n3A_131, %mul3A_132 : i32
      %swap3A = arith.index_cast %select_n3A : i32 to index
      %swap3A_134 = arith.index_cast %mul3A_133 : i32 to index
      %swap3A_135 = tpu.vector_load %arg8[%swap3A, %swap3A_134] {strides = array<i32>} : memref<128x128xf32, #tpu.memory_space<vmem>>, vector<1x16xf32>,
      %swap3A_136 = vector.shape_cast %swap3A_135 : vector<1x16xf32> to vector<16xf32>
      %swap3A_137 = vector.shape_cast %broadcast_in_dim3A_1 : vector<16xf32> to vector<1x16xf32>
      tpu.vector_store %arg8[%swap3A, %swap3A_134], %swap3A_137 {strides = array<i32>} : memref<128x128xf32, #tpu.memory_space<vmem>>, vector<1x16xf32>,
    }
    %scan3A_6 = arith.constant 1024 : i32
    %mul3A_7 = arith.constant 640 : i32
    %mul3A_8 = arith.muli %arg1, %mul3A_7 : i32
    %add3A_9 = arith.constant 0 : i32
    %add3A_10 = arith.addi %mul3A_8, %add3A_9 : i32
    "tpu.region"() ({
      %run_scoped3A_101 = tpu.sem_alloc : memref<!tpu.dma_semaphore, #tpu.memory_space<semaphore_mem>>
      %dma_start3A_102 = arith.constant 0 : i32
      %dma_start3A_103 = tpu.memref_slice %arg10[%add3A_10, %dma_start3A_102] : memref<10240x128xf32, #tpu.memory_space<vmem_shared>> -> memref<128x128xf32, #tpu.memory_space<vmem_shared>>
      %dma_start3A_104 = arith.constant 0 : i32
      %dma_start3A_105 = tpu.memref_slice %arg10[%add3A_10, %dma_start3A_104] : memref<10240x128xf32, #tpu.memory_space<vmem_shared>> -> memref<128x128xf32, #tpu.memory_space<vmem_shared>>
      tpu.enqueue_dma source(%arg8 : memref<128x128xf32, #tpu.memory_space<vmem>>) target(%dma_start3A_105 : memref<128x128xf32, #tpu.memory_space<vmem_shared>>) target_semaphore(%run_scoped3A_101 : memref<!tpu.dma_semaphore, #tpu.memory_space<semaphore_mem>>)
      %dma_wait3A_106 = arith.constant 0 : i32
      %dma_wait3A_107 = tpu.memref_slice %arg10[%add3A_10, %dma_wait3A_106] : memref<10240x128xf32, #tpu.memory_space<vmem_shared>> -> memref<128x128xf32, #tpu.memory_space<vmem_shared>>
      %dma_wait3A_108 = arith.constant 0 : i32
      %dma_wait3A_109 = tpu.memref_slice %arg10[%add3A_10, %dma_wait3A_108] : memref<10240x128xf32, #tpu.memory_space<vmem_shared>> -> memref<128x128xf32, #tpu.memory_space<vmem_shared>>
      tpu.wait_dma2 semaphore(%run_scoped3A_101 : memref<!tpu.dma_semaphore, #tpu.memory_space<semaphore_mem>>) src(%arg8 : memref<128x128xf32, #tpu.memory_space<vmem>>) dst(%dma_wait3A_109 : memref<128x128xf32, #tpu.memory_space<vmem_shared>>)
      tpu.yield
    }) : () -> ()
    %mul3A_11 = arith.constant 640 : i32
    %mul3A_12 = arith.muli %arg1, %mul3A_11 : i32
    %add3A_13 = arith.constant 128 : i32
    %add3A_14 = arith.addi %mul3A_12, %add3A_13 : i32
    "tpu.region"() ({
      %run_scoped3A_101 = tpu.sem_alloc : memref<!tpu.dma_semaphore, #tpu.memory_space<semaphore_mem>>
      %dma_start3A_102 = arith.constant 0 : i32
      %dma_start3A_103 = tpu.memref_slice %arg10[%add3A_14, %dma_start3A_102] : memref<10240x128xf32, #tpu.memory_space<vmem_shared>> -> memref<128x128xf32, #tpu.memory_space<vmem_shared>>
      %dma_start3A_104 = arith.constant 0 : i32
      %dma_start3A_105 = tpu.memref_slice %arg10[%add3A_14, %dma_start3A_104] : memref<10240x128xf32, #tpu.memory_space<vmem_shared>> -> memref<128x128xf32, #tpu.memory_space<vmem_shared>>
      tpu.enqueue_dma source(%arg8 : memref<128x128xf32, #tpu.memory_space<vmem>>) target(%dma_start3A_105 : memref<128x128xf32, #tpu.memory_space<vmem_shared>>) target_semaphore(%run_scoped3A_101 : memref<!tpu.dma_semaphore, #tpu.memory_space<semaphore_mem>>)
      %dma_wait3A_106 = arith.constant 0 : i32
      %dma_wait3A_107 = tpu.memref_slice %arg10[%add3A_14, %dma_wait3A_106] : memref<10240x128xf32, #tpu.memory_space<vmem_shared>> -> memref<128x128xf32, #tpu.memory_space<vmem_shared>>
      %dma_wait3A_108 = arith.constant 0 : i32
      %dma_wait3A_109 = tpu.memref_slice %arg10[%add3A_14, %dma_wait3A_108] : memref<10240x128xf32, #tpu.memory_space<vmem_shared>> -> memref<128x128xf32, #tpu.memory_space<vmem_shared>>
      tpu.wait_dma2 semaphore(%run_scoped3A_101 : memref<!tpu.dma_semaphore, #tpu.memory_space<semaphore_mem>>) src(%arg8 : memref<128x128xf32, #tpu.memory_space<vmem>>) dst(%dma_wait3A_109 : memref<128x128xf32, #tpu.memory_space<vmem_shared>>)
      tpu.yield
    }) : () -> ()
    %mul3A_15 = arith.constant 640 : i32
    %mul3A_16 = arith.muli %arg1, %mul3A_15 : i32
    %add3A_17 = arith.constant 256 : i32
    %add3A_18 = arith.addi %mul3A_16, %add3A_17 : i32
    "tpu.region"() ({
      %run_scoped3A_101 = tpu.sem_alloc : memref<!tpu.dma_semaphore, #tpu.memory_space<semaphore_mem>>
      %dma_start3A_102 = arith.constant 0 : i32
      %dma_start3A_103 = tpu.memref_slice %arg10[%add3A_18, %dma_start3A_102] : memref<10240x128xf32, #tpu.memory_space<vmem_shared>> -> memref<128x128xf32, #tpu.memory_space<vmem_shared>>
      %dma_start3A_104 = arith.constant 0 : i32
      %dma_start3A_105 = tpu.memref_slice %arg10[%add3A_18, %dma_start3A_104] : memref<10240x128xf32, #tpu.memory_space<vmem_shared>> -> memref<128x128xf32, #tpu.memory_space<vmem_shared>>
      tpu.enqueue_dma source(%arg8 : memref<128x128xf32, #tpu.memory_space<vmem>>) target(%dma_start3A_105 : memref<128x128xf32, #tpu.memory_space<vmem_shared>>) target_semaphore(%run_scoped3A_101 : memref<!tpu.dma_semaphore, #tpu.memory_space<semaphore_mem>>)
      %dma_wait3A_106 = arith.constant 0 : i32
      %dma_wait3A_107 = tpu.memref_slice %arg10[%add3A_18, %dma_wait3A_106] : memref<10240x128xf32, #tpu.memory_space<vmem_shared>> -> memref<128x128xf32, #tpu.memory_space<vmem_shared>>
      %dma_wait3A_108 = arith.constant 0 : i32
      %dma_wait3A_109 = tpu.memref_slice %arg10[%add3A_18, %dma_wait3A_108] : memref<10240x128xf32, #tpu.memory_space<vmem_shared>> -> memref<128x128xf32, #tpu.memory_space<vmem_shared>>
      tpu.wait_dma2 semaphore(%run_scoped3A_101 : memref<!tpu.dma_semaphore, #tpu.memory_space<semaphore_mem>>) src(%arg8 : memref<128x128xf32, #tpu.memory_space<vmem>>) dst(%dma_wait3A_109 : memref<128x128xf32, #tpu.memory_space<vmem_shared>>)
      tpu.yield
    }) : () -> ()
    %mul3A_19 = arith.constant 640 : i32
    %mul3A_20 = arith.muli %arg1, %mul3A_19 : i32
    %add3A_21 = arith.constant 384 : i32
    %add3A_22 = arith.addi %mul3A_20, %add3A_21 : i32
    "tpu.region"() ({
      %run_scoped3A_101 = tpu.sem_alloc : memref<!tpu.dma_semaphore, #tpu.memory_space<semaphore_mem>>
      %dma_start3A_102 = arith.constant 0 : i32
      %dma_start3A_103 = tpu.memref_slice %arg10[%add3A_22, %dma_start3A_102] : memref<10240x128xf32, #tpu.memory_space<vmem_shared>> -> memref<128x128xf32, #tpu.memory_space<vmem_shared>>
      %dma_start3A_104 = arith.constant 0 : i32
      %dma_start3A_105 = tpu.memref_slice %arg10[%add3A_22, %dma_start3A_104] : memref<10240x128xf32, #tpu.memory_space<vmem_shared>> -> memref<128x128xf32, #tpu.memory_space<vmem_shared>>
      tpu.enqueue_dma source(%arg8 : memref<128x128xf32, #tpu.memory_space<vmem>>) target(%dma_start3A_105 : memref<128x128xf32, #tpu.memory_space<vmem_shared>>) target_semaphore(%run_scoped3A_101 : memref<!tpu.dma_semaphore, #tpu.memory_space<semaphore_mem>>)
      %dma_wait3A_106 = arith.constant 0 : i32
      %dma_wait3A_107 = tpu.memref_slice %arg10[%add3A_22, %dma_wait3A_106] : memref<10240x128xf32, #tpu.memory_space<vmem_shared>> -> memref<128x128xf32, #tpu.memory_space<vmem_shared>>
      %dma_wait3A_108 = arith.constant 0 : i32
      %dma_wait3A_109 = tpu.memref_slice %arg10[%add3A_22, %dma_wait3A_108] : memref<10240x128xf32, #tpu.memory_space<vmem_shared>> -> memref<128x128xf32, #tpu.memory_space<vmem_shared>>
      tpu.wait_dma2 semaphore(%run_scoped3A_101 : memref<!tpu.dma_semaphore, #tpu.memory_space<semaphore_mem>>) src(%arg8 : memref<128x128xf32, #tpu.memory_space<vmem>>) dst(%dma_wait3A_109 : memref<128x128xf32, #tpu.memory_space<vmem_shared>>)
      tpu.yield
    }) : () -> ()
    %mul3A_23 = arith.constant 640 : i32
    %mul3A_24 = arith.muli %arg1, %mul3A_23 : i32
    %add3A_25 = arith.constant 512 : i32
    %add3A_26 = arith.addi %mul3A_24, %add3A_25 : i32
    "tpu.region"() ({
      %run_scoped3A_101 = tpu.sem_alloc : memref<!tpu.dma_semaphore, #tpu.memory_space<semaphore_mem>>
      %dma_start3A_102 = arith.constant 0 : i32
      %dma_start3A_103 = tpu.memref_slice %arg10[%add3A_26, %dma_start3A_102] : memref<10240x128xf32, #tpu.memory_space<vmem_shared>> -> memref<128x128xf32, #tpu.memory_space<vmem_shared>>
      %dma_start3A_104 = arith.constant 0 : i32
      %dma_start3A_105 = tpu.memref_slice %arg10[%add3A_26, %dma_start3A_104] : memref<10240x128xf32, #tpu.memory_space<vmem_shared>> -> memref<128x128xf32, #tpu.memory_space<vmem_shared>>
      tpu.enqueue_dma source(%arg8 : memref<128x128xf32, #tpu.memory_space<vmem>>) target(%dma_start3A_105 : memref<128x128xf32, #tpu.memory_space<vmem_shared>>) target_semaphore(%run_scoped3A_101 : memref<!tpu.dma_semaphore, #tpu.memory_space<semaphore_mem>>)
      %dma_wait3A_106 = arith.constant 0 : i32
      %dma_wait3A_107 = tpu.memref_slice %arg10[%add3A_26, %dma_wait3A_106] : memref<10240x128xf32, #tpu.memory_space<vmem_shared>> -> memref<128x128xf32, #tpu.memory_space<vmem_shared>>
      %dma_wait3A_108 = arith.constant 0 : i32
      %dma_wait3A_109 = tpu.memref_slice %arg10[%add3A_26, %dma_wait3A_108] : memref<10240x128xf32, #tpu.memory_space<vmem_shared>> -> memref<128x128xf32, #tpu.memory_space<vmem_shared>>
      tpu.wait_dma2 semaphore(%run_scoped3A_101 : memref<!tpu.dma_semaphore, #tpu.memory_space<semaphore_mem>>) src(%arg8 : memref<128x128xf32, #tpu.memory_space<vmem>>) dst(%dma_wait3A_109 : memref<128x128xf32, #tpu.memory_space<vmem_shared>>)
      tpu.yield
    }) : () -> ()
    %barrier3A = arith.constant 0 : index
    tpu.barrier barrier_id(%barrier3A)
    "tpu.region"() ({
      %run_scoped3A_101 = tpu.sem_alloc : memref<!tpu.dma_semaphore, #tpu.memory_space<semaphore_mem>>
      %dma_start3A_102 = arith.constant 0 : i32
      %dma_start3A_103 = arith.constant 0 : i32
      %dma_start3A_104 = tpu.memref_slice %arg3[%add3A, %dma_start3A_102, %dma_start3A_103] : memref<32x80x128xi32, #tpu.memory_space<hbm>> -> memref<1x40x128xi32, #tpu.memory_space<hbm>>
      %dma_start3A_105 = tpu.memref_squeeze %dma_start3A_104 : memref<1x40x128xi32, #tpu.memory_space<hbm>> -> memref<40x128xi32, #tpu.memory_space<hbm>>
      %dma_start3A_106 = arith.constant 0 : i32
      %dma_start3A_107 = arith.constant 0 : i32
      %dma_start3A_108 = tpu.memref_slice %arg3[%add3A, %dma_start3A_106, %dma_start3A_107] : memref<32x80x128xi32, #tpu.memory_space<hbm>> -> memref<1x40x128xi32, #tpu.memory_space<hbm>>
      %dma_start3A_109 = tpu.memref_squeeze %dma_start3A_108 : memref<1x40x128xi32, #tpu.memory_space<hbm>> -> memref<40x128xi32, #tpu.memory_space<hbm>>
      tpu.enqueue_dma source(%dma_start3A_109 : memref<40x128xi32, #tpu.memory_space<hbm>>) target(%arg6 : memref<40x128xi32, #tpu.memory_space<vmem>>) target_semaphore(%run_scoped3A_101 : memref<!tpu.dma_semaphore, #tpu.memory_space<semaphore_mem>>)
      %dma_wait3A_110 = arith.constant 0 : i32
      %dma_wait3A_111 = arith.constant 0 : i32
      %dma_wait3A_112 = tpu.memref_slice %arg3[%add3A, %dma_wait3A_110, %dma_wait3A_111] : memref<32x80x128xi32, #tpu.memory_space<hbm>> -> memref<1x40x128xi32, #tpu.memory_space<hbm>>
      %dma_wait3A_113 = tpu.memref_squeeze %dma_wait3A_112 : memref<1x40x128xi32, #tpu.memory_space<hbm>> -> memref<40x128xi32, #tpu.memory_space<hbm>>
      %dma_wait3A_114 = arith.constant 0 : i32
      %dma_wait3A_115 = arith.constant 0 : i32
      %dma_wait3A_116 = tpu.memref_slice %arg3[%add3A, %dma_wait3A_114, %dma_wait3A_115] : memref<32x80x128xi32, #tpu.memory_space<hbm>> -> memref<1x40x128xi32, #tpu.memory_space<hbm>>
      %dma_wait3A_117 = tpu.memref_squeeze %dma_wait3A_116 : memref<1x40x128xi32, #tpu.memory_space<hbm>> -> memref<40x128xi32, #tpu.memory_space<hbm>>
      tpu.wait_dma2 semaphore(%run_scoped3A_101 : memref<!tpu.dma_semaphore, #tpu.memory_space<semaphore_mem>>) src(%dma_wait3A_117 : memref<40x128xi32, #tpu.memory_space<hbm>>) dst(%arg6 : memref<40x128xi32, #tpu.memory_space<vmem>>)
      tpu.yield
    }) : () -> ()
    "tpu.region"() ({
      %run_scoped3A_101 = tpu.sem_alloc : memref<!tpu.dma_semaphore, #tpu.memory_space<semaphore_mem>>
      %dma_start3A_102 = arith.constant 0 : i32
      %dma_start3A_103 = arith.constant 0 : i32
      %dma_start3A_104 = tpu.memref_slice %arg4[%add3A, %dma_start3A_102, %dma_start3A_103] : memref<32x80x128xi32, #tpu.memory_space<hbm>> -> memref<1x40x128xi32, #tpu.memory_space<hbm>>
      %dma_start3A_105 = tpu.memref_squeeze %dma_start3A_104 : memref<1x40x128xi32, #tpu.memory_space<hbm>> -> memref<40x128xi32, #tpu.memory_space<hbm>>
      %dma_start3A_106 = arith.constant 0 : i32
      %dma_start3A_107 = arith.constant 0 : i32
      %dma_start3A_108 = tpu.memref_slice %arg4[%add3A, %dma_start3A_106, %dma_start3A_107] : memref<32x80x128xi32, #tpu.memory_space<hbm>> -> memref<1x40x128xi32, #tpu.memory_space<hbm>>
      %dma_start3A_109 = tpu.memref_squeeze %dma_start3A_108 : memref<1x40x128xi32, #tpu.memory_space<hbm>> -> memref<40x128xi32, #tpu.memory_space<hbm>>
      tpu.enqueue_dma source(%dma_start3A_109 : memref<40x128xi32, #tpu.memory_space<hbm>>) target(%arg7 : memref<40x128xi32, #tpu.memory_space<vmem>>) target_semaphore(%run_scoped3A_101 : memref<!tpu.dma_semaphore, #tpu.memory_space<semaphore_mem>>)
      %dma_wait3A_110 = arith.constant 0 : i32
      %dma_wait3A_111 = arith.constant 0 : i32
      %dma_wait3A_112 = tpu.memref_slice %arg4[%add3A, %dma_wait3A_110, %dma_wait3A_111] : memref<32x80x128xi32, #tpu.memory_space<hbm>> -> memref<1x40x128xi32, #tpu.memory_space<hbm>>
      %dma_wait3A_113 = tpu.memref_squeeze %dma_wait3A_112 : memref<1x40x128xi32, #tpu.memory_space<hbm>> -> memref<40x128xi32, #tpu.memory_space<hbm>>
      %dma_wait3A_114 = arith.constant 0 : i32
      %dma_wait3A_115 = arith.constant 0 : i32
      %dma_wait3A_116 = tpu.memref_slice %arg4[%add3A, %dma_wait3A_114, %dma_wait3A_115] : memref<32x80x128xi32, #tpu.memory_space<hbm>> -> memref<1x40x128xi32, #tpu.memory_space<hbm>>
      %dma_wait3A_117 = tpu.memref_squeeze %dma_wait3A_116 : memref<1x40x128xi32, #tpu.memory_space<hbm>> -> memref<40x128xi32, #tpu.memory_space<hbm>>
      tpu.wait_dma2 semaphore(%run_scoped3A_101 : memref<!tpu.dma_semaphore, #tpu.memory_space<semaphore_mem>>) src(%dma_wait3A_117 : memref<40x128xi32, #tpu.memory_space<hbm>>) dst(%arg7 : memref<40x128xi32, #tpu.memory_space<vmem>>)
      tpu.yield
    }) : () -> ()
    %dma_start3A = arith.constant 0 : i32
    %dma_start3A_27 = arith.constant 0 : i32
    %dma_start3A_28 = tpu.memref_slice %arg6[%dma_start3A, %dma_start3A_27] : memref<40x128xi32, #tpu.memory_space<vmem>> -> memref<1x128xi32, #tpu.memory_space<vmem>>
    %dma_start3A_29 = tpu.memref_squeeze %dma_start3A_28 : memref<1x128xi32, #tpu.memory_space<vmem>> -> memref<128xi32, #tpu.memory_space<vmem>>
    %dma_start3A_30 = arith.constant 0 : i32
    %dma_start3A_31 = arith.constant 0 : i32
    %dma_start3A_32 = tpu.memref_slice %arg2[%dma_start3A_30, %dma_start3A_31] : memref<10000x128xf32, #tpu.memory_space<hbm>> -> memref<10000x128xf32, #tpu.memory_space<hbm>>
    tpu.enqueue_indirect_dma source(%dma_start3A_32 : memref<10000x128xf32, #tpu.memory_space<hbm>>) target(%arg8 : memref<128x128xf32, #tpu.memory_space<vmem>>) offsets(%dma_start3A_29 : memref<128xi32, #tpu.memory_space<vmem>>) semaphore(%arg11 : memref<!tpu.dma_semaphore, #tpu.memory_space<semaphore_mem>>)
    %scan3A_33 = arith.constant 0 : i32
    %scan3A_34 = arith.constant 0 : i32
    %scan3A_35 = arith.constant 19 : i32
    %scan3A_36 = arith.addi %scan3A_34, %scan3A_35 : i32
    %scan3A_37 = arith.constant 1 : i32
    scf.for %scan3A_101 = %scan3A_34 to %scan3A_36 step %scan3A_37  : i32 {
      %mul3A_102 = arith.constant 2 : i32
      %mul3A_103 = arith.muli %mul3A_102, %scan3A_101 : i32
      %add3A_104 = arith.constant 1 : i32
      %add3A_105 = arith.addi %mul3A_103, %add3A_104 : i32
      %dma_start3A_106 = arith.constant 0 : i32
      %dma_start3A_107 = tpu.memref_slice %arg6[%add3A_105, %dma_start3A_106] : memref<40x128xi32, #tpu.memory_space<vmem>> -> memref<1x128xi32, #tpu.memory_space<vmem>>
      %dma_start3A_108 = tpu.memref_squeeze %dma_start3A_107 : memref<1x128xi32, #tpu.memory_space<vmem>> -> memref<128xi32, #tpu.memory_space<vmem>>
      %dma_start3A_109 = arith.constant 0 : i32
      %dma_start3A_110 = arith.constant 0 : i32
      %dma_start3A_111 = tpu.memref_slice %arg2[%dma_start3A_109, %dma_start3A_110] : memref<10000x128xf32, #tpu.memory_space<hbm>> -> memref<10000x128xf32, #tpu.memory_space<hbm>>
      tpu.enqueue_indirect_dma source(%dma_start3A_111 : memref<10000x128xf32, #tpu.memory_space<hbm>>) target(%arg9 : memref<128x128xf32, #tpu.memory_space<vmem>>) offsets(%dma_start3A_108 : memref<128xi32, #tpu.memory_space<vmem>>) semaphore(%arg12 : memref<!tpu.dma_semaphore, #tpu.memory_space<semaphore_mem>>)
      %dma_wait3A_112 = arith.constant 0 : i32
      %dma_wait3A_113 = tpu.memref_slice %arg6[%mul3A_103, %dma_wait3A_112] : memref<40x128xi32, #tpu.memory_space<vmem>> -> memref<1x128xi32, #tpu.memory_space<vmem>>
      %dma_wait3A_114 = tpu.memref_squeeze %dma_wait3A_113 : memref<1x128xi32, #tpu.memory_space<vmem>> -> memref<128xi32, #tpu.memory_space<vmem>>
      %dma_wait3A_115 = arith.constant 0 : i32
      %dma_wait3A_116 = arith.constant 0 : i32
      %dma_wait3A_117 = tpu.memref_slice %arg2[%dma_wait3A_115, %dma_wait3A_116] : memref<10000x128xf32, #tpu.memory_space<hbm>> -> memref<10000x128xf32, #tpu.memory_space<hbm>>
      tpu.wait_indirect_dma semaphore(%arg11 : memref<!tpu.dma_semaphore, #tpu.memory_space<semaphore_mem>>) src(%dma_wait3A_117 : memref<10000x128xf32, #tpu.memory_space<hbm>>) dst(%arg8 : memref<128x128xf32, #tpu.memory_space<vmem>>)
      "tpu.region"() ({
        %run_scoped3A_136 = tpu.sem_alloc : memref<!tpu.dma_semaphore, #tpu.memory_space<semaphore_mem>>
        %dma_start3A_137 = arith.constant 0 : i32
        %dma_start3A_138 = tpu.memref_slice %arg7[%mul3A_103, %dma_start3A_137] : memref<40x128xi32, #tpu.memory_space<vmem>> -> memref<1x128xi32, #tpu.memory_space<vmem>>
        %dma_start3A_139 = tpu.memref_squeeze %dma_start3A_138 : memref<1x128xi32, #tpu.memory_space<vmem>> -> memref<128xi32, #tpu.memory_space<vmem>>
        %dma_start3A_140 = arith.constant 0 : i32
        %dma_start3A_141 = arith.constant 0 : i32
        %dma_start3A_142 = tpu.memref_slice %arg10[%dma_start3A_140, %dma_start3A_141] : memref<10240x128xf32, #tpu.memory_space<vmem_shared>> -> memref<10240x128xf32, #tpu.memory_space<vmem_shared>>
        tpu.enqueue_indirect_dma source(%arg8 : memref<128x128xf32, #tpu.memory_space<vmem>>) target(%dma_start3A_142 : memref<10240x128xf32, #tpu.memory_space<vmem_shared>>) offsets(%dma_start3A_139 : memref<128xi32, #tpu.memory_space<vmem>>) semaphore(%run_scoped3A_136 : memref<!tpu.dma_semaphore, #tpu.memory_space<semaphore_mem>>) {add = true}
        %dma_wait3A_143 = arith.constant 0 : i32
        %dma_wait3A_144 = tpu.memref_slice %arg7[%mul3A_103, %dma_wait3A_143] : memref<40x128xi32, #tpu.memory_space<vmem>> -> memref<1x128xi32, #tpu.memory_space<vmem>>
        %dma_wait3A_145 = tpu.memref_squeeze %dma_wait3A_144 : memref<1x128xi32, #tpu.memory_space<vmem>> -> memref<128xi32, #tpu.memory_space<vmem>>
        %dma_wait3A_146 = arith.constant 0 : i32
        %dma_wait3A_147 = arith.constant 0 : i32
        %dma_wait3A_148 = tpu.memref_slice %arg10[%dma_wait3A_146, %dma_wait3A_147] : memref<10240x128xf32, #tpu.memory_space<vmem_shared>> -> memref<10240x128xf32, #tpu.memory_space<vmem_shared>>
        tpu.wait_indirect_dma semaphore(%run_scoped3A_136 : memref<!tpu.dma_semaphore, #tpu.memory_space<semaphore_mem>>) src(%arg8 : memref<128x128xf32, #tpu.memory_space<vmem>>) dst(%dma_wait3A_148 : memref<10240x128xf32, #tpu.memory_space<vmem_shared>>)
        tpu.yield
      }) : () -> ()
      %add3A_118 = arith.constant 2 : i32
      %add3A_119 = arith.addi %mul3A_103, %add3A_118 : i32
      %dma_start3A_120 = arith.constant 0 : i32
      %dma_start3A_121 = tpu.memref_slice %arg6[%add3A_119, %dma_start3A_120] : memref<40x128xi32, #tpu.memory_space<vmem>> -> memref<1x128xi32, #tpu.memory_space<vmem>>
      %dma_start3A_122 = tpu.memref_squeeze %dma_start3A_121 : memref<1x128xi32, #tpu.memory_space<vmem>> -> memref<128xi32, #tpu.memory_space<vmem>>
      %dma_start3A_123 = arith.constant 0 : i32
      %dma_start3A_124 = arith.constant 0 : i32
      %dma_start3A_125 = tpu.memref_slice %arg2[%dma_start3A_123, %dma_start3A_124] : memref<10000x128xf32, #tpu.memory_space<hbm>> -> memref<10000x128xf32, #tpu.memory_space<hbm>>
      tpu.enqueue_indirect_dma source(%dma_start3A_125 : memref<10000x128xf32, #tpu.memory_space<hbm>>) target(%arg8 : memref<128x128xf32, #tpu.memory_space<vmem>>) offsets(%dma_start3A_122 : memref<128xi32, #tpu.memory_space<vmem>>) semaphore(%arg11 : memref<!tpu.dma_semaphore, #tpu.memory_space<semaphore_mem>>)
      %add3A_126 = arith.constant 1 : i32
      %add3A_127 = arith.addi %mul3A_103, %add3A_126 : i32
      %dma_wait3A_128 = arith.constant 0 : i32
      %dma_wait3A_129 = tpu.memref_slice %arg6[%add3A_127, %dma_wait3A_128] : memref<40x128xi32, #tpu.memory_space<vmem>> -> memref<1x128xi32, #tpu.memory_space<vmem>>
      %dma_wait3A_130 = tpu.memref_squeeze %dma_wait3A_129 : memref<1x128xi32, #tpu.memory_space<vmem>> -> memref<128xi32, #tpu.memory_space<vmem>>
      %dma_wait3A_131 = arith.constant 0 : i32
      %dma_wait3A_132 = arith.constant 0 : i32
      %dma_wait3A_133 = tpu.memref_slice %arg2[%dma_wait3A_131, %dma_wait3A_132] : memref<10000x128xf32, #tpu.memory_space<hbm>> -> memref<10000x128xf32, #tpu.memory_space<hbm>>
      tpu.wait_indirect_dma semaphore(%arg12 : memref<!tpu.dma_semaphore, #tpu.memory_space<semaphore_mem>>) src(%dma_wait3A_133 : memref<10000x128xf32, #tpu.memory_space<hbm>>) dst(%arg9 : memref<128x128xf32, #tpu.memory_space<vmem>>)
      %add3A_134 = arith.constant 1 : i32
      %add3A_135 = arith.addi %mul3A_103, %add3A_134 : i32
      "tpu.region"() ({
        %run_scoped3A_136 = tpu.sem_alloc : memref<!tpu.dma_semaphore, #tpu.memory_space<semaphore_mem>>
        %dma_start3A_137 = arith.constant 0 : i32
        %dma_start3A_138 = tpu.memref_slice %arg7[%add3A_135, %dma_start3A_137] : memref<40x128xi32, #tpu.memory_space<vmem>> -> memref<1x128xi32, #tpu.memory_space<vmem>>
        %dma_start3A_139 = tpu.memref_squeeze %dma_start3A_138 : memref<1x128xi32, #tpu.memory_space<vmem>> -> memref<128xi32, #tpu.memory_space<vmem>>
        %dma_start3A_140 = arith.constant 0 : i32
        %dma_start3A_141 = arith.constant 0 : i32
        %dma_start3A_142 = tpu.memref_slice %arg10[%dma_start3A_140, %dma_start3A_141] : memref<10240x128xf32, #tpu.memory_space<vmem_shared>> -> memref<10240x128xf32, #tpu.memory_space<vmem_shared>>
        tpu.enqueue_indirect_dma source(%arg9 : memref<128x128xf32, #tpu.memory_space<vmem>>) target(%dma_start3A_142 : memref<10240x128xf32, #tpu.memory_space<vmem_shared>>) offsets(%dma_start3A_139 : memref<128xi32, #tpu.memory_space<vmem>>) semaphore(%run_scoped3A_136 : memref<!tpu.dma_semaphore, #tpu.memory_space<semaphore_mem>>) {add = true}
        %dma_wait3A_143 = arith.constant 0 : i32
        %dma_wait3A_144 = tpu.memref_slice %arg7[%add3A_135, %dma_wait3A_143] : memref<40x128xi32, #tpu.memory_space<vmem>> -> memref<1x128xi32, #tpu.memory_space<vmem>>
        %dma_wait3A_145 = tpu.memref_squeeze %dma_wait3A_144 : memref<1x128xi32, #tpu.memory_space<vmem>> -> memref<128xi32, #tpu.memory_space<vmem>>
        %dma_wait3A_146 = arith.constant 0 : i32
        %dma_wait3A_147 = arith.constant 0 : i32
        %dma_wait3A_148 = tpu.memref_slice %arg10[%dma_wait3A_146, %dma_wait3A_147] : memref<10240x128xf32, #tpu.memory_space<vmem_shared>> -> memref<10240x128xf32, #tpu.memory_space<vmem_shared>>
        tpu.wait_indirect_dma semaphore(%run_scoped3A_136 : memref<!tpu.dma_semaphore, #tpu.memory_space<semaphore_mem>>) src(%arg9 : memref<128x128xf32, #tpu.memory_space<vmem>>) dst(%dma_wait3A_148 : memref<10240x128xf32, #tpu.memory_space<vmem_shared>>)
        tpu.yield
      }) : () -> ()
    }
    %scan3A_38 = arith.constant 19 : i32
    %dma_start3A_39 = arith.constant 39 : i32
    %dma_start3A_40 = arith.constant 0 : i32
    %dma_start3A_41 = tpu.memref_slice %arg6[%dma_start3A_39, %dma_start3A_40] : memref<40x128xi32, #tpu.memory_space<vmem>> -> memref<1x128xi32, #tpu.memory_space<vmem>>
    %dma_start3A_42 = tpu.memref_squeeze %dma_start3A_41 : memref<1x128xi32, #tpu.memory_space<vmem>> -> memref<128xi32, #tpu.memory_space<vmem>>
    %dma_start3A_43 = arith.constant 0 : i32
    %dma_start3A_44 = arith.constant 0 : i32
    %dma_start3A_45 = tpu.memref_slice %arg2[%dma_start3A_43, %dma_start3A_44] : memref<10000x128xf32, #tpu.memory_space<hbm>> -> memref<10000x128xf32, #tpu.memory_space<hbm>>
    tpu.enqueue_indirect_dma source(%dma_start3A_45 : memref<10000x128xf32, #tpu.memory_space<hbm>>) target(%arg9 : memref<128x128xf32, #tpu.memory_space<vmem>>) offsets(%dma_start3A_42 : memref<128xi32, #tpu.memory_space<vmem>>) semaphore(%arg12 : memref<!tpu.dma_semaphore, #tpu.memory_space<semaphore_mem>>)
    %dma_wait3A = arith.constant 38 : i32
    %dma_wait3A_46 = arith.constant 0 : i32
    %dma_wait3A_47 = tpu.memref_slice %arg6[%dma_wait3A, %dma_wait3A_46] : memref<40x128xi32, #tpu.memory_space<vmem>> -> memref<1x128xi32, #tpu.memory_space<vmem>>
    %dma_wait3A_48 = tpu.memref_squeeze %dma_wait3A_47 : memref<1x128xi32, #tpu.memory_space<vmem>> -> memref<128xi32, #tpu.memory_space<vmem>>
    %dma_wait3A_49 = arith.constant 0 : i32
    %dma_wait3A_50 = arith.constant 0 : i32
    %dma_wait3A_51 = tpu.memref_slice %arg2[%dma_wait3A_49, %dma_wait3A_50] : memref<10000x128xf32, #tpu.memory_space<hbm>> -> memref<10000x128xf32, #tpu.memory_space<hbm>>
    tpu.wait_indirect_dma semaphore(%arg11 : memref<!tpu.dma_semaphore, #tpu.memory_space<semaphore_mem>>) src(%dma_wait3A_51 : memref<10000x128xf32, #tpu.memory_space<hbm>>) dst(%arg8 : memref<128x128xf32, #tpu.memory_space<vmem>>)
    %run_scoped3A = arith.constant 38 : i32
    "tpu.region"() ({
      %run_scoped3A_101 = tpu.sem_alloc : memref<!tpu.dma_semaphore, #tpu.memory_space<semaphore_mem>>
      %dma_start3A_102 = arith.constant 0 : i32
      %dma_start3A_103 = tpu.memref_slice %arg7[%run_scoped3A, %dma_start3A_102] : memref<40x128xi32, #tpu.memory_space<vmem>> -> memref<1x128xi32, #tpu.memory_space<vmem>>
      %dma_start3A_104 = tpu.memref_squeeze %dma_start3A_103 : memref<1x128xi32, #tpu.memory_space<vmem>> -> memref<128xi32, #tpu.memory_space<vmem>>
      %dma_start3A_105 = arith.constant 0 : i32
      %dma_start3A_106 = arith.constant 0 : i32
      %dma_start3A_107 = tpu.memref_slice %arg10[%dma_start3A_105, %dma_start3A_106] : memref<10240x128xf32, #tpu.memory_space<vmem_shared>> -> memref<10240x128xf32, #tpu.memory_space<vmem_shared>>
      tpu.enqueue_indirect_dma source(%arg8 : memref<128x128xf32, #tpu.memory_space<vmem>>) target(%dma_start3A_107 : memref<10240x128xf32, #tpu.memory_space<vmem_shared>>) offsets(%dma_start3A_104 : memref<128xi32, #tpu.memory_space<vmem>>) semaphore(%run_scoped3A_101 : memref<!tpu.dma_semaphore, #tpu.memory_space<semaphore_mem>>) {add = true}
      %dma_wait3A_108 = arith.constant 0 : i32
      %dma_wait3A_109 = tpu.memref_slice %arg7[%run_scoped3A, %dma_wait3A_108] : memref<40x128xi32, #tpu.memory_space<vmem>> -> memref<1x128xi32, #tpu.memory_space<vmem>>
      %dma_wait3A_110 = tpu.memref_squeeze %dma_wait3A_109 : memref<1x128xi32, #tpu.memory_space<vmem>> -> memref<128xi32, #tpu.memory_space<vmem>>
      %dma_wait3A_111 = arith.constant 0 : i32
      %dma_wait3A_112 = arith.constant 0 : i32
      %dma_wait3A_113 = tpu.memref_slice %arg10[%dma_wait3A_111, %dma_wait3A_112] : memref<10240x128xf32, #tpu.memory_space<vmem_shared>> -> memref<10240x128xf32, #tpu.memory_space<vmem_shared>>
      tpu.wait_indirect_dma semaphore(%run_scoped3A_101 : memref<!tpu.dma_semaphore, #tpu.memory_space<semaphore_mem>>) src(%arg8 : memref<128x128xf32, #tpu.memory_space<vmem>>) dst(%dma_wait3A_113 : memref<10240x128xf32, #tpu.memory_space<vmem_shared>>)
      tpu.yield
    }) : () -> ()
    %dma_wait3A_52 = arith.constant 39 : i32
    %dma_wait3A_53 = arith.constant 0 : i32
    %dma_wait3A_54 = tpu.memref_slice %arg6[%dma_wait3A_52, %dma_wait3A_53] : memref<40x128xi32, #tpu.memory_space<vmem>> -> memref<1x128xi32, #tpu.memory_space<vmem>>
    %dma_wait3A_55 = tpu.memref_squeeze %dma_wait3A_54 : memref<1x128xi32, #tpu.memory_space<vmem>> -> memref<128xi32, #tpu.memory_space<vmem>>
    %dma_wait3A_56 = arith.constant 0 : i32
    %dma_wait3A_57 = arith.constant 0 : i32
    %dma_wait3A_58 = tpu.memref_slice %arg2[%dma_wait3A_56, %dma_wait3A_57] : memref<10000x128xf32, #tpu.memory_space<hbm>> -> memref<10000x128xf32, #tpu.memory_space<hbm>>
    tpu.wait_indirect_dma semaphore(%arg12 : memref<!tpu.dma_semaphore, #tpu.memory_space<semaphore_mem>>) src(%dma_wait3A_58 : memref<10000x128xf32, #tpu.memory_space<hbm>>) dst(%arg9 : memref<128x128xf32, #tpu.memory_space<vmem>>)
    %run_scoped3A_59 = arith.constant 39 : i32
    "tpu.region"() ({
      %run_scoped3A_101 = tpu.sem_alloc : memref<!tpu.dma_semaphore, #tpu.memory_space<semaphore_mem>>
      %dma_start3A_102 = arith.constant 0 : i32
      %dma_start3A_103 = tpu.memref_slice %arg7[%run_scoped3A_59, %dma_start3A_102] : memref<40x128xi32, #tpu.memory_space<vmem>> -> memref<1x128xi32, #tpu.memory_space<vmem>>
      %dma_start3A_104 = tpu.memref_squeeze %dma_start3A_103 : memref<1x128xi32, #tpu.memory_space<vmem>> -> memref<128xi32, #tpu.memory_space<vmem>>
      %dma_start3A_105 = arith.constant 0 : i32
      %dma_start3A_106 = arith.constant 0 : i32
      %dma_start3A_107 = tpu.memref_slice %arg10[%dma_start3A_105, %dma_start3A_106] : memref<10240x128xf32, #tpu.memory_space<vmem_shared>> -> memref<10240x128xf32, #tpu.memory_space<vmem_shared>>
      tpu.enqueue_indirect_dma source(%arg9 : memref<128x128xf32, #tpu.memory_space<vmem>>) target(%dma_start3A_107 : memref<10240x128xf32, #tpu.memory_space<vmem_shared>>) offsets(%dma_start3A_104 : memref<128xi32, #tpu.memory_space<vmem>>) semaphore(%run_scoped3A_101 : memref<!tpu.dma_semaphore, #tpu.memory_space<semaphore_mem>>) {add = true}
      %dma_wait3A_108 = arith.constant 0 : i32
      %dma_wait3A_109 = tpu.memref_slice %arg7[%run_scoped3A_59, %dma_wait3A_108] : memref<40x128xi32, #tpu.memory_space<vmem>> -> memref<1x128xi32, #tpu.memory_space<vmem>>
      %dma_wait3A_110 = tpu.memref_squeeze %dma_wait3A_109 : memref<1x128xi32, #tpu.memory_space<vmem>> -> memref<128xi32, #tpu.memory_space<vmem>>
      %dma_wait3A_111 = arith.constant 0 : i32
      %dma_wait3A_112 = arith.constant 0 : i32
      %dma_wait3A_113 = tpu.memref_slice %arg10[%dma_wait3A_111, %dma_wait3A_112] : memref<10240x128xf32, #tpu.memory_space<vmem_shared>> -> memref<10240x128xf32, #tpu.memory_space<vmem_shared>>
      tpu.wait_indirect_dma semaphore(%run_scoped3A_101 : memref<!tpu.dma_semaphore, #tpu.memory_space<semaphore_mem>>) src(%arg9 : memref<128x128xf32, #tpu.memory_space<vmem>>) dst(%dma_wait3A_113 : memref<10240x128xf32, #tpu.memory_space<vmem_shared>>)
      tpu.yield
    }) : () -> ()
    "tpu.region"() ({
      %run_scoped3A_101 = tpu.sem_alloc : memref<!tpu.dma_semaphore, #tpu.memory_space<semaphore_mem>>
      %dma_start3A_102 = arith.constant 40 : i32
      %dma_start3A_103 = arith.constant 0 : i32
      %dma_start3A_104 = tpu.memref_slice %arg3[%add3A, %dma_start3A_102, %dma_start3A_103] : memref<32x80x128xi32, #tpu.memory_space<hbm>> -> memref<1x40x128xi32, #tpu.memory_space<hbm>>
      %dma_start3A_105 = tpu.memref_squeeze %dma_start3A_104 : memref<1x40x128xi32, #tpu.memory_space<hbm>> -> memref<40x128xi32, #tpu.memory_space<hbm>>
      %dma_start3A_106 = arith.constant 40 : i32
      %dma_start3A_107 = arith.constant 0 : i32
      %dma_start3A_108 = tpu.memref_slice %arg3[%add3A, %dma_start3A_106, %dma_start3A_107] : memref<32x80x128xi32, #tpu.memory_space<hbm>> -> memref<1x40x128xi32, #tpu.memory_space<hbm>>
      %dma_start3A_109 = tpu.memref_squeeze %dma_start3A_108 : memref<1x40x128xi32, #tpu.memory_space<hbm>> -> memref<40x128xi32, #tpu.memory_space<hbm>>
      tpu.enqueue_dma source(%dma_start3A_109 : memref<40x128xi32, #tpu.memory_space<hbm>>) target(%arg6 : memref<40x128xi32, #tpu.memory_space<vmem>>) target_semaphore(%run_scoped3A_101 : memref<!tpu.dma_semaphore, #tpu.memory_space<semaphore_mem>>)
      %dma_wait3A_110 = arith.constant 40 : i32
      %dma_wait3A_111 = arith.constant 0 : i32
      %dma_wait3A_112 = tpu.memref_slice %arg3[%add3A, %dma_wait3A_110, %dma_wait3A_111] : memref<32x80x128xi32, #tpu.memory_space<hbm>> -> memref<1x40x128xi32, #tpu.memory_space<hbm>>
      %dma_wait3A_113 = tpu.memref_squeeze %dma_wait3A_112 : memref<1x40x128xi32, #tpu.memory_space<hbm>> -> memref<40x128xi32, #tpu.memory_space<hbm>>
      %dma_wait3A_114 = arith.constant 40 : i32
      %dma_wait3A_115 = arith.constant 0 : i32
      %dma_wait3A_116 = tpu.memref_slice %arg3[%add3A, %dma_wait3A_114, %dma_wait3A_115] : memref<32x80x128xi32, #tpu.memory_space<hbm>> -> memref<1x40x128xi32, #tpu.memory_space<hbm>>
      %dma_wait3A_117 = tpu.memref_squeeze %dma_wait3A_116 : memref<1x40x128xi32, #tpu.memory_space<hbm>> -> memref<40x128xi32, #tpu.memory_space<hbm>>
      tpu.wait_dma2 semaphore(%run_scoped3A_101 : memref<!tpu.dma_semaphore, #tpu.memory_space<semaphore_mem>>) src(%dma_wait3A_117 : memref<40x128xi32, #tpu.memory_space<hbm>>) dst(%arg6 : memref<40x128xi32, #tpu.memory_space<vmem>>)
      tpu.yield
    }) : () -> ()
    "tpu.region"() ({
      %run_scoped3A_101 = tpu.sem_alloc : memref<!tpu.dma_semaphore, #tpu.memory_space<semaphore_mem>>
      %dma_start3A_102 = arith.constant 40 : i32
      %dma_start3A_103 = arith.constant 0 : i32
      %dma_start3A_104 = tpu.memref_slice %arg4[%add3A, %dma_start3A_102, %dma_start3A_103] : memref<32x80x128xi32, #tpu.memory_space<hbm>> -> memref<1x40x128xi32, #tpu.memory_space<hbm>>
      %dma_start3A_105 = tpu.memref_squeeze %dma_start3A_104 : memref<1x40x128xi32, #tpu.memory_space<hbm>> -> memref<40x128xi32, #tpu.memory_space<hbm>>
      %dma_start3A_106 = arith.constant 40 : i32
      %dma_start3A_107 = arith.constant 0 : i32
      %dma_start3A_108 = tpu.memref_slice %arg4[%add3A, %dma_start3A_106, %dma_start3A_107] : memref<32x80x128xi32, #tpu.memory_space<hbm>> -> memref<1x40x128xi32, #tpu.memory_space<hbm>>
      %dma_start3A_109 = tpu.memref_squeeze %dma_start3A_108 : memref<1x40x128xi32, #tpu.memory_space<hbm>> -> memref<40x128xi32, #tpu.memory_space<hbm>>
      tpu.enqueue_dma source(%dma_start3A_109 : memref<40x128xi32, #tpu.memory_space<hbm>>) target(%arg7 : memref<40x128xi32, #tpu.memory_space<vmem>>) target_semaphore(%run_scoped3A_101 : memref<!tpu.dma_semaphore, #tpu.memory_space<semaphore_mem>>)
      %dma_wait3A_110 = arith.constant 40 : i32
      %dma_wait3A_111 = arith.constant 0 : i32
      %dma_wait3A_112 = tpu.memref_slice %arg4[%add3A, %dma_wait3A_110, %dma_wait3A_111] : memref<32x80x128xi32, #tpu.memory_space<hbm>> -> memref<1x40x128xi32, #tpu.memory_space<hbm>>
      %dma_wait3A_113 = tpu.memref_squeeze %dma_wait3A_112 : memref<1x40x128xi32, #tpu.memory_space<hbm>> -> memref<40x128xi32, #tpu.memory_space<hbm>>
      %dma_wait3A_114 = arith.constant 40 : i32
      %dma_wait3A_115 = arith.constant 0 : i32
      %dma_wait3A_116 = tpu.memref_slice %arg4[%add3A, %dma_wait3A_114, %dma_wait3A_115] : memref<32x80x128xi32, #tpu.memory_space<hbm>> -> memref<1x40x128xi32, #tpu.memory_space<hbm>>
      %dma_wait3A_117 = tpu.memref_squeeze %dma_wait3A_116 : memref<1x40x128xi32, #tpu.memory_space<hbm>> -> memref<40x128xi32, #tpu.memory_space<hbm>>
      tpu.wait_dma2 semaphore(%run_scoped3A_101 : memref<!tpu.dma_semaphore, #tpu.memory_space<semaphore_mem>>) src(%dma_wait3A_117 : memref<40x128xi32, #tpu.memory_space<hbm>>) dst(%arg7 : memref<40x128xi32, #tpu.memory_space<vmem>>)
      tpu.yield
    }) : () -> ()
    %dma_start3A_60 = arith.constant 0 : i32
    %dma_start3A_61 = arith.constant 0 : i32
    %dma_start3A_62 = tpu.memref_slice %arg6[%dma_start3A_60, %dma_start3A_61] : memref<40x128xi32, #tpu.memory_space<vmem>> -> memref<1x128xi32, #tpu.memory_space<vmem>>
    %dma_start3A_63 = tpu.memref_squeeze %dma_start3A_62 : memref<1x128xi32, #tpu.memory_space<vmem>> -> memref<128xi32, #tpu.memory_space<vmem>>
    %dma_start3A_64 = arith.constant 0 : i32
    %dma_start3A_65 = arith.constant 0 : i32
    %dma_start3A_66 = tpu.memref_slice %arg2[%dma_start3A_64, %dma_start3A_65] : memref<10000x128xf32, #tpu.memory_space<hbm>> -> memref<10000x128xf32, #tpu.memory_space<hbm>>
    tpu.enqueue_indirect_dma source(%dma_start3A_66 : memref<10000x128xf32, #tpu.memory_space<hbm>>) target(%arg8 : memref<128x128xf32, #tpu.memory_space<vmem>>) offsets(%dma_start3A_63 : memref<128xi32, #tpu.memory_space<vmem>>) semaphore(%arg11 : memref<!tpu.dma_semaphore, #tpu.memory_space<semaphore_mem>>)
    %scan3A_67 = arith.constant 0 : i32
    %scan3A_68 = arith.constant 0 : i32
    %scan3A_69 = arith.constant 19 : i32
    %scan3A_70 = arith.addi %scan3A_68, %scan3A_69 : i32
    %scan3A_71 = arith.constant 1 : i32
    scf.for %scan3A_101 = %scan3A_68 to %scan3A_70 step %scan3A_71  : i32 {
      %mul3A_102 = arith.constant 2 : i32
      %mul3A_103 = arith.muli %mul3A_102, %scan3A_101 : i32
      %add3A_104 = arith.constant 1 : i32
      %add3A_105 = arith.addi %mul3A_103, %add3A_104 : i32
      %dma_start3A_106 = arith.constant 0 : i32
      %dma_start3A_107 = tpu.memref_slice %arg6[%add3A_105, %dma_start3A_106] : memref<40x128xi32, #tpu.memory_space<vmem>> -> memref<1x128xi32, #tpu.memory_space<vmem>>
      %dma_start3A_108 = tpu.memref_squeeze %dma_start3A_107 : memref<1x128xi32, #tpu.memory_space<vmem>> -> memref<128xi32, #tpu.memory_space<vmem>>
      %dma_start3A_109 = arith.constant 0 : i32
      %dma_start3A_110 = arith.constant 0 : i32
      %dma_start3A_111 = tpu.memref_slice %arg2[%dma_start3A_109, %dma_start3A_110] : memref<10000x128xf32, #tpu.memory_space<hbm>> -> memref<10000x128xf32, #tpu.memory_space<hbm>>
      tpu.enqueue_indirect_dma source(%dma_start3A_111 : memref<10000x128xf32, #tpu.memory_space<hbm>>) target(%arg9 : memref<128x128xf32, #tpu.memory_space<vmem>>) offsets(%dma_start3A_108 : memref<128xi32, #tpu.memory_space<vmem>>) semaphore(%arg12 : memref<!tpu.dma_semaphore, #tpu.memory_space<semaphore_mem>>)
      %dma_wait3A_112 = arith.constant 0 : i32
      %dma_wait3A_113 = tpu.memref_slice %arg6[%mul3A_103, %dma_wait3A_112] : memref<40x128xi32, #tpu.memory_space<vmem>> -> memref<1x128xi32, #tpu.memory_space<vmem>>
      %dma_wait3A_114 = tpu.memref_squeeze %dma_wait3A_113 : memref<1x128xi32, #tpu.memory_space<vmem>> -> memref<128xi32, #tpu.memory_space<vmem>>
      %dma_wait3A_115 = arith.constant 0 : i32
      %dma_wait3A_116 = arith.constant 0 : i32
      %dma_wait3A_117 = tpu.memref_slice %arg2[%dma_wait3A_115, %dma_wait3A_116] : memref<10000x128xf32, #tpu.memory_space<hbm>> -> memref<10000x128xf32, #tpu.memory_space<hbm>>
      tpu.wait_indirect_dma semaphore(%arg11 : memref<!tpu.dma_semaphore, #tpu.memory_space<semaphore_mem>>) src(%dma_wait3A_117 : memref<10000x128xf32, #tpu.memory_space<hbm>>) dst(%arg8 : memref<128x128xf32, #tpu.memory_space<vmem>>)
      "tpu.region"() ({
        %run_scoped3A_136 = tpu.sem_alloc : memref<!tpu.dma_semaphore, #tpu.memory_space<semaphore_mem>>
        %dma_start3A_137 = arith.constant 0 : i32
        %dma_start3A_138 = tpu.memref_slice %arg7[%mul3A_103, %dma_start3A_137] : memref<40x128xi32, #tpu.memory_space<vmem>> -> memref<1x128xi32, #tpu.memory_space<vmem>>
        %dma_start3A_139 = tpu.memref_squeeze %dma_start3A_138 : memref<1x128xi32, #tpu.memory_space<vmem>> -> memref<128xi32, #tpu.memory_space<vmem>>
        %dma_start3A_140 = arith.constant 0 : i32
        %dma_start3A_141 = arith.constant 0 : i32
        %dma_start3A_142 = tpu.memref_slice %arg10[%dma_start3A_140, %dma_start3A_141] : memref<10240x128xf32, #tpu.memory_space<vmem_shared>> -> memref<10240x128xf32, #tpu.memory_space<vmem_shared>>
        tpu.enqueue_indirect_dma source(%arg8 : memref<128x128xf32, #tpu.memory_space<vmem>>) target(%dma_start3A_142 : memref<10240x128xf32, #tpu.memory_space<vmem_shared>>) offsets(%dma_start3A_139 : memref<128xi32, #tpu.memory_space<vmem>>) semaphore(%run_scoped3A_136 : memref<!tpu.dma_semaphore, #tpu.memory_space<semaphore_mem>>) {add = true}
        %dma_wait3A_143 = arith.constant 0 : i32
        %dma_wait3A_144 = tpu.memref_slice %arg7[%mul3A_103, %dma_wait3A_143] : memref<40x128xi32, #tpu.memory_space<vmem>> -> memref<1x128xi32, #tpu.memory_space<vmem>>
        %dma_wait3A_145 = tpu.memref_squeeze %dma_wait3A_144 : memref<1x128xi32, #tpu.memory_space<vmem>> -> memref<128xi32, #tpu.memory_space<vmem>>
        %dma_wait3A_146 = arith.constant 0 : i32
        %dma_wait3A_147 = arith.constant 0 : i32
        %dma_wait3A_148 = tpu.memref_slice %arg10[%dma_wait3A_146, %dma_wait3A_147] : memref<10240x128xf32, #tpu.memory_space<vmem_shared>> -> memref<10240x128xf32, #tpu.memory_space<vmem_shared>>
        tpu.wait_indirect_dma semaphore(%run_scoped3A_136 : memref<!tpu.dma_semaphore, #tpu.memory_space<semaphore_mem>>) src(%arg8 : memref<128x128xf32, #tpu.memory_space<vmem>>) dst(%dma_wait3A_148 : memref<10240x128xf32, #tpu.memory_space<vmem_shared>>)
        tpu.yield
      }) : () -> ()
      %add3A_118 = arith.constant 2 : i32
      %add3A_119 = arith.addi %mul3A_103, %add3A_118 : i32
      %dma_start3A_120 = arith.constant 0 : i32
      %dma_start3A_121 = tpu.memref_slice %arg6[%add3A_119, %dma_start3A_120] : memref<40x128xi32, #tpu.memory_space<vmem>> -> memref<1x128xi32, #tpu.memory_space<vmem>>
      %dma_start3A_122 = tpu.memref_squeeze %dma_start3A_121 : memref<1x128xi32, #tpu.memory_space<vmem>> -> memref<128xi32, #tpu.memory_space<vmem>>
      %dma_start3A_123 = arith.constant 0 : i32
      %dma_start3A_124 = arith.constant 0 : i32
      %dma_start3A_125 = tpu.memref_slice %arg2[%dma_start3A_123, %dma_start3A_124] : memref<10000x128xf32, #tpu.memory_space<hbm>> -> memref<10000x128xf32, #tpu.memory_space<hbm>>
      tpu.enqueue_indirect_dma source(%dma_start3A_125 : memref<10000x128xf32, #tpu.memory_space<hbm>>) target(%arg8 : memref<128x128xf32, #tpu.memory_space<vmem>>) offsets(%dma_start3A_122 : memref<128xi32, #tpu.memory_space<vmem>>) semaphore(%arg11 : memref<!tpu.dma_semaphore, #tpu.memory_space<semaphore_mem>>)
      %add3A_126 = arith.constant 1 : i32
      %add3A_127 = arith.addi %mul3A_103, %add3A_126 : i32
      %dma_wait3A_128 = arith.constant 0 : i32
      %dma_wait3A_129 = tpu.memref_slice %arg6[%add3A_127, %dma_wait3A_128] : memref<40x128xi32, #tpu.memory_space<vmem>> -> memref<1x128xi32, #tpu.memory_space<vmem>>
      %dma_wait3A_130 = tpu.memref_squeeze %dma_wait3A_129 : memref<1x128xi32, #tpu.memory_space<vmem>> -> memref<128xi32, #tpu.memory_space<vmem>>
      %dma_wait3A_131 = arith.constant 0 : i32
      %dma_wait3A_132 = arith.constant 0 : i32
      %dma_wait3A_133 = tpu.memref_slice %arg2[%dma_wait3A_131, %dma_wait3A_132] : memref<10000x128xf32, #tpu.memory_space<hbm>> -> memref<10000x128xf32, #tpu.memory_space<hbm>>
      tpu.wait_indirect_dma semaphore(%arg12 : memref<!tpu.dma_semaphore, #tpu.memory_space<semaphore_mem>>) src(%dma_wait3A_133 : memref<10000x128xf32, #tpu.memory_space<hbm>>) dst(%arg9 : memref<128x128xf32, #tpu.memory_space<vmem>>)
      %add3A_134 = arith.constant 1 : i32
      %add3A_135 = arith.addi %mul3A_103, %add3A_134 : i32
      "tpu.region"() ({
        %run_scoped3A_136 = tpu.sem_alloc : memref<!tpu.dma_semaphore, #tpu.memory_space<semaphore_mem>>
        %dma_start3A_137 = arith.constant 0 : i32
        %dma_start3A_138 = tpu.memref_slice %arg7[%add3A_135, %dma_start3A_137] : memref<40x128xi32, #tpu.memory_space<vmem>> -> memref<1x128xi32, #tpu.memory_space<vmem>>
        %dma_start3A_139 = tpu.memref_squeeze %dma_start3A_138 : memref<1x128xi32, #tpu.memory_space<vmem>> -> memref<128xi32, #tpu.memory_space<vmem>>
        %dma_start3A_140 = arith.constant 0 : i32
        %dma_start3A_141 = arith.constant 0 : i32
        %dma_start3A_142 = tpu.memref_slice %arg10[%dma_start3A_140, %dma_start3A_141] : memref<10240x128xf32, #tpu.memory_space<vmem_shared>> -> memref<10240x128xf32, #tpu.memory_space<vmem_shared>>
        tpu.enqueue_indirect_dma source(%arg9 : memref<128x128xf32, #tpu.memory_space<vmem>>) target(%dma_start3A_142 : memref<10240x128xf32, #tpu.memory_space<vmem_shared>>) offsets(%dma_start3A_139 : memref<128xi32, #tpu.memory_space<vmem>>) semaphore(%run_scoped3A_136 : memref<!tpu.dma_semaphore, #tpu.memory_space<semaphore_mem>>) {add = true}
        %dma_wait3A_143 = arith.constant 0 : i32
        %dma_wait3A_144 = tpu.memref_slice %arg7[%add3A_135, %dma_wait3A_143] : memref<40x128xi32, #tpu.memory_space<vmem>> -> memref<1x128xi32, #tpu.memory_space<vmem>>
        %dma_wait3A_145 = tpu.memref_squeeze %dma_wait3A_144 : memref<1x128xi32, #tpu.memory_space<vmem>> -> memref<128xi32, #tpu.memory_space<vmem>>
        %dma_wait3A_146 = arith.constant 0 : i32
        %dma_wait3A_147 = arith.constant 0 : i32
        %dma_wait3A_148 = tpu.memref_slice %arg10[%dma_wait3A_146, %dma_wait3A_147] : memref<10240x128xf32, #tpu.memory_space<vmem_shared>> -> memref<10240x128xf32, #tpu.memory_space<vmem_shared>>
        tpu.wait_indirect_dma semaphore(%run_scoped3A_136 : memref<!tpu.dma_semaphore, #tpu.memory_space<semaphore_mem>>) src(%arg9 : memref<128x128xf32, #tpu.memory_space<vmem>>) dst(%dma_wait3A_148 : memref<10240x128xf32, #tpu.memory_space<vmem_shared>>)
        tpu.yield
      }) : () -> ()
    }
    %scan3A_72 = arith.constant 19 : i32
    %dma_start3A_73 = arith.constant 39 : i32
    %dma_start3A_74 = arith.constant 0 : i32
    %dma_start3A_75 = tpu.memref_slice %arg6[%dma_start3A_73, %dma_start3A_74] : memref<40x128xi32, #tpu.memory_space<vmem>> -> memref<1x128xi32, #tpu.memory_space<vmem>>
    %dma_start3A_76 = tpu.memref_squeeze %dma_start3A_75 : memref<1x128xi32, #tpu.memory_space<vmem>> -> memref<128xi32, #tpu.memory_space<vmem>>
    %dma_start3A_77 = arith.constant 0 : i32
    %dma_start3A_78 = arith.constant 0 : i32
    %dma_start3A_79 = tpu.memref_slice %arg2[%dma_start3A_77, %dma_start3A_78] : memref<10000x128xf32, #tpu.memory_space<hbm>> -> memref<10000x128xf32, #tpu.memory_space<hbm>>
    tpu.enqueue_indirect_dma source(%dma_start3A_79 : memref<10000x128xf32, #tpu.memory_space<hbm>>) target(%arg9 : memref<128x128xf32, #tpu.memory_space<vmem>>) offsets(%dma_start3A_76 : memref<128xi32, #tpu.memory_space<vmem>>) semaphore(%arg12 : memref<!tpu.dma_semaphore, #tpu.memory_space<semaphore_mem>>)
    %dma_wait3A_80 = arith.constant 38 : i32
    %dma_wait3A_81 = arith.constant 0 : i32
    %dma_wait3A_82 = tpu.memref_slice %arg6[%dma_wait3A_80, %dma_wait3A_81] : memref<40x128xi32, #tpu.memory_space<vmem>> -> memref<1x128xi32, #tpu.memory_space<vmem>>
    %dma_wait3A_83 = tpu.memref_squeeze %dma_wait3A_82 : memref<1x128xi32, #tpu.memory_space<vmem>> -> memref<128xi32, #tpu.memory_space<vmem>>
    %dma_wait3A_84 = arith.constant 0 : i32
    %dma_wait3A_85 = arith.constant 0 : i32
    %dma_wait3A_86 = tpu.memref_slice %arg2[%dma_wait3A_84, %dma_wait3A_85] : memref<10000x128xf32, #tpu.memory_space<hbm>> -> memref<10000x128xf32, #tpu.memory_space<hbm>>
    tpu.wait_indirect_dma semaphore(%arg11 : memref<!tpu.dma_semaphore, #tpu.memory_space<semaphore_mem>>) src(%dma_wait3A_86 : memref<10000x128xf32, #tpu.memory_space<hbm>>) dst(%arg8 : memref<128x128xf32, #tpu.memory_space<vmem>>)
    %run_scoped3A_87 = arith.constant 38 : i32
    "tpu.region"() ({
      %run_scoped3A_101 = tpu.sem_alloc : memref<!tpu.dma_semaphore, #tpu.memory_space<semaphore_mem>>
      %dma_start3A_102 = arith.constant 0 : i32
      %dma_start3A_103 = tpu.memref_slice %arg7[%run_scoped3A_87, %dma_start3A_102] : memref<40x128xi32, #tpu.memory_space<vmem>> -> memref<1x128xi32, #tpu.memory_space<vmem>>
      %dma_start3A_104 = tpu.memref_squeeze %dma_start3A_103 : memref<1x128xi32, #tpu.memory_space<vmem>> -> memref<128xi32, #tpu.memory_space<vmem>>
      %dma_start3A_105 = arith.constant 0 : i32
      %dma_start3A_106 = arith.constant 0 : i32
      %dma_start3A_107 = tpu.memref_slice %arg10[%dma_start3A_105, %dma_start3A_106] : memref<10240x128xf32, #tpu.memory_space<vmem_shared>> -> memref<10240x128xf32, #tpu.memory_space<vmem_shared>>
      tpu.enqueue_indirect_dma source(%arg8 : memref<128x128xf32, #tpu.memory_space<vmem>>) target(%dma_start3A_107 : memref<10240x128xf32, #tpu.memory_space<vmem_shared>>) offsets(%dma_start3A_104 : memref<128xi32, #tpu.memory_space<vmem>>) semaphore(%run_scoped3A_101 : memref<!tpu.dma_semaphore, #tpu.memory_space<semaphore_mem>>) {add = true}
      %dma_wait3A_108 = arith.constant 0 : i32
      %dma_wait3A_109 = tpu.memref_slice %arg7[%run_scoped3A_87, %dma_wait3A_108] : memref<40x128xi32, #tpu.memory_space<vmem>> -> memref<1x128xi32, #tpu.memory_space<vmem>>
      %dma_wait3A_110 = tpu.memref_squeeze %dma_wait3A_109 : memref<1x128xi32, #tpu.memory_space<vmem>> -> memref<128xi32, #tpu.memory_space<vmem>>
      %dma_wait3A_111 = arith.constant 0 : i32
      %dma_wait3A_112 = arith.constant 0 : i32
      %dma_wait3A_113 = tpu.memref_slice %arg10[%dma_wait3A_111, %dma_wait3A_112] : memref<10240x128xf32, #tpu.memory_space<vmem_shared>> -> memref<10240x128xf32, #tpu.memory_space<vmem_shared>>
      tpu.wait_indirect_dma semaphore(%run_scoped3A_101 : memref<!tpu.dma_semaphore, #tpu.memory_space<semaphore_mem>>) src(%arg8 : memref<128x128xf32, #tpu.memory_space<vmem>>) dst(%dma_wait3A_113 : memref<10240x128xf32, #tpu.memory_space<vmem_shared>>)
      tpu.yield
    }) : () -> ()
    %dma_wait3A_88 = arith.constant 39 : i32
    %dma_wait3A_89 = arith.constant 0 : i32
    %dma_wait3A_90 = tpu.memref_slice %arg6[%dma_wait3A_88, %dma_wait3A_89] : memref<40x128xi32, #tpu.memory_space<vmem>> -> memref<1x128xi32, #tpu.memory_space<vmem>>
    %dma_wait3A_91 = tpu.memref_squeeze %dma_wait3A_90 : memref<1x128xi32, #tpu.memory_space<vmem>> -> memref<128xi32, #tpu.memory_space<vmem>>
    %dma_wait3A_92 = arith.constant 0 : i32
    %dma_wait3A_93 = arith.constant 0 : i32
    %dma_wait3A_94 = tpu.memref_slice %arg2[%dma_wait3A_92, %dma_wait3A_93] : memref<10000x128xf32, #tpu.memory_space<hbm>> -> memref<10000x128xf32, #tpu.memory_space<hbm>>
    tpu.wait_indirect_dma semaphore(%arg12 : memref<!tpu.dma_semaphore, #tpu.memory_space<semaphore_mem>>) src(%dma_wait3A_94 : memref<10000x128xf32, #tpu.memory_space<hbm>>) dst(%arg9 : memref<128x128xf32, #tpu.memory_space<vmem>>)
    %run_scoped3A_95 = arith.constant 39 : i32
    "tpu.region"() ({
      %run_scoped3A_101 = tpu.sem_alloc : memref<!tpu.dma_semaphore, #tpu.memory_space<semaphore_mem>>
      %dma_start3A_102 = arith.constant 0 : i32
      %dma_start3A_103 = tpu.memref_slice %arg7[%run_scoped3A_95, %dma_start3A_102] : memref<40x128xi32, #tpu.memory_space<vmem>> -> memref<1x128xi32, #tpu.memory_space<vmem>>
      %dma_start3A_104 = tpu.memref_squeeze %dma_start3A_103 : memref<1x128xi32, #tpu.memory_space<vmem>> -> memref<128xi32, #tpu.memory_space<vmem>>
      %dma_start3A_105 = arith.constant 0 : i32
      %dma_start3A_106 = arith.constant 0 : i32
      %dma_start3A_107 = tpu.memref_slice %arg10[%dma_start3A_105, %dma_start3A_106] : memref<10240x128xf32, #tpu.memory_space<vmem_shared>> -> memref<10240x128xf32, #tpu.memory_space<vmem_shared>>
      tpu.enqueue_indirect_dma source(%arg9 : memref<128x128xf32, #tpu.memory_space<vmem>>) target(%dma_start3A_107 : memref<10240x128xf32, #tpu.memory_space<vmem_shared>>) offsets(%dma_start3A_104 : memref<128xi32, #tpu.memory_space<vmem>>) semaphore(%run_scoped3A_101 : memref<!tpu.dma_semaphore, #tpu.memory_space<semaphore_mem>>) {add = true}
      %dma_wait3A_108 = arith.constant 0 : i32
      %dma_wait3A_109 = tpu.memref_slice %arg7[%run_scoped3A_95, %dma_wait3A_108] : memref<40x128xi32, #tpu.memory_space<vmem>> -> memref<1x128xi32, #tpu.memory_space<vmem>>
      %dma_wait3A_110 = tpu.memref_squeeze %dma_wait3A_109 : memref<1x128xi32, #tpu.memory_space<vmem>> -> memref<128xi32, #tpu.memory_space<vmem>>
      %dma_wait3A_111 = arith.constant 0 : i32
      %dma_wait3A_112 = arith.constant 0 : i32
      %dma_wait3A_113 = tpu.memref_slice %arg10[%dma_wait3A_111, %dma_wait3A_112] : memref<10240x128xf32, #tpu.memory_space<vmem_shared>> -> memref<10240x128xf32, #tpu.memory_space<vmem_shared>>
      tpu.wait_indirect_dma semaphore(%run_scoped3A_101 : memref<!tpu.dma_semaphore, #tpu.memory_space<semaphore_mem>>) src(%arg9 : memref<128x128xf32, #tpu.memory_space<vmem>>) dst(%dma_wait3A_113 : memref<10240x128xf32, #tpu.memory_space<vmem_shared>>)
      tpu.yield
    }) : () -> ()
    %barrier3A_96 = arith.constant 0 : index
    tpu.barrier barrier_id(%barrier3A_96)
    %mul3A_97 = arith.constant 640 : i32
    %mul3A_98 = arith.muli %arg1, %mul3A_97 : i32
    %mul3A_99 = arith.constant 640 : i32
    %mul3A_100 = arith.muli %arg1, %mul3A_99 : i32
    "tpu.region"() ({
      %run_scoped3A_101 = tpu.sem_alloc : memref<!tpu.dma_semaphore, #tpu.memory_space<semaphore_mem>>
      %dma_start3A_102 = arith.constant 0 : i32
      %dma_start3A_103 = tpu.memref_slice %arg5[%arg0, %mul3A_100, %dma_start3A_102] : memref<2x10240x128xf32, #tpu.memory_space<hbm>> -> memref<1x640x128xf32, #tpu.memory_space<hbm>>
      %dma_start3A_104 = tpu.memref_squeeze %dma_start3A_103 : memref<1x640x128xf32, #tpu.memory_space<hbm>> -> memref<640x128xf32, #tpu.memory_space<hbm>>
      %dma_start3A_105 = arith.constant 0 : i32
      %dma_start3A_106 = tpu.memref_slice %arg10[%mul3A_98, %dma_start3A_105] : memref<10240x128xf32, #tpu.memory_space<vmem_shared>> -> memref<640x128xf32, #tpu.memory_space<vmem_shared>>
      tpu.enqueue_dma source(%dma_start3A_106 : memref<640x128xf32, #tpu.memory_space<vmem_shared>>) target(%dma_start3A_104 : memref<640x128xf32, #tpu.memory_space<hbm>>) target_semaphore(%run_scoped3A_101 : memref<!tpu.dma_semaphore, #tpu.memory_space<semaphore_mem>>)
      %dma_wait3A_107 = arith.constant 0 : i32
      %dma_wait3A_108 = tpu.memref_slice %arg5[%arg0, %mul3A_100, %dma_wait3A_107] : memref<2x10240x128xf32, #tpu.memory_space<hbm>> -> memref<1x640x128xf32, #tpu.memory_space<hbm>>
      %dma_wait3A_109 = tpu.memref_squeeze %dma_wait3A_108 : memref<1x640x128xf32, #tpu.memory_space<hbm>> -> memref<640x128xf32, #tpu.memory_space<hbm>>
      %dma_wait3A_110 = arith.constant 0 : i32
      %dma_wait3A_111 = tpu.memref_slice %arg10[%mul3A_98, %dma_wait3A_110] : memref<10240x128xf32, #tpu.memory_space<vmem_shared>> -> memref<640x128xf32, #tpu.memory_space<vmem_shared>>
      tpu.wait_dma2 semaphore(%run_scoped3A_101 : memref<!tpu.dma_semaphore, #tpu.memory_space<semaphore_mem>>) src(%dma_wait3A_111 : memref<640x128xf32, #tpu.memory_space<vmem_shared>>) dst(%dma_wait3A_109 : memref<640x128xf32, #tpu.memory_space<hbm>>)
      tpu.yield
    }) : () -> ()
    return
  }
}

#map = affine_map<(d0, d1) -> (0, 0)>
#map1 = affine_map<(d0, d1) -> (0, 0, 0)>
module attributes {stable_mosaic.version = 14 : i64} {
  func.func @_edge_scatter_body(%arg0: i32, %arg1: i32, %arg2: memref<10000x128xf32, #tpu.memory_space<hbm>>, %arg3: memref<32x80x128xi32, #tpu.memory_space<hbm>>, %arg4: memref<32x80x128xi32, #tpu.memory_space<hbm>>, %arg5: memref<2x10240x128xf32, #tpu.memory_space<hbm>>, %arg6: memref<40x128xi32, #tpu.memory_space<vmem>>, %arg7: memref<40x128xi32, #tpu.memory_space<vmem>>, %arg8: memref<128x128xf32, #tpu.memory_space<vmem>>, %arg9: memref<128x128xf32, #tpu.memory_space<vmem>>, %arg10: memref<10240x128xf32, #tpu.memory_space<vmem_shared>>, %arg11: memref<!tpu.dma_semaphore, #tpu.memory_space<semaphore_mem>>, %arg12: memref<!tpu.dma_semaphore, #tpu.memory_space<semaphore_mem>>) attributes {dimension_semantics = [#tpu.dimension_semantics<core_parallel>, #tpu.dimension_semantics<subcore_parallel>], iteration_bounds = array<i64: 2, 16>, scalar_prefetch = 0 : i64, scratch_operands = 7 : i64, tpu.core_type = #tpu.core_type<sc_vector_subcore>, window_params = [{transform_indices = #map}, {transform_indices = #map1}, {transform_indices = #map1}, {transform_indices = #map1}]} {
    %mul3A = arith.constant 2 : i32
    %mul3A_0 = arith.muli %arg1, %mul3A : i32
    %add3A = arith.addi %mul3A_0, %arg0 : i32
    %broadcast_in_dim3A = arith.constant 0.000000e+00 : f32
    %broadcast_in_dim3A_1 = vector.broadcast %broadcast_in_dim3A : f32 to vector<16xf32>
    %scan3A = arith.constant 0 : i32
    %scan3A_2 = arith.constant 0 : i32
    %scan3A_3 = arith.constant 1024 : i32
    %scan3A_4 = arith.addi %scan3A_2, %scan3A_3 : i32
    %scan3A_5 = arith.constant 1 : i32
    scf.for %scan3A_101 = %scan3A_2 to %scan3A_4 step %scan3A_5  : i32 {
      %jit3A = arith.constant 8 : i32
      %div3A = arith.divsi %scan3A_101, %jit3A : i32
      %sign3A = arith.constant 0 : i32
      %sign3A_102 = arith.cmpi sgt, %scan3A_101, %sign3A : i32
      %sign3A_103 = arith.extui %sign3A_102 : i1 to i32
      %sign3A_104 = arith.constant 0 : i32
      %sign3A_105 = arith.cmpi slt, %scan3A_101, %sign3A_104 : i32
      %sign3A_106 = arith.extui %sign3A_105 : i1 to i32
      %sign3A_107 = arith.subi %sign3A_103, %sign3A_106 : i32
      %sign3A_108 = arith.constant 0 : i32
      %sign3A_109 = arith.cmpi sgt, %jit3A, %sign3A_108 : i32
      %sign3A_110 = arith.extui %sign3A_109 : i1 to i32
      %sign3A_111 = arith.constant 0 : i32
      %sign3A_112 = arith.cmpi slt, %jit3A, %sign3A_111 : i32
      %sign3A_113 = arith.extui %sign3A_112 : i1 to i32
      %sign3A_114 = arith.subi %sign3A_110, %sign3A_113 : i32
      %ne3A = arith.cmpi ne, %sign3A_107, %sign3A_114 : i32
      %rem3A = arith.remsi %scan3A_101, %jit3A : i32
      %ne3A_115 = arith.constant 0 : i32
      %ne3A_116 = arith.cmpi ne, %rem3A, %ne3A_115 : i32
      %and3A = arith.andi %ne3A, %ne3A_116 : i1
      %sub3A = arith.constant 1 : i32
      %sub3A_117 = arith.subi %div3A, %sub3A : i32
      %select_n3A = arith.select %and3A, %sub3A_117, %div3A : i32
      %jit3A_118 = arith.constant 8 : i32
      %eq3A = arith.constant 0 : i32
      %eq3A_119 = arith.cmpi eq, %jit3A_118, %eq3A : i32
      %jit3A_120 = arith.constant 1 : i32
      %select_n3A_121 = arith.select %eq3A_119, %jit3A_120, %jit3A_118 : i32
      %rem3A_122 = arith.remsi %scan3A_101, %select_n3A_121 : i32
      %ne3A_123 = arith.constant 0 : i32
      %ne3A_124 = arith.cmpi ne, %rem3A_122, %ne3A_123 : i32
      %lt3A = arith.constant 0 : i32
      %lt3A_125 = arith.cmpi slt, %rem3A_122, %lt3A : i32
      %lt3A_126 = arith.constant 0 : i32
      %lt3A_127 = arith.cmpi slt, %select_n3A_121, %lt3A_126 : i32
      %ne3A_128 = arith.xori %lt3A_125, %lt3A_127 : i1
      %and3A_129 = arith.andi %ne3A_128, %ne3A_124 : i1
      %add3A_130 = arith.addi %rem3A_122, %select_n3A_121 : i32
      %select_n3A_131 = arith.select %and3A_129, %add3A_130, %rem3A_122 : i32
      %mul3A_132 = arith.constant 16 : i32
      %mul3A_133 = arith.muli %select_n3A_131, %mul3A_132 : i32
      %swap3A = arith.index_cast %select_n3A : i32 to index
      %swap3A_134 = arith.index_cast %mul3A_133 : i32 to index
      %swap3A_135 = tpu.vector_load %arg8[%swap3A, %swap3A_134] {strides = array<i32>} : memref<128x128xf32, #tpu.memory_space<vmem>>, vector<1x16xf32>,
      %swap3A_136 = vector.shape_cast %swap3A_135 : vector<1x16xf32> to vector<16xf32>
      %swap3A_137 = vector.shape_cast %broadcast_in_dim3A_1 : vector<16xf32> to vector<1x16xf32>
      tpu.vector_store %arg8[%swap3A, %swap3A_134], %swap3A_137 {strides = array<i32>} : memref<128x128xf32, #tpu.memory_space<vmem>>, vector<1x16xf32>,
    }
    %scan3A_6 = arith.constant 1024 : i32
    %mul3A_7 = arith.constant 640 : i32
    %mul3A_8 = arith.muli %arg1, %mul3A_7 : i32
    %add3A_9 = arith.constant 0 : i32
    %add3A_10 = arith.addi %mul3A_8, %add3A_9 : i32
    "tpu.region"() ({
      %run_scoped3A_101 = tpu.sem_alloc : memref<!tpu.dma_semaphore, #tpu.memory_space<semaphore_mem>>
      %dma_start3A_102 = arith.constant 0 : i32
      %dma_start3A_103 = tpu.memref_slice %arg10[%add3A_10, %dma_start3A_102] : memref<10240x128xf32, #tpu.memory_space<vmem_shared>> -> memref<128x128xf32, #tpu.memory_space<vmem_shared>>
      %dma_start3A_104 = arith.constant 0 : i32
      %dma_start3A_105 = tpu.memref_slice %arg10[%add3A_10, %dma_start3A_104] : memref<10240x128xf32, #tpu.memory_space<vmem_shared>> -> memref<128x128xf32, #tpu.memory_space<vmem_shared>>
      tpu.enqueue_dma source(%arg8 : memref<128x128xf32, #tpu.memory_space<vmem>>) target(%dma_start3A_105 : memref<128x128xf32, #tpu.memory_space<vmem_shared>>) target_semaphore(%run_scoped3A_101 : memref<!tpu.dma_semaphore, #tpu.memory_space<semaphore_mem>>)
      %dma_wait3A_106 = arith.constant 0 : i32
      %dma_wait3A_107 = tpu.memref_slice %arg10[%add3A_10, %dma_wait3A_106] : memref<10240x128xf32, #tpu.memory_space<vmem_shared>> -> memref<128x128xf32, #tpu.memory_space<vmem_shared>>
      %dma_wait3A_108 = arith.constant 0 : i32
      %dma_wait3A_109 = tpu.memref_slice %arg10[%add3A_10, %dma_wait3A_108] : memref<10240x128xf32, #tpu.memory_space<vmem_shared>> -> memref<128x128xf32, #tpu.memory_space<vmem_shared>>
      tpu.wait_dma2 semaphore(%run_scoped3A_101 : memref<!tpu.dma_semaphore, #tpu.memory_space<semaphore_mem>>) src(%arg8 : memref<128x128xf32, #tpu.memory_space<vmem>>) dst(%dma_wait3A_109 : memref<128x128xf32, #tpu.memory_space<vmem_shared>>)
      tpu.yield
    }) : () -> ()
    %mul3A_11 = arith.constant 640 : i32
    %mul3A_12 = arith.muli %arg1, %mul3A_11 : i32
    %add3A_13 = arith.constant 128 : i32
    %add3A_14 = arith.addi %mul3A_12, %add3A_13 : i32
    "tpu.region"() ({
      %run_scoped3A_101 = tpu.sem_alloc : memref<!tpu.dma_semaphore, #tpu.memory_space<semaphore_mem>>
      %dma_start3A_102 = arith.constant 0 : i32
      %dma_start3A_103 = tpu.memref_slice %arg10[%add3A_14, %dma_start3A_102] : memref<10240x128xf32, #tpu.memory_space<vmem_shared>> -> memref<128x128xf32, #tpu.memory_space<vmem_shared>>
      %dma_start3A_104 = arith.constant 0 : i32
      %dma_start3A_105 = tpu.memref_slice %arg10[%add3A_14, %dma_start3A_104] : memref<10240x128xf32, #tpu.memory_space<vmem_shared>> -> memref<128x128xf32, #tpu.memory_space<vmem_shared>>
      tpu.enqueue_dma source(%arg8 : memref<128x128xf32, #tpu.memory_space<vmem>>) target(%dma_start3A_105 : memref<128x128xf32, #tpu.memory_space<vmem_shared>>) target_semaphore(%run_scoped3A_101 : memref<!tpu.dma_semaphore, #tpu.memory_space<semaphore_mem>>)
      %dma_wait3A_106 = arith.constant 0 : i32
      %dma_wait3A_107 = tpu.memref_slice %arg10[%add3A_14, %dma_wait3A_106] : memref<10240x128xf32, #tpu.memory_space<vmem_shared>> -> memref<128x128xf32, #tpu.memory_space<vmem_shared>>
      %dma_wait3A_108 = arith.constant 0 : i32
      %dma_wait3A_109 = tpu.memref_slice %arg10[%add3A_14, %dma_wait3A_108] : memref<10240x128xf32, #tpu.memory_space<vmem_shared>> -> memref<128x128xf32, #tpu.memory_space<vmem_shared>>
      tpu.wait_dma2 semaphore(%run_scoped3A_101 : memref<!tpu.dma_semaphore, #tpu.memory_space<semaphore_mem>>) src(%arg8 : memref<128x128xf32, #tpu.memory_space<vmem>>) dst(%dma_wait3A_109 : memref<128x128xf32, #tpu.memory_space<vmem_shared>>)
      tpu.yield
    }) : () -> ()
    %mul3A_15 = arith.constant 640 : i32
    %mul3A_16 = arith.muli %arg1, %mul3A_15 : i32
    %add3A_17 = arith.constant 256 : i32
    %add3A_18 = arith.addi %mul3A_16, %add3A_17 : i32
    "tpu.region"() ({
      %run_scoped3A_101 = tpu.sem_alloc : memref<!tpu.dma_semaphore, #tpu.memory_space<semaphore_mem>>
      %dma_start3A_102 = arith.constant 0 : i32
      %dma_start3A_103 = tpu.memref_slice %arg10[%add3A_18, %dma_start3A_102] : memref<10240x128xf32, #tpu.memory_space<vmem_shared>> -> memref<128x128xf32, #tpu.memory_space<vmem_shared>>
      %dma_start3A_104 = arith.constant 0 : i32
      %dma_start3A_105 = tpu.memref_slice %arg10[%add3A_18, %dma_start3A_104] : memref<10240x128xf32, #tpu.memory_space<vmem_shared>> -> memref<128x128xf32, #tpu.memory_space<vmem_shared>>
      tpu.enqueue_dma source(%arg8 : memref<128x128xf32, #tpu.memory_space<vmem>>) target(%dma_start3A_105 : memref<128x128xf32, #tpu.memory_space<vmem_shared>>) target_semaphore(%run_scoped3A_101 : memref<!tpu.dma_semaphore, #tpu.memory_space<semaphore_mem>>)
      %dma_wait3A_106 = arith.constant 0 : i32
      %dma_wait3A_107 = tpu.memref_slice %arg10[%add3A_18, %dma_wait3A_106] : memref<10240x128xf32, #tpu.memory_space<vmem_shared>> -> memref<128x128xf32, #tpu.memory_space<vmem_shared>>
      %dma_wait3A_108 = arith.constant 0 : i32
      %dma_wait3A_109 = tpu.memref_slice %arg10[%add3A_18, %dma_wait3A_108] : memref<10240x128xf32, #tpu.memory_space<vmem_shared>> -> memref<128x128xf32, #tpu.memory_space<vmem_shared>>
      tpu.wait_dma2 semaphore(%run_scoped3A_101 : memref<!tpu.dma_semaphore, #tpu.memory_space<semaphore_mem>>) src(%arg8 : memref<128x128xf32, #tpu.memory_space<vmem>>) dst(%dma_wait3A_109 : memref<128x128xf32, #tpu.memory_space<vmem_shared>>)
      tpu.yield
    }) : () -> ()
    %mul3A_19 = arith.constant 640 : i32
    %mul3A_20 = arith.muli %arg1, %mul3A_19 : i32
    %add3A_21 = arith.constant 384 : i32
    %add3A_22 = arith.addi %mul3A_20, %add3A_21 : i32
    "tpu.region"() ({
      %run_scoped3A_101 = tpu.sem_alloc : memref<!tpu.dma_semaphore, #tpu.memory_space<semaphore_mem>>
      %dma_start3A_102 = arith.constant 0 : i32
      %dma_start3A_103 = tpu.memref_slice %arg10[%add3A_22, %dma_start3A_102] : memref<10240x128xf32, #tpu.memory_space<vmem_shared>> -> memref<128x128xf32, #tpu.memory_space<vmem_shared>>
      %dma_start3A_104 = arith.constant 0 : i32
      %dma_start3A_105 = tpu.memref_slice %arg10[%add3A_22, %dma_start3A_104] : memref<10240x128xf32, #tpu.memory_space<vmem_shared>> -> memref<128x128xf32, #tpu.memory_space<vmem_shared>>
      tpu.enqueue_dma source(%arg8 : memref<128x128xf32, #tpu.memory_space<vmem>>) target(%dma_start3A_105 : memref<128x128xf32, #tpu.memory_space<vmem_shared>>) target_semaphore(%run_scoped3A_101 : memref<!tpu.dma_semaphore, #tpu.memory_space<semaphore_mem>>)
      %dma_wait3A_106 = arith.constant 0 : i32
      %dma_wait3A_107 = tpu.memref_slice %arg10[%add3A_22, %dma_wait3A_106] : memref<10240x128xf32, #tpu.memory_space<vmem_shared>> -> memref<128x128xf32, #tpu.memory_space<vmem_shared>>
      %dma_wait3A_108 = arith.constant 0 : i32
      %dma_wait3A_109 = tpu.memref_slice %arg10[%add3A_22, %dma_wait3A_108] : memref<10240x128xf32, #tpu.memory_space<vmem_shared>> -> memref<128x128xf32, #tpu.memory_space<vmem_shared>>
      tpu.wait_dma2 semaphore(%run_scoped3A_101 : memref<!tpu.dma_semaphore, #tpu.memory_space<semaphore_mem>>) src(%arg8 : memref<128x128xf32, #tpu.memory_space<vmem>>) dst(%dma_wait3A_109 : memref<128x128xf32, #tpu.memory_space<vmem_shared>>)
      tpu.yield
    }) : () -> ()
    %mul3A_23 = arith.constant 640 : i32
    %mul3A_24 = arith.muli %arg1, %mul3A_23 : i32
    %add3A_25 = arith.constant 512 : i32
    %add3A_26 = arith.addi %mul3A_24, %add3A_25 : i32
    "tpu.region"() ({
      %run_scoped3A_101 = tpu.sem_alloc : memref<!tpu.dma_semaphore, #tpu.memory_space<semaphore_mem>>
      %dma_start3A_102 = arith.constant 0 : i32
      %dma_start3A_103 = tpu.memref_slice %arg10[%add3A_26, %dma_start3A_102] : memref<10240x128xf32, #tpu.memory_space<vmem_shared>> -> memref<128x128xf32, #tpu.memory_space<vmem_shared>>
      %dma_start3A_104 = arith.constant 0 : i32
      %dma_start3A_105 = tpu.memref_slice %arg10[%add3A_26, %dma_start3A_104] : memref<10240x128xf32, #tpu.memory_space<vmem_shared>> -> memref<128x128xf32, #tpu.memory_space<vmem_shared>>
      tpu.enqueue_dma source(%arg8 : memref<128x128xf32, #tpu.memory_space<vmem>>) target(%dma_start3A_105 : memref<128x128xf32, #tpu.memory_space<vmem_shared>>) target_semaphore(%run_scoped3A_101 : memref<!tpu.dma_semaphore, #tpu.memory_space<semaphore_mem>>)
      %dma_wait3A_106 = arith.constant 0 : i32
      %dma_wait3A_107 = tpu.memref_slice %arg10[%add3A_26, %dma_wait3A_106] : memref<10240x128xf32, #tpu.memory_space<vmem_shared>> -> memref<128x128xf32, #tpu.memory_space<vmem_shared>>
      %dma_wait3A_108 = arith.constant 0 : i32
      %dma_wait3A_109 = tpu.memref_slice %arg10[%add3A_26, %dma_wait3A_108] : memref<10240x128xf32, #tpu.memory_space<vmem_shared>> -> memref<128x128xf32, #tpu.memory_space<vmem_shared>>
      tpu.wait_dma2 semaphore(%run_scoped3A_101 : memref<!tpu.dma_semaphore, #tpu.memory_space<semaphore_mem>>) src(%arg8 : memref<128x128xf32, #tpu.memory_space<vmem>>) dst(%dma_wait3A_109 : memref<128x128xf32, #tpu.memory_space<vmem_shared>>)
      tpu.yield
    }) : () -> ()
    %barrier3A = arith.constant 0 : index
    tpu.barrier barrier_id(%barrier3A)
    "tpu.region"() ({
      %run_scoped3A_101 = tpu.sem_alloc : memref<!tpu.dma_semaphore, #tpu.memory_space<semaphore_mem>>
      %dma_start3A_102 = arith.constant 0 : i32
      %dma_start3A_103 = arith.constant 0 : i32
      %dma_start3A_104 = tpu.memref_slice %arg3[%add3A, %dma_start3A_102, %dma_start3A_103] : memref<32x80x128xi32, #tpu.memory_space<hbm>> -> memref<1x40x128xi32, #tpu.memory_space<hbm>>
      %dma_start3A_105 = tpu.memref_squeeze %dma_start3A_104 : memref<1x40x128xi32, #tpu.memory_space<hbm>> -> memref<40x128xi32, #tpu.memory_space<hbm>>
      %dma_start3A_106 = arith.constant 0 : i32
      %dma_start3A_107 = arith.constant 0 : i32
      %dma_start3A_108 = tpu.memref_slice %arg3[%add3A, %dma_start3A_106, %dma_start3A_107] : memref<32x80x128xi32, #tpu.memory_space<hbm>> -> memref<1x40x128xi32, #tpu.memory_space<hbm>>
      %dma_start3A_109 = tpu.memref_squeeze %dma_start3A_108 : memref<1x40x128xi32, #tpu.memory_space<hbm>> -> memref<40x128xi32, #tpu.memory_space<hbm>>
      tpu.enqueue_dma source(%dma_start3A_109 : memref<40x128xi32, #tpu.memory_space<hbm>>) target(%arg6 : memref<40x128xi32, #tpu.memory_space<vmem>>) target_semaphore(%run_scoped3A_101 : memref<!tpu.dma_semaphore, #tpu.memory_space<semaphore_mem>>)
      %dma_wait3A_110 = arith.constant 0 : i32
      %dma_wait3A_111 = arith.constant 0 : i32
      %dma_wait3A_112 = tpu.memref_slice %arg3[%add3A, %dma_wait3A_110, %dma_wait3A_111] : memref<32x80x128xi32, #tpu.memory_space<hbm>> -> memref<1x40x128xi32, #tpu.memory_space<hbm>>
      %dma_wait3A_113 = tpu.memref_squeeze %dma_wait3A_112 : memref<1x40x128xi32, #tpu.memory_space<hbm>> -> memref<40x128xi32, #tpu.memory_space<hbm>>
      %dma_wait3A_114 = arith.constant 0 : i32
      %dma_wait3A_115 = arith.constant 0 : i32
      %dma_wait3A_116 = tpu.memref_slice %arg3[%add3A, %dma_wait3A_114, %dma_wait3A_115] : memref<32x80x128xi32, #tpu.memory_space<hbm>> -> memref<1x40x128xi32, #tpu.memory_space<hbm>>
      %dma_wait3A_117 = tpu.memref_squeeze %dma_wait3A_116 : memref<1x40x128xi32, #tpu.memory_space<hbm>> -> memref<40x128xi32, #tpu.memory_space<hbm>>
      tpu.wait_dma2 semaphore(%run_scoped3A_101 : memref<!tpu.dma_semaphore, #tpu.memory_space<semaphore_mem>>) src(%dma_wait3A_117 : memref<40x128xi32, #tpu.memory_space<hbm>>) dst(%arg6 : memref<40x128xi32, #tpu.memory_space<vmem>>)
      tpu.yield
    }) : () -> ()
    "tpu.region"() ({
      %run_scoped3A_101 = tpu.sem_alloc : memref<!tpu.dma_semaphore, #tpu.memory_space<semaphore_mem>>
      %dma_start3A_102 = arith.constant 0 : i32
      %dma_start3A_103 = arith.constant 0 : i32
      %dma_start3A_104 = tpu.memref_slice %arg4[%add3A, %dma_start3A_102, %dma_start3A_103] : memref<32x80x128xi32, #tpu.memory_space<hbm>> -> memref<1x40x128xi32, #tpu.memory_space<hbm>>
      %dma_start3A_105 = tpu.memref_squeeze %dma_start3A_104 : memref<1x40x128xi32, #tpu.memory_space<hbm>> -> memref<40x128xi32, #tpu.memory_space<hbm>>
      %dma_start3A_106 = arith.constant 0 : i32
      %dma_start3A_107 = arith.constant 0 : i32
      %dma_start3A_108 = tpu.memref_slice %arg4[%add3A, %dma_start3A_106, %dma_start3A_107] : memref<32x80x128xi32, #tpu.memory_space<hbm>> -> memref<1x40x128xi32, #tpu.memory_space<hbm>>
      %dma_start3A_109 = tpu.memref_squeeze %dma_start3A_108 : memref<1x40x128xi32, #tpu.memory_space<hbm>> -> memref<40x128xi32, #tpu.memory_space<hbm>>
      tpu.enqueue_dma source(%dma_start3A_109 : memref<40x128xi32, #tpu.memory_space<hbm>>) target(%arg7 : memref<40x128xi32, #tpu.memory_space<vmem>>) target_semaphore(%run_scoped3A_101 : memref<!tpu.dma_semaphore, #tpu.memory_space<semaphore_mem>>)
      %dma_wait3A_110 = arith.constant 0 : i32
      %dma_wait3A_111 = arith.constant 0 : i32
      %dma_wait3A_112 = tpu.memref_slice %arg4[%add3A, %dma_wait3A_110, %dma_wait3A_111] : memref<32x80x128xi32, #tpu.memory_space<hbm>> -> memref<1x40x128xi32, #tpu.memory_space<hbm>>
      %dma_wait3A_113 = tpu.memref_squeeze %dma_wait3A_112 : memref<1x40x128xi32, #tpu.memory_space<hbm>> -> memref<40x128xi32, #tpu.memory_space<hbm>>
      %dma_wait3A_114 = arith.constant 0 : i32
      %dma_wait3A_115 = arith.constant 0 : i32
      %dma_wait3A_116 = tpu.memref_slice %arg4[%add3A, %dma_wait3A_114, %dma_wait3A_115] : memref<32x80x128xi32, #tpu.memory_space<hbm>> -> memref<1x40x128xi32, #tpu.memory_space<hbm>>
      %dma_wait3A_117 = tpu.memref_squeeze %dma_wait3A_116 : memref<1x40x128xi32, #tpu.memory_space<hbm>> -> memref<40x128xi32, #tpu.memory_space<hbm>>
      tpu.wait_dma2 semaphore(%run_scoped3A_101 : memref<!tpu.dma_semaphore, #tpu.memory_space<semaphore_mem>>) src(%dma_wait3A_117 : memref<40x128xi32, #tpu.memory_space<hbm>>) dst(%arg7 : memref<40x128xi32, #tpu.memory_space<vmem>>)
      tpu.yield
    }) : () -> ()
    %dma_start3A = arith.constant 0 : i32
    %dma_start3A_27 = arith.constant 0 : i32
    %dma_start3A_28 = tpu.memref_slice %arg6[%dma_start3A, %dma_start3A_27] : memref<40x128xi32, #tpu.memory_space<vmem>> -> memref<1x128xi32, #tpu.memory_space<vmem>>
    %dma_start3A_29 = tpu.memref_squeeze %dma_start3A_28 : memref<1x128xi32, #tpu.memory_space<vmem>> -> memref<128xi32, #tpu.memory_space<vmem>>
    %dma_start3A_30 = arith.constant 0 : i32
    %dma_start3A_31 = arith.constant 0 : i32
    %dma_start3A_32 = tpu.memref_slice %arg2[%dma_start3A_30, %dma_start3A_31] : memref<10000x128xf32, #tpu.memory_space<hbm>> -> memref<10000x128xf32, #tpu.memory_space<hbm>>
    tpu.enqueue_indirect_dma source(%dma_start3A_32 : memref<10000x128xf32, #tpu.memory_space<hbm>>) target(%arg8 : memref<128x128xf32, #tpu.memory_space<vmem>>) offsets(%dma_start3A_29 : memref<128xi32, #tpu.memory_space<vmem>>) semaphore(%arg11 : memref<!tpu.dma_semaphore, #tpu.memory_space<semaphore_mem>>)
    %scan3A_33 = arith.constant 0 : i32
    %scan3A_34 = arith.constant 0 : i32
    %scan3A_35 = arith.constant 19 : i32
    %scan3A_36 = arith.addi %scan3A_34, %scan3A_35 : i32
    %scan3A_37 = arith.constant 1 : i32
    scf.for %scan3A_101 = %scan3A_34 to %scan3A_36 step %scan3A_37  : i32 {
      %mul3A_102 = arith.constant 2 : i32
      %mul3A_103 = arith.muli %mul3A_102, %scan3A_101 : i32
      %add3A_104 = arith.constant 1 : i32
      %add3A_105 = arith.addi %mul3A_103, %add3A_104 : i32
      %dma_start3A_106 = arith.constant 0 : i32
      %dma_start3A_107 = tpu.memref_slice %arg6[%add3A_105, %dma_start3A_106] : memref<40x128xi32, #tpu.memory_space<vmem>> -> memref<1x128xi32, #tpu.memory_space<vmem>>
      %dma_start3A_108 = tpu.memref_squeeze %dma_start3A_107 : memref<1x128xi32, #tpu.memory_space<vmem>> -> memref<128xi32, #tpu.memory_space<vmem>>
      %dma_start3A_109 = arith.constant 0 : i32
      %dma_start3A_110 = arith.constant 0 : i32
      %dma_start3A_111 = tpu.memref_slice %arg2[%dma_start3A_109, %dma_start3A_110] : memref<10000x128xf32, #tpu.memory_space<hbm>> -> memref<10000x128xf32, #tpu.memory_space<hbm>>
      tpu.enqueue_indirect_dma source(%dma_start3A_111 : memref<10000x128xf32, #tpu.memory_space<hbm>>) target(%arg9 : memref<128x128xf32, #tpu.memory_space<vmem>>) offsets(%dma_start3A_108 : memref<128xi32, #tpu.memory_space<vmem>>) semaphore(%arg12 : memref<!tpu.dma_semaphore, #tpu.memory_space<semaphore_mem>>)
      %dma_wait3A_112 = arith.constant 0 : i32
      %dma_wait3A_113 = tpu.memref_slice %arg6[%mul3A_103, %dma_wait3A_112] : memref<40x128xi32, #tpu.memory_space<vmem>> -> memref<1x128xi32, #tpu.memory_space<vmem>>
      %dma_wait3A_114 = tpu.memref_squeeze %dma_wait3A_113 : memref<1x128xi32, #tpu.memory_space<vmem>> -> memref<128xi32, #tpu.memory_space<vmem>>
      %dma_wait3A_115 = arith.constant 0 : i32
      %dma_wait3A_116 = arith.constant 0 : i32
      %dma_wait3A_117 = tpu.memref_slice %arg2[%dma_wait3A_115, %dma_wait3A_116] : memref<10000x128xf32, #tpu.memory_space<hbm>> -> memref<10000x128xf32, #tpu.memory_space<hbm>>
      tpu.wait_indirect_dma semaphore(%arg11 : memref<!tpu.dma_semaphore, #tpu.memory_space<semaphore_mem>>) src(%dma_wait3A_117 : memref<10000x128xf32, #tpu.memory_space<hbm>>) dst(%arg8 : memref<128x128xf32, #tpu.memory_space<vmem>>)
      "tpu.region"() ({
        %run_scoped3A_136 = tpu.sem_alloc : memref<!tpu.dma_semaphore, #tpu.memory_space<semaphore_mem>>
        %dma_start3A_137 = arith.constant 0 : i32
        %dma_start3A_138 = tpu.memref_slice %arg7[%mul3A_103, %dma_start3A_137] : memref<40x128xi32, #tpu.memory_space<vmem>> -> memref<1x128xi32, #tpu.memory_space<vmem>>
        %dma_start3A_139 = tpu.memref_squeeze %dma_start3A_138 : memref<1x128xi32, #tpu.memory_space<vmem>> -> memref<128xi32, #tpu.memory_space<vmem>>
        %dma_start3A_140 = arith.constant 0 : i32
        %dma_start3A_141 = arith.constant 0 : i32
        %dma_start3A_142 = tpu.memref_slice %arg10[%dma_start3A_140, %dma_start3A_141] : memref<10240x128xf32, #tpu.memory_space<vmem_shared>> -> memref<10240x128xf32, #tpu.memory_space<vmem_shared>>
        tpu.enqueue_indirect_dma source(%arg8 : memref<128x128xf32, #tpu.memory_space<vmem>>) target(%dma_start3A_142 : memref<10240x128xf32, #tpu.memory_space<vmem_shared>>) offsets(%dma_start3A_139 : memref<128xi32, #tpu.memory_space<vmem>>) semaphore(%run_scoped3A_136 : memref<!tpu.dma_semaphore, #tpu.memory_space<semaphore_mem>>) {add = true}
        %dma_wait3A_143 = arith.constant 0 : i32
        %dma_wait3A_144 = tpu.memref_slice %arg7[%mul3A_103, %dma_wait3A_143] : memref<40x128xi32, #tpu.memory_space<vmem>> -> memref<1x128xi32, #tpu.memory_space<vmem>>
        %dma_wait3A_145 = tpu.memref_squeeze %dma_wait3A_144 : memref<1x128xi32, #tpu.memory_space<vmem>> -> memref<128xi32, #tpu.memory_space<vmem>>
        %dma_wait3A_146 = arith.constant 0 : i32
        %dma_wait3A_147 = arith.constant 0 : i32
        %dma_wait3A_148 = tpu.memref_slice %arg10[%dma_wait3A_146, %dma_wait3A_147] : memref<10240x128xf32, #tpu.memory_space<vmem_shared>> -> memref<10240x128xf32, #tpu.memory_space<vmem_shared>>
        tpu.wait_indirect_dma semaphore(%run_scoped3A_136 : memref<!tpu.dma_semaphore, #tpu.memory_space<semaphore_mem>>) src(%arg8 : memref<128x128xf32, #tpu.memory_space<vmem>>) dst(%dma_wait3A_148 : memref<10240x128xf32, #tpu.memory_space<vmem_shared>>)
        tpu.yield
      }) : () -> ()
      %add3A_118 = arith.constant 2 : i32
      %add3A_119 = arith.addi %mul3A_103, %add3A_118 : i32
      %dma_start3A_120 = arith.constant 0 : i32
      %dma_start3A_121 = tpu.memref_slice %arg6[%add3A_119, %dma_start3A_120] : memref<40x128xi32, #tpu.memory_space<vmem>> -> memref<1x128xi32, #tpu.memory_space<vmem>>
      %dma_start3A_122 = tpu.memref_squeeze %dma_start3A_121 : memref<1x128xi32, #tpu.memory_space<vmem>> -> memref<128xi32, #tpu.memory_space<vmem>>
      %dma_start3A_123 = arith.constant 0 : i32
      %dma_start3A_124 = arith.constant 0 : i32
      %dma_start3A_125 = tpu.memref_slice %arg2[%dma_start3A_123, %dma_start3A_124] : memref<10000x128xf32, #tpu.memory_space<hbm>> -> memref<10000x128xf32, #tpu.memory_space<hbm>>
      tpu.enqueue_indirect_dma source(%dma_start3A_125 : memref<10000x128xf32, #tpu.memory_space<hbm>>) target(%arg8 : memref<128x128xf32, #tpu.memory_space<vmem>>) offsets(%dma_start3A_122 : memref<128xi32, #tpu.memory_space<vmem>>) semaphore(%arg11 : memref<!tpu.dma_semaphore, #tpu.memory_space<semaphore_mem>>)
      %add3A_126 = arith.constant 1 : i32
      %add3A_127 = arith.addi %mul3A_103, %add3A_126 : i32
      %dma_wait3A_128 = arith.constant 0 : i32
      %dma_wait3A_129 = tpu.memref_slice %arg6[%add3A_127, %dma_wait3A_128] : memref<40x128xi32, #tpu.memory_space<vmem>> -> memref<1x128xi32, #tpu.memory_space<vmem>>
      %dma_wait3A_130 = tpu.memref_squeeze %dma_wait3A_129 : memref<1x128xi32, #tpu.memory_space<vmem>> -> memref<128xi32, #tpu.memory_space<vmem>>
      %dma_wait3A_131 = arith.constant 0 : i32
      %dma_wait3A_132 = arith.constant 0 : i32
      %dma_wait3A_133 = tpu.memref_slice %arg2[%dma_wait3A_131, %dma_wait3A_132] : memref<10000x128xf32, #tpu.memory_space<hbm>> -> memref<10000x128xf32, #tpu.memory_space<hbm>>
      tpu.wait_indirect_dma semaphore(%arg12 : memref<!tpu.dma_semaphore, #tpu.memory_space<semaphore_mem>>) src(%dma_wait3A_133 : memref<10000x128xf32, #tpu.memory_space<hbm>>) dst(%arg9 : memref<128x128xf32, #tpu.memory_space<vmem>>)
      %add3A_134 = arith.constant 1 : i32
      %add3A_135 = arith.addi %mul3A_103, %add3A_134 : i32
      "tpu.region"() ({
        %run_scoped3A_136 = tpu.sem_alloc : memref<!tpu.dma_semaphore, #tpu.memory_space<semaphore_mem>>
        %dma_start3A_137 = arith.constant 0 : i32
        %dma_start3A_138 = tpu.memref_slice %arg7[%add3A_135, %dma_start3A_137] : memref<40x128xi32, #tpu.memory_space<vmem>> -> memref<1x128xi32, #tpu.memory_space<vmem>>
        %dma_start3A_139 = tpu.memref_squeeze %dma_start3A_138 : memref<1x128xi32, #tpu.memory_space<vmem>> -> memref<128xi32, #tpu.memory_space<vmem>>
        %dma_start3A_140 = arith.constant 0 : i32
        %dma_start3A_141 = arith.constant 0 : i32
        %dma_start3A_142 = tpu.memref_slice %arg10[%dma_start3A_140, %dma_start3A_141] : memref<10240x128xf32, #tpu.memory_space<vmem_shared>> -> memref<10240x128xf32, #tpu.memory_space<vmem_shared>>
        tpu.enqueue_indirect_dma source(%arg9 : memref<128x128xf32, #tpu.memory_space<vmem>>) target(%dma_start3A_142 : memref<10240x128xf32, #tpu.memory_space<vmem_shared>>) offsets(%dma_start3A_139 : memref<128xi32, #tpu.memory_space<vmem>>) semaphore(%run_scoped3A_136 : memref<!tpu.dma_semaphore, #tpu.memory_space<semaphore_mem>>) {add = true}
        %dma_wait3A_143 = arith.constant 0 : i32
        %dma_wait3A_144 = tpu.memref_slice %arg7[%add3A_135, %dma_wait3A_143] : memref<40x128xi32, #tpu.memory_space<vmem>> -> memref<1x128xi32, #tpu.memory_space<vmem>>
        %dma_wait3A_145 = tpu.memref_squeeze %dma_wait3A_144 : memref<1x128xi32, #tpu.memory_space<vmem>> -> memref<128xi32, #tpu.memory_space<vmem>>
        %dma_wait3A_146 = arith.constant 0 : i32
        %dma_wait3A_147 = arith.constant 0 : i32
        %dma_wait3A_148 = tpu.memref_slice %arg10[%dma_wait3A_146, %dma_wait3A_147] : memref<10240x128xf32, #tpu.memory_space<vmem_shared>> -> memref<10240x128xf32, #tpu.memory_space<vmem_shared>>
        tpu.wait_indirect_dma semaphore(%run_scoped3A_136 : memref<!tpu.dma_semaphore, #tpu.memory_space<semaphore_mem>>) src(%arg9 : memref<128x128xf32, #tpu.memory_space<vmem>>) dst(%dma_wait3A_148 : memref<10240x128xf32, #tpu.memory_space<vmem_shared>>)
        tpu.yield
      }) : () -> ()
    }
    %scan3A_38 = arith.constant 19 : i32
    %dma_start3A_39 = arith.constant 39 : i32
    %dma_start3A_40 = arith.constant 0 : i32
    %dma_start3A_41 = tpu.memref_slice %arg6[%dma_start3A_39, %dma_start3A_40] : memref<40x128xi32, #tpu.memory_space<vmem>> -> memref<1x128xi32, #tpu.memory_space<vmem>>
    %dma_start3A_42 = tpu.memref_squeeze %dma_start3A_41 : memref<1x128xi32, #tpu.memory_space<vmem>> -> memref<128xi32, #tpu.memory_space<vmem>>
    %dma_start3A_43 = arith.constant 0 : i32
    %dma_start3A_44 = arith.constant 0 : i32
    %dma_start3A_45 = tpu.memref_slice %arg2[%dma_start3A_43, %dma_start3A_44] : memref<10000x128xf32, #tpu.memory_space<hbm>> -> memref<10000x128xf32, #tpu.memory_space<hbm>>
    tpu.enqueue_indirect_dma source(%dma_start3A_45 : memref<10000x128xf32, #tpu.memory_space<hbm>>) target(%arg9 : memref<128x128xf32, #tpu.memory_space<vmem>>) offsets(%dma_start3A_42 : memref<128xi32, #tpu.memory_space<vmem>>) semaphore(%arg12 : memref<!tpu.dma_semaphore, #tpu.memory_space<semaphore_mem>>)
    %dma_wait3A = arith.constant 38 : i32
    %dma_wait3A_46 = arith.constant 0 : i32
    %dma_wait3A_47 = tpu.memref_slice %arg6[%dma_wait3A, %dma_wait3A_46] : memref<40x128xi32, #tpu.memory_space<vmem>> -> memref<1x128xi32, #tpu.memory_space<vmem>>
    %dma_wait3A_48 = tpu.memref_squeeze %dma_wait3A_47 : memref<1x128xi32, #tpu.memory_space<vmem>> -> memref<128xi32, #tpu.memory_space<vmem>>
    %dma_wait3A_49 = arith.constant 0 : i32
    %dma_wait3A_50 = arith.constant 0 : i32
    %dma_wait3A_51 = tpu.memref_slice %arg2[%dma_wait3A_49, %dma_wait3A_50] : memref<10000x128xf32, #tpu.memory_space<hbm>> -> memref<10000x128xf32, #tpu.memory_space<hbm>>
    tpu.wait_indirect_dma semaphore(%arg11 : memref<!tpu.dma_semaphore, #tpu.memory_space<semaphore_mem>>) src(%dma_wait3A_51 : memref<10000x128xf32, #tpu.memory_space<hbm>>) dst(%arg8 : memref<128x128xf32, #tpu.memory_space<vmem>>)
    %run_scoped3A = arith.constant 38 : i32
    "tpu.region"() ({
      %run_scoped3A_101 = tpu.sem_alloc : memref<!tpu.dma_semaphore, #tpu.memory_space<semaphore_mem>>
      %dma_start3A_102 = arith.constant 0 : i32
      %dma_start3A_103 = tpu.memref_slice %arg7[%run_scoped3A, %dma_start3A_102] : memref<40x128xi32, #tpu.memory_space<vmem>> -> memref<1x128xi32, #tpu.memory_space<vmem>>
      %dma_start3A_104 = tpu.memref_squeeze %dma_start3A_103 : memref<1x128xi32, #tpu.memory_space<vmem>> -> memref<128xi32, #tpu.memory_space<vmem>>
      %dma_start3A_105 = arith.constant 0 : i32
      %dma_start3A_106 = arith.constant 0 : i32
      %dma_start3A_107 = tpu.memref_slice %arg10[%dma_start3A_105, %dma_start3A_106] : memref<10240x128xf32, #tpu.memory_space<vmem_shared>> -> memref<10240x128xf32, #tpu.memory_space<vmem_shared>>
      tpu.enqueue_indirect_dma source(%arg8 : memref<128x128xf32, #tpu.memory_space<vmem>>) target(%dma_start3A_107 : memref<10240x128xf32, #tpu.memory_space<vmem_shared>>) offsets(%dma_start3A_104 : memref<128xi32, #tpu.memory_space<vmem>>) semaphore(%run_scoped3A_101 : memref<!tpu.dma_semaphore, #tpu.memory_space<semaphore_mem>>) {add = true}
      %dma_wait3A_108 = arith.constant 0 : i32
      %dma_wait3A_109 = tpu.memref_slice %arg7[%run_scoped3A, %dma_wait3A_108] : memref<40x128xi32, #tpu.memory_space<vmem>> -> memref<1x128xi32, #tpu.memory_space<vmem>>
      %dma_wait3A_110 = tpu.memref_squeeze %dma_wait3A_109 : memref<1x128xi32, #tpu.memory_space<vmem>> -> memref<128xi32, #tpu.memory_space<vmem>>
      %dma_wait3A_111 = arith.constant 0 : i32
      %dma_wait3A_112 = arith.constant 0 : i32
      %dma_wait3A_113 = tpu.memref_slice %arg10[%dma_wait3A_111, %dma_wait3A_112] : memref<10240x128xf32, #tpu.memory_space<vmem_shared>> -> memref<10240x128xf32, #tpu.memory_space<vmem_shared>>
      tpu.wait_indirect_dma semaphore(%run_scoped3A_101 : memref<!tpu.dma_semaphore, #tpu.memory_space<semaphore_mem>>) src(%arg8 : memref<128x128xf32, #tpu.memory_space<vmem>>) dst(%dma_wait3A_113 : memref<10240x128xf32, #tpu.memory_space<vmem_shared>>)
      tpu.yield
    }) : () -> ()
    %dma_wait3A_52 = arith.constant 39 : i32
    %dma_wait3A_53 = arith.constant 0 : i32
    %dma_wait3A_54 = tpu.memref_slice %arg6[%dma_wait3A_52, %dma_wait3A_53] : memref<40x128xi32, #tpu.memory_space<vmem>> -> memref<1x128xi32, #tpu.memory_space<vmem>>
    %dma_wait3A_55 = tpu.memref_squeeze %dma_wait3A_54 : memref<1x128xi32, #tpu.memory_space<vmem>> -> memref<128xi32, #tpu.memory_space<vmem>>
    %dma_wait3A_56 = arith.constant 0 : i32
    %dma_wait3A_57 = arith.constant 0 : i32
    %dma_wait3A_58 = tpu.memref_slice %arg2[%dma_wait3A_56, %dma_wait3A_57] : memref<10000x128xf32, #tpu.memory_space<hbm>> -> memref<10000x128xf32, #tpu.memory_space<hbm>>
    tpu.wait_indirect_dma semaphore(%arg12 : memref<!tpu.dma_semaphore, #tpu.memory_space<semaphore_mem>>) src(%dma_wait3A_58 : memref<10000x128xf32, #tpu.memory_space<hbm>>) dst(%arg9 : memref<128x128xf32, #tpu.memory_space<vmem>>)
    %run_scoped3A_59 = arith.constant 39 : i32
    "tpu.region"() ({
      %run_scoped3A_101 = tpu.sem_alloc : memref<!tpu.dma_semaphore, #tpu.memory_space<semaphore_mem>>
      %dma_start3A_102 = arith.constant 0 : i32
      %dma_start3A_103 = tpu.memref_slice %arg7[%run_scoped3A_59, %dma_start3A_102] : memref<40x128xi32, #tpu.memory_space<vmem>> -> memref<1x128xi32, #tpu.memory_space<vmem>>
      %dma_start3A_104 = tpu.memref_squeeze %dma_start3A_103 : memref<1x128xi32, #tpu.memory_space<vmem>> -> memref<128xi32, #tpu.memory_space<vmem>>
      %dma_start3A_105 = arith.constant 0 : i32
      %dma_start3A_106 = arith.constant 0 : i32
      %dma_start3A_107 = tpu.memref_slice %arg10[%dma_start3A_105, %dma_start3A_106] : memref<10240x128xf32, #tpu.memory_space<vmem_shared>> -> memref<10240x128xf32, #tpu.memory_space<vmem_shared>>
      tpu.enqueue_indirect_dma source(%arg9 : memref<128x128xf32, #tpu.memory_space<vmem>>) target(%dma_start3A_107 : memref<10240x128xf32, #tpu.memory_space<vmem_shared>>) offsets(%dma_start3A_104 : memref<128xi32, #tpu.memory_space<vmem>>) semaphore(%run_scoped3A_101 : memref<!tpu.dma_semaphore, #tpu.memory_space<semaphore_mem>>) {add = true}
      %dma_wait3A_108 = arith.constant 0 : i32
      %dma_wait3A_109 = tpu.memref_slice %arg7[%run_scoped3A_59, %dma_wait3A_108] : memref<40x128xi32, #tpu.memory_space<vmem>> -> memref<1x128xi32, #tpu.memory_space<vmem>>
      %dma_wait3A_110 = tpu.memref_squeeze %dma_wait3A_109 : memref<1x128xi32, #tpu.memory_space<vmem>> -> memref<128xi32, #tpu.memory_space<vmem>>
      %dma_wait3A_111 = arith.constant 0 : i32
      %dma_wait3A_112 = arith.constant 0 : i32
      %dma_wait3A_113 = tpu.memref_slice %arg10[%dma_wait3A_111, %dma_wait3A_112] : memref<10240x128xf32, #tpu.memory_space<vmem_shared>> -> memref<10240x128xf32, #tpu.memory_space<vmem_shared>>
      tpu.wait_indirect_dma semaphore(%run_scoped3A_101 : memref<!tpu.dma_semaphore, #tpu.memory_space<semaphore_mem>>) src(%arg9 : memref<128x128xf32, #tpu.memory_space<vmem>>) dst(%dma_wait3A_113 : memref<10240x128xf32, #tpu.memory_space<vmem_shared>>)
      tpu.yield
    }) : () -> ()
    "tpu.region"() ({
      %run_scoped3A_101 = tpu.sem_alloc : memref<!tpu.dma_semaphore, #tpu.memory_space<semaphore_mem>>
      %dma_start3A_102 = arith.constant 40 : i32
      %dma_start3A_103 = arith.constant 0 : i32
      %dma_start3A_104 = tpu.memref_slice %arg3[%add3A, %dma_start3A_102, %dma_start3A_103] : memref<32x80x128xi32, #tpu.memory_space<hbm>> -> memref<1x40x128xi32, #tpu.memory_space<hbm>>
      %dma_start3A_105 = tpu.memref_squeeze %dma_start3A_104 : memref<1x40x128xi32, #tpu.memory_space<hbm>> -> memref<40x128xi32, #tpu.memory_space<hbm>>
      %dma_start3A_106 = arith.constant 40 : i32
      %dma_start3A_107 = arith.constant 0 : i32
      %dma_start3A_108 = tpu.memref_slice %arg3[%add3A, %dma_start3A_106, %dma_start3A_107] : memref<32x80x128xi32, #tpu.memory_space<hbm>> -> memref<1x40x128xi32, #tpu.memory_space<hbm>>
      %dma_start3A_109 = tpu.memref_squeeze %dma_start3A_108 : memref<1x40x128xi32, #tpu.memory_space<hbm>> -> memref<40x128xi32, #tpu.memory_space<hbm>>
      tpu.enqueue_dma source(%dma_start3A_109 : memref<40x128xi32, #tpu.memory_space<hbm>>) target(%arg6 : memref<40x128xi32, #tpu.memory_space<vmem>>) target_semaphore(%run_scoped3A_101 : memref<!tpu.dma_semaphore, #tpu.memory_space<semaphore_mem>>)
      %dma_wait3A_110 = arith.constant 40 : i32
      %dma_wait3A_111 = arith.constant 0 : i32
      %dma_wait3A_112 = tpu.memref_slice %arg3[%add3A, %dma_wait3A_110, %dma_wait3A_111] : memref<32x80x128xi32, #tpu.memory_space<hbm>> -> memref<1x40x128xi32, #tpu.memory_space<hbm>>
      %dma_wait3A_113 = tpu.memref_squeeze %dma_wait3A_112 : memref<1x40x128xi32, #tpu.memory_space<hbm>> -> memref<40x128xi32, #tpu.memory_space<hbm>>
      %dma_wait3A_114 = arith.constant 40 : i32
      %dma_wait3A_115 = arith.constant 0 : i32
      %dma_wait3A_116 = tpu.memref_slice %arg3[%add3A, %dma_wait3A_114, %dma_wait3A_115] : memref<32x80x128xi32, #tpu.memory_space<hbm>> -> memref<1x40x128xi32, #tpu.memory_space<hbm>>
      %dma_wait3A_117 = tpu.memref_squeeze %dma_wait3A_116 : memref<1x40x128xi32, #tpu.memory_space<hbm>> -> memref<40x128xi32, #tpu.memory_space<hbm>>
      tpu.wait_dma2 semaphore(%run_scoped3A_101 : memref<!tpu.dma_semaphore, #tpu.memory_space<semaphore_mem>>) src(%dma_wait3A_117 : memref<40x128xi32, #tpu.memory_space<hbm>>) dst(%arg6 : memref<40x128xi32, #tpu.memory_space<vmem>>)
      tpu.yield
    }) : () -> ()
    "tpu.region"() ({
      %run_scoped3A_101 = tpu.sem_alloc : memref<!tpu.dma_semaphore, #tpu.memory_space<semaphore_mem>>
      %dma_start3A_102 = arith.constant 40 : i32
      %dma_start3A_103 = arith.constant 0 : i32
      %dma_start3A_104 = tpu.memref_slice %arg4[%add3A, %dma_start3A_102, %dma_start3A_103] : memref<32x80x128xi32, #tpu.memory_space<hbm>> -> memref<1x40x128xi32, #tpu.memory_space<hbm>>
      %dma_start3A_105 = tpu.memref_squeeze %dma_start3A_104 : memref<1x40x128xi32, #tpu.memory_space<hbm>> -> memref<40x128xi32, #tpu.memory_space<hbm>>
      %dma_start3A_106 = arith.constant 40 : i32
      %dma_start3A_107 = arith.constant 0 : i32
      %dma_start3A_108 = tpu.memref_slice %arg4[%add3A, %dma_start3A_106, %dma_start3A_107] : memref<32x80x128xi32, #tpu.memory_space<hbm>> -> memref<1x40x128xi32, #tpu.memory_space<hbm>>
      %dma_start3A_109 = tpu.memref_squeeze %dma_start3A_108 : memref<1x40x128xi32, #tpu.memory_space<hbm>> -> memref<40x128xi32, #tpu.memory_space<hbm>>
      tpu.enqueue_dma source(%dma_start3A_109 : memref<40x128xi32, #tpu.memory_space<hbm>>) target(%arg7 : memref<40x128xi32, #tpu.memory_space<vmem>>) target_semaphore(%run_scoped3A_101 : memref<!tpu.dma_semaphore, #tpu.memory_space<semaphore_mem>>)
      %dma_wait3A_110 = arith.constant 40 : i32
      %dma_wait3A_111 = arith.constant 0 : i32
      %dma_wait3A_112 = tpu.memref_slice %arg4[%add3A, %dma_wait3A_110, %dma_wait3A_111] : memref<32x80x128xi32, #tpu.memory_space<hbm>> -> memref<1x40x128xi32, #tpu.memory_space<hbm>>
      %dma_wait3A_113 = tpu.memref_squeeze %dma_wait3A_112 : memref<1x40x128xi32, #tpu.memory_space<hbm>> -> memref<40x128xi32, #tpu.memory_space<hbm>>
      %dma_wait3A_114 = arith.constant 40 : i32
      %dma_wait3A_115 = arith.constant 0 : i32
      %dma_wait3A_116 = tpu.memref_slice %arg4[%add3A, %dma_wait3A_114, %dma_wait3A_115] : memref<32x80x128xi32, #tpu.memory_space<hbm>> -> memref<1x40x128xi32, #tpu.memory_space<hbm>>
      %dma_wait3A_117 = tpu.memref_squeeze %dma_wait3A_116 : memref<1x40x128xi32, #tpu.memory_space<hbm>> -> memref<40x128xi32, #tpu.memory_space<hbm>>
      tpu.wait_dma2 semaphore(%run_scoped3A_101 : memref<!tpu.dma_semaphore, #tpu.memory_space<semaphore_mem>>) src(%dma_wait3A_117 : memref<40x128xi32, #tpu.memory_space<hbm>>) dst(%arg7 : memref<40x128xi32, #tpu.memory_space<vmem>>)
      tpu.yield
    }) : () -> ()
    %dma_start3A_60 = arith.constant 0 : i32
    %dma_start3A_61 = arith.constant 0 : i32
    %dma_start3A_62 = tpu.memref_slice %arg6[%dma_start3A_60, %dma_start3A_61] : memref<40x128xi32, #tpu.memory_space<vmem>> -> memref<1x128xi32, #tpu.memory_space<vmem>>
    %dma_start3A_63 = tpu.memref_squeeze %dma_start3A_62 : memref<1x128xi32, #tpu.memory_space<vmem>> -> memref<128xi32, #tpu.memory_space<vmem>>
    %dma_start3A_64 = arith.constant 0 : i32
    %dma_start3A_65 = arith.constant 0 : i32
    %dma_start3A_66 = tpu.memref_slice %arg2[%dma_start3A_64, %dma_start3A_65] : memref<10000x128xf32, #tpu.memory_space<hbm>> -> memref<10000x128xf32, #tpu.memory_space<hbm>>
    tpu.enqueue_indirect_dma source(%dma_start3A_66 : memref<10000x128xf32, #tpu.memory_space<hbm>>) target(%arg8 : memref<128x128xf32, #tpu.memory_space<vmem>>) offsets(%dma_start3A_63 : memref<128xi32, #tpu.memory_space<vmem>>) semaphore(%arg11 : memref<!tpu.dma_semaphore, #tpu.memory_space<semaphore_mem>>)
    %scan3A_67 = arith.constant 0 : i32
    %scan3A_68 = arith.constant 0 : i32
    %scan3A_69 = arith.constant 19 : i32
    %scan3A_70 = arith.addi %scan3A_68, %scan3A_69 : i32
    %scan3A_71 = arith.constant 1 : i32
    scf.for %scan3A_101 = %scan3A_68 to %scan3A_70 step %scan3A_71  : i32 {
      %mul3A_102 = arith.constant 2 : i32
      %mul3A_103 = arith.muli %mul3A_102, %scan3A_101 : i32
      %add3A_104 = arith.constant 1 : i32
      %add3A_105 = arith.addi %mul3A_103, %add3A_104 : i32
      %dma_start3A_106 = arith.constant 0 : i32
      %dma_start3A_107 = tpu.memref_slice %arg6[%add3A_105, %dma_start3A_106] : memref<40x128xi32, #tpu.memory_space<vmem>> -> memref<1x128xi32, #tpu.memory_space<vmem>>
      %dma_start3A_108 = tpu.memref_squeeze %dma_start3A_107 : memref<1x128xi32, #tpu.memory_space<vmem>> -> memref<128xi32, #tpu.memory_space<vmem>>
      %dma_start3A_109 = arith.constant 0 : i32
      %dma_start3A_110 = arith.constant 0 : i32
      %dma_start3A_111 = tpu.memref_slice %arg2[%dma_start3A_109, %dma_start3A_110] : memref<10000x128xf32, #tpu.memory_space<hbm>> -> memref<10000x128xf32, #tpu.memory_space<hbm>>
      tpu.enqueue_indirect_dma source(%dma_start3A_111 : memref<10000x128xf32, #tpu.memory_space<hbm>>) target(%arg9 : memref<128x128xf32, #tpu.memory_space<vmem>>) offsets(%dma_start3A_108 : memref<128xi32, #tpu.memory_space<vmem>>) semaphore(%arg12 : memref<!tpu.dma_semaphore, #tpu.memory_space<semaphore_mem>>)
      %dma_wait3A_112 = arith.constant 0 : i32
      %dma_wait3A_113 = tpu.memref_slice %arg6[%mul3A_103, %dma_wait3A_112] : memref<40x128xi32, #tpu.memory_space<vmem>> -> memref<1x128xi32, #tpu.memory_space<vmem>>
      %dma_wait3A_114 = tpu.memref_squeeze %dma_wait3A_113 : memref<1x128xi32, #tpu.memory_space<vmem>> -> memref<128xi32, #tpu.memory_space<vmem>>
      %dma_wait3A_115 = arith.constant 0 : i32
      %dma_wait3A_116 = arith.constant 0 : i32
      %dma_wait3A_117 = tpu.memref_slice %arg2[%dma_wait3A_115, %dma_wait3A_116] : memref<10000x128xf32, #tpu.memory_space<hbm>> -> memref<10000x128xf32, #tpu.memory_space<hbm>>
      tpu.wait_indirect_dma semaphore(%arg11 : memref<!tpu.dma_semaphore, #tpu.memory_space<semaphore_mem>>) src(%dma_wait3A_117 : memref<10000x128xf32, #tpu.memory_space<hbm>>) dst(%arg8 : memref<128x128xf32, #tpu.memory_space<vmem>>)
      "tpu.region"() ({
        %run_scoped3A_136 = tpu.sem_alloc : memref<!tpu.dma_semaphore, #tpu.memory_space<semaphore_mem>>
        %dma_start3A_137 = arith.constant 0 : i32
        %dma_start3A_138 = tpu.memref_slice %arg7[%mul3A_103, %dma_start3A_137] : memref<40x128xi32, #tpu.memory_space<vmem>> -> memref<1x128xi32, #tpu.memory_space<vmem>>
        %dma_start3A_139 = tpu.memref_squeeze %dma_start3A_138 : memref<1x128xi32, #tpu.memory_space<vmem>> -> memref<128xi32, #tpu.memory_space<vmem>>
        %dma_start3A_140 = arith.constant 0 : i32
        %dma_start3A_141 = arith.constant 0 : i32
        %dma_start3A_142 = tpu.memref_slice %arg10[%dma_start3A_140, %dma_start3A_141] : memref<10240x128xf32, #tpu.memory_space<vmem_shared>> -> memref<10240x128xf32, #tpu.memory_space<vmem_shared>>
        tpu.enqueue_indirect_dma source(%arg8 : memref<128x128xf32, #tpu.memory_space<vmem>>) target(%dma_start3A_142 : memref<10240x128xf32, #tpu.memory_space<vmem_shared>>) offsets(%dma_start3A_139 : memref<128xi32, #tpu.memory_space<vmem>>) semaphore(%run_scoped3A_136 : memref<!tpu.dma_semaphore, #tpu.memory_space<semaphore_mem>>) {add = true}
        %dma_wait3A_143 = arith.constant 0 : i32
        %dma_wait3A_144 = tpu.memref_slice %arg7[%mul3A_103, %dma_wait3A_143] : memref<40x128xi32, #tpu.memory_space<vmem>> -> memref<1x128xi32, #tpu.memory_space<vmem>>
        %dma_wait3A_145 = tpu.memref_squeeze %dma_wait3A_144 : memref<1x128xi32, #tpu.memory_space<vmem>> -> memref<128xi32, #tpu.memory_space<vmem>>
        %dma_wait3A_146 = arith.constant 0 : i32
        %dma_wait3A_147 = arith.constant 0 : i32
        %dma_wait3A_148 = tpu.memref_slice %arg10[%dma_wait3A_146, %dma_wait3A_147] : memref<10240x128xf32, #tpu.memory_space<vmem_shared>> -> memref<10240x128xf32, #tpu.memory_space<vmem_shared>>
        tpu.wait_indirect_dma semaphore(%run_scoped3A_136 : memref<!tpu.dma_semaphore, #tpu.memory_space<semaphore_mem>>) src(%arg8 : memref<128x128xf32, #tpu.memory_space<vmem>>) dst(%dma_wait3A_148 : memref<10240x128xf32, #tpu.memory_space<vmem_shared>>)
        tpu.yield
      }) : () -> ()
      %add3A_118 = arith.constant 2 : i32
      %add3A_119 = arith.addi %mul3A_103, %add3A_118 : i32
      %dma_start3A_120 = arith.constant 0 : i32
      %dma_start3A_121 = tpu.memref_slice %arg6[%add3A_119, %dma_start3A_120] : memref<40x128xi32, #tpu.memory_space<vmem>> -> memref<1x128xi32, #tpu.memory_space<vmem>>
      %dma_start3A_122 = tpu.memref_squeeze %dma_start3A_121 : memref<1x128xi32, #tpu.memory_space<vmem>> -> memref<128xi32, #tpu.memory_space<vmem>>
      %dma_start3A_123 = arith.constant 0 : i32
      %dma_start3A_124 = arith.constant 0 : i32
      %dma_start3A_125 = tpu.memref_slice %arg2[%dma_start3A_123, %dma_start3A_124] : memref<10000x128xf32, #tpu.memory_space<hbm>> -> memref<10000x128xf32, #tpu.memory_space<hbm>>
      tpu.enqueue_indirect_dma source(%dma_start3A_125 : memref<10000x128xf32, #tpu.memory_space<hbm>>) target(%arg8 : memref<128x128xf32, #tpu.memory_space<vmem>>) offsets(%dma_start3A_122 : memref<128xi32, #tpu.memory_space<vmem>>) semaphore(%arg11 : memref<!tpu.dma_semaphore, #tpu.memory_space<semaphore_mem>>)
      %add3A_126 = arith.constant 1 : i32
      %add3A_127 = arith.addi %mul3A_103, %add3A_126 : i32
      %dma_wait3A_128 = arith.constant 0 : i32
      %dma_wait3A_129 = tpu.memref_slice %arg6[%add3A_127, %dma_wait3A_128] : memref<40x128xi32, #tpu.memory_space<vmem>> -> memref<1x128xi32, #tpu.memory_space<vmem>>
      %dma_wait3A_130 = tpu.memref_squeeze %dma_wait3A_129 : memref<1x128xi32, #tpu.memory_space<vmem>> -> memref<128xi32, #tpu.memory_space<vmem>>
      %dma_wait3A_131 = arith.constant 0 : i32
      %dma_wait3A_132 = arith.constant 0 : i32
      %dma_wait3A_133 = tpu.memref_slice %arg2[%dma_wait3A_131, %dma_wait3A_132] : memref<10000x128xf32, #tpu.memory_space<hbm>> -> memref<10000x128xf32, #tpu.memory_space<hbm>>
      tpu.wait_indirect_dma semaphore(%arg12 : memref<!tpu.dma_semaphore, #tpu.memory_space<semaphore_mem>>) src(%dma_wait3A_133 : memref<10000x128xf32, #tpu.memory_space<hbm>>) dst(%arg9 : memref<128x128xf32, #tpu.memory_space<vmem>>)
      %add3A_134 = arith.constant 1 : i32
      %add3A_135 = arith.addi %mul3A_103, %add3A_134 : i32
      "tpu.region"() ({
        %run_scoped3A_136 = tpu.sem_alloc : memref<!tpu.dma_semaphore, #tpu.memory_space<semaphore_mem>>
        %dma_start3A_137 = arith.constant 0 : i32
        %dma_start3A_138 = tpu.memref_slice %arg7[%add3A_135, %dma_start3A_137] : memref<40x128xi32, #tpu.memory_space<vmem>> -> memref<1x128xi32, #tpu.memory_space<vmem>>
        %dma_start3A_139 = tpu.memref_squeeze %dma_start3A_138 : memref<1x128xi32, #tpu.memory_space<vmem>> -> memref<128xi32, #tpu.memory_space<vmem>>
        %dma_start3A_140 = arith.constant 0 : i32
        %dma_start3A_141 = arith.constant 0 : i32
        %dma_start3A_142 = tpu.memref_slice %arg10[%dma_start3A_140, %dma_start3A_141] : memref<10240x128xf32, #tpu.memory_space<vmem_shared>> -> memref<10240x128xf32, #tpu.memory_space<vmem_shared>>
        tpu.enqueue_indirect_dma source(%arg9 : memref<128x128xf32, #tpu.memory_space<vmem>>) target(%dma_start3A_142 : memref<10240x128xf32, #tpu.memory_space<vmem_shared>>) offsets(%dma_start3A_139 : memref<128xi32, #tpu.memory_space<vmem>>) semaphore(%run_scoped3A_136 : memref<!tpu.dma_semaphore, #tpu.memory_space<semaphore_mem>>) {add = true}
        %dma_wait3A_143 = arith.constant 0 : i32
        %dma_wait3A_144 = tpu.memref_slice %arg7[%add3A_135, %dma_wait3A_143] : memref<40x128xi32, #tpu.memory_space<vmem>> -> memref<1x128xi32, #tpu.memory_space<vmem>>
        %dma_wait3A_145 = tpu.memref_squeeze %dma_wait3A_144 : memref<1x128xi32, #tpu.memory_space<vmem>> -> memref<128xi32, #tpu.memory_space<vmem>>
        %dma_wait3A_146 = arith.constant 0 : i32
        %dma_wait3A_147 = arith.constant 0 : i32
        %dma_wait3A_148 = tpu.memref_slice %arg10[%dma_wait3A_146, %dma_wait3A_147] : memref<10240x128xf32, #tpu.memory_space<vmem_shared>> -> memref<10240x128xf32, #tpu.memory_space<vmem_shared>>
        tpu.wait_indirect_dma semaphore(%run_scoped3A_136 : memref<!tpu.dma_semaphore, #tpu.memory_space<semaphore_mem>>) src(%arg9 : memref<128x128xf32, #tpu.memory_space<vmem>>) dst(%dma_wait3A_148 : memref<10240x128xf32, #tpu.memory_space<vmem_shared>>)
        tpu.yield
      }) : () -> ()
    }
    %scan3A_72 = arith.constant 19 : i32
    %dma_start3A_73 = arith.constant 39 : i32
    %dma_start3A_74 = arith.constant 0 : i32
    %dma_start3A_75 = tpu.memref_slice %arg6[%dma_start3A_73, %dma_start3A_74] : memref<40x128xi32, #tpu.memory_space<vmem>> -> memref<1x128xi32, #tpu.memory_space<vmem>>
    %dma_start3A_76 = tpu.memref_squeeze %dma_start3A_75 : memref<1x128xi32, #tpu.memory_space<vmem>> -> memref<128xi32, #tpu.memory_space<vmem>>
    %dma_start3A_77 = arith.constant 0 : i32
    %dma_start3A_78 = arith.constant 0 : i32
    %dma_start3A_79 = tpu.memref_slice %arg2[%dma_start3A_77, %dma_start3A_78] : memref<10000x128xf32, #tpu.memory_space<hbm>> -> memref<10000x128xf32, #tpu.memory_space<hbm>>
    tpu.enqueue_indirect_dma source(%dma_start3A_79 : memref<10000x128xf32, #tpu.memory_space<hbm>>) target(%arg9 : memref<128x128xf32, #tpu.memory_space<vmem>>) offsets(%dma_start3A_76 : memref<128xi32, #tpu.memory_space<vmem>>) semaphore(%arg12 : memref<!tpu.dma_semaphore, #tpu.memory_space<semaphore_mem>>)
    %dma_wait3A_80 = arith.constant 38 : i32
    %dma_wait3A_81 = arith.constant 0 : i32
    %dma_wait3A_82 = tpu.memref_slice %arg6[%dma_wait3A_80, %dma_wait3A_81] : memref<40x128xi32, #tpu.memory_space<vmem>> -> memref<1x128xi32, #tpu.memory_space<vmem>>
    %dma_wait3A_83 = tpu.memref_squeeze %dma_wait3A_82 : memref<1x128xi32, #tpu.memory_space<vmem>> -> memref<128xi32, #tpu.memory_space<vmem>>
    %dma_wait3A_84 = arith.constant 0 : i32
    %dma_wait3A_85 = arith.constant 0 : i32
    %dma_wait3A_86 = tpu.memref_slice %arg2[%dma_wait3A_84, %dma_wait3A_85] : memref<10000x128xf32, #tpu.memory_space<hbm>> -> memref<10000x128xf32, #tpu.memory_space<hbm>>
    tpu.wait_indirect_dma semaphore(%arg11 : memref<!tpu.dma_semaphore, #tpu.memory_space<semaphore_mem>>) src(%dma_wait3A_86 : memref<10000x128xf32, #tpu.memory_space<hbm>>) dst(%arg8 : memref<128x128xf32, #tpu.memory_space<vmem>>)
    %run_scoped3A_87 = arith.constant 38 : i32
    "tpu.region"() ({
      %run_scoped3A_101 = tpu.sem_alloc : memref<!tpu.dma_semaphore, #tpu.memory_space<semaphore_mem>>
      %dma_start3A_102 = arith.constant 0 : i32
      %dma_start3A_103 = tpu.memref_slice %arg7[%run_scoped3A_87, %dma_start3A_102] : memref<40x128xi32, #tpu.memory_space<vmem>> -> memref<1x128xi32, #tpu.memory_space<vmem>>
      %dma_start3A_104 = tpu.memref_squeeze %dma_start3A_103 : memref<1x128xi32, #tpu.memory_space<vmem>> -> memref<128xi32, #tpu.memory_space<vmem>>
      %dma_start3A_105 = arith.constant 0 : i32
      %dma_start3A_106 = arith.constant 0 : i32
      %dma_start3A_107 = tpu.memref_slice %arg10[%dma_start3A_105, %dma_start3A_106] : memref<10240x128xf32, #tpu.memory_space<vmem_shared>> -> memref<10240x128xf32, #tpu.memory_space<vmem_shared>>
      tpu.enqueue_indirect_dma source(%arg8 : memref<128x128xf32, #tpu.memory_space<vmem>>) target(%dma_start3A_107 : memref<10240x128xf32, #tpu.memory_space<vmem_shared>>) offsets(%dma_start3A_104 : memref<128xi32, #tpu.memory_space<vmem>>) semaphore(%run_scoped3A_101 : memref<!tpu.dma_semaphore, #tpu.memory_space<semaphore_mem>>) {add = true}
      %dma_wait3A_108 = arith.constant 0 : i32
      %dma_wait3A_109 = tpu.memref_slice %arg7[%run_scoped3A_87, %dma_wait3A_108] : memref<40x128xi32, #tpu.memory_space<vmem>> -> memref<1x128xi32, #tpu.memory_space<vmem>>
      %dma_wait3A_110 = tpu.memref_squeeze %dma_wait3A_109 : memref<1x128xi32, #tpu.memory_space<vmem>> -> memref<128xi32, #tpu.memory_space<vmem>>
      %dma_wait3A_111 = arith.constant 0 : i32
      %dma_wait3A_112 = arith.constant 0 : i32
      %dma_wait3A_113 = tpu.memref_slice %arg10[%dma_wait3A_111, %dma_wait3A_112] : memref<10240x128xf32, #tpu.memory_space<vmem_shared>> -> memref<10240x128xf32, #tpu.memory_space<vmem_shared>>
      tpu.wait_indirect_dma semaphore(%run_scoped3A_101 : memref<!tpu.dma_semaphore, #tpu.memory_space<semaphore_mem>>) src(%arg8 : memref<128x128xf32, #tpu.memory_space<vmem>>) dst(%dma_wait3A_113 : memref<10240x128xf32, #tpu.memory_space<vmem_shared>>)
      tpu.yield
    }) : () -> ()
    %dma_wait3A_88 = arith.constant 39 : i32
    %dma_wait3A_89 = arith.constant 0 : i32
    %dma_wait3A_90 = tpu.memref_slice %arg6[%dma_wait3A_88, %dma_wait3A_89] : memref<40x128xi32, #tpu.memory_space<vmem>> -> memref<1x128xi32, #tpu.memory_space<vmem>>
    %dma_wait3A_91 = tpu.memref_squeeze %dma_wait3A_90 : memref<1x128xi32, #tpu.memory_space<vmem>> -> memref<128xi32, #tpu.memory_space<vmem>>
    %dma_wait3A_92 = arith.constant 0 : i32
    %dma_wait3A_93 = arith.constant 0 : i32
    %dma_wait3A_94 = tpu.memref_slice %arg2[%dma_wait3A_92, %dma_wait3A_93] : memref<10000x128xf32, #tpu.memory_space<hbm>> -> memref<10000x128xf32, #tpu.memory_space<hbm>>
    tpu.wait_indirect_dma semaphore(%arg12 : memref<!tpu.dma_semaphore, #tpu.memory_space<semaphore_mem>>) src(%dma_wait3A_94 : memref<10000x128xf32, #tpu.memory_space<hbm>>) dst(%arg9 : memref<128x128xf32, #tpu.memory_space<vmem>>)
    %run_scoped3A_95 = arith.constant 39 : i32
    "tpu.region"() ({
      %run_scoped3A_101 = tpu.sem_alloc : memref<!tpu.dma_semaphore, #tpu.memory_space<semaphore_mem>>
      %dma_start3A_102 = arith.constant 0 : i32
      %dma_start3A_103 = tpu.memref_slice %arg7[%run_scoped3A_95, %dma_start3A_102] : memref<40x128xi32, #tpu.memory_space<vmem>> -> memref<1x128xi32, #tpu.memory_space<vmem>>
      %dma_start3A_104 = tpu.memref_squeeze %dma_start3A_103 : memref<1x128xi32, #tpu.memory_space<vmem>> -> memref<128xi32, #tpu.memory_space<vmem>>
      %dma_start3A_105 = arith.constant 0 : i32
      %dma_start3A_106 = arith.constant 0 : i32
      %dma_start3A_107 = tpu.memref_slice %arg10[%dma_start3A_105, %dma_start3A_106] : memref<10240x128xf32, #tpu.memory_space<vmem_shared>> -> memref<10240x128xf32, #tpu.memory_space<vmem_shared>>
      tpu.enqueue_indirect_dma source(%arg9 : memref<128x128xf32, #tpu.memory_space<vmem>>) target(%dma_start3A_107 : memref<10240x128xf32, #tpu.memory_space<vmem_shared>>) offsets(%dma_start3A_104 : memref<128xi32, #tpu.memory_space<vmem>>) semaphore(%run_scoped3A_101 : memref<!tpu.dma_semaphore, #tpu.memory_space<semaphore_mem>>) {add = true}
      %dma_wait3A_108 = arith.constant 0 : i32
      %dma_wait3A_109 = tpu.memref_slice %arg7[%run_scoped3A_95, %dma_wait3A_108] : memref<40x128xi32, #tpu.memory_space<vmem>> -> memref<1x128xi32, #tpu.memory_space<vmem>>
      %dma_wait3A_110 = tpu.memref_squeeze %dma_wait3A_109 : memref<1x128xi32, #tpu.memory_space<vmem>> -> memref<128xi32, #tpu.memory_space<vmem>>
      %dma_wait3A_111 = arith.constant 0 : i32
      %dma_wait3A_112 = arith.constant 0 : i32
      %dma_wait3A_113 = tpu.memref_slice %arg10[%dma_wait3A_111, %dma_wait3A_112] : memref<10240x128xf32, #tpu.memory_space<vmem_shared>> -> memref<10240x128xf32, #tpu.memory_space<vmem_shared>>
      tpu.wait_indirect_dma semaphore(%run_scoped3A_101 : memref<!tpu.dma_semaphore, #tpu.memory_space<semaphore_mem>>) src(%arg9 : memref<128x128xf32, #tpu.memory_space<vmem>>) dst(%dma_wait3A_113 : memref<10240x128xf32, #tpu.memory_space<vmem_shared>>)
      tpu.yield
    }) : () -> ()
    %barrier3A_96 = arith.constant 0 : index
    tpu.barrier barrier_id(%barrier3A_96)
    %mul3A_97 = arith.constant 640 : i32
    %mul3A_98 = arith.muli %arg1, %mul3A_97 : i32
    %mul3A_99 = arith.constant 640 : i32
    %mul3A_100 = arith.muli %arg1, %mul3A_99 : i32
    "tpu.region"() ({
      %run_scoped3A_101 = tpu.sem_alloc : memref<!tpu.dma_semaphore, #tpu.memory_space<semaphore_mem>>
      %dma_start3A_102 = arith.constant 0 : i32
      %dma_start3A_103 = tpu.memref_slice %arg5[%arg0, %mul3A_100, %dma_start3A_102] : memref<2x10240x128xf32, #tpu.memory_space<hbm>> -> memref<1x640x128xf32, #tpu.memory_space<hbm>>
      %dma_start3A_104 = tpu.memref_squeeze %dma_start3A_103 : memref<1x640x128xf32, #tpu.memory_space<hbm>> -> memref<640x128xf32, #tpu.memory_space<hbm>>
      %dma_start3A_105 = arith.constant 0 : i32
      %dma_start3A_106 = tpu.memref_slice %arg10[%mul3A_98, %dma_start3A_105] : memref<10240x128xf32, #tpu.memory_space<vmem_shared>> -> memref<640x128xf32, #tpu.memory_space<vmem_shared>>
      tpu.enqueue_dma source(%dma_start3A_106 : memref<640x128xf32, #tpu.memory_space<vmem_shared>>) target(%dma_start3A_104 : memref<640x128xf32, #tpu.memory_space<hbm>>) target_semaphore(%run_scoped3A_101 : memref<!tpu.dma_semaphore, #tpu.memory_space<semaphore_mem>>)
      %dma_wait3A_107 = arith.constant 0 : i32
      %dma_wait3A_108 = tpu.memref_slice %arg5[%arg0, %mul3A_100, %dma_wait3A_107] : memref<2x10240x128xf32, #tpu.memory_space<hbm>> -> memref<1x640x128xf32, #tpu.memory_space<hbm>>
      %dma_wait3A_109 = tpu.memref_squeeze %dma_wait3A_108 : memref<1x640x128xf32, #tpu.memory_space<hbm>> -> memref<640x128xf32, #tpu.memory_space<hbm>>
      %dma_wait3A_110 = arith.constant 0 : i32
      %dma_wait3A_111 = tpu.memref_slice %arg10[%mul3A_98, %dma_wait3A_110] : memref<10240x128xf32, #tpu.memory_space<vmem_shared>> -> memref<640x128xf32, #tpu.memory_space<vmem_shared>>
      tpu.wait_dma2 semaphore(%run_scoped3A_101 : memref<!tpu.dma_semaphore, #tpu.memory_space<semaphore_mem>>) src(%dma_wait3A_111 : memref<640x128xf32, #tpu.memory_space<vmem_shared>>) dst(%dma_wait3A_109 : memref<640x128xf32, #tpu.memory_space<hbm>>)
      tpu.yield
    }) : () -> ()
    return
  }
}

#map = affine_map<(d0, d1) -> (0, 0, 0)>
module attributes {stable_mosaic.version = 14 : i64} {
  func.func @_deg_scatter_body(%arg0: i32, %arg1: i32, %arg2: memref<32x80x128xi32, #tpu.memory_space<hbm>>, %arg3: memref<2x10240x128xf32, #tpu.memory_space<hbm>>, %arg4: memref<80x128xi32, #tpu.memory_space<vmem>>, %arg5: memref<128x128xf32, #tpu.memory_space<vmem>>, %arg6: memref<10240x128xf32, #tpu.memory_space<vmem_shared>>) attributes {dimension_semantics = [#tpu.dimension_semantics<core_parallel>, #tpu.dimension_semantics<subcore_parallel>], iteration_bounds = array<i64: 2, 16>, scalar_prefetch = 0 : i64, scratch_operands = 3 : i64, tpu.core_type = #tpu.core_type<sc_vector_subcore>, window_params = [{transform_indices = #map}, {transform_indices = #map}]} {
    %mul3A = arith.constant 2 : i32
    %mul3A_0 = arith.muli %arg1, %mul3A : i32
    %add3A = arith.addi %mul3A_0, %arg0 : i32
    %broadcast_in_dim3A = arith.constant 0.000000e+00 : f32
    %broadcast_in_dim3A_1 = vector.broadcast %broadcast_in_dim3A : f32 to vector<16xf32>
    %scan3A = arith.constant 0 : i32
    %scan3A_2 = arith.constant 0 : i32
    %scan3A_3 = arith.constant 1024 : i32
    %scan3A_4 = arith.addi %scan3A_2, %scan3A_3 : i32
    %scan3A_5 = arith.constant 1 : i32
    scf.for %scan3A_46 = %scan3A_2 to %scan3A_4 step %scan3A_5  : i32 {
      %jit3A = arith.constant 8 : i32
      %div3A = arith.divsi %scan3A_46, %jit3A : i32
      %sign3A = arith.constant 0 : i32
      %sign3A_47 = arith.cmpi sgt, %scan3A_46, %sign3A : i32
      %sign3A_48 = arith.extui %sign3A_47 : i1 to i32
      %sign3A_49 = arith.constant 0 : i32
      %sign3A_50 = arith.cmpi slt, %scan3A_46, %sign3A_49 : i32
      %sign3A_51 = arith.extui %sign3A_50 : i1 to i32
      %sign3A_52 = arith.subi %sign3A_48, %sign3A_51 : i32
      %sign3A_53 = arith.constant 0 : i32
      %sign3A_54 = arith.cmpi sgt, %jit3A, %sign3A_53 : i32
      %sign3A_55 = arith.extui %sign3A_54 : i1 to i32
      %sign3A_56 = arith.constant 0 : i32
      %sign3A_57 = arith.cmpi slt, %jit3A, %sign3A_56 : i32
      %sign3A_58 = arith.extui %sign3A_57 : i1 to i32
      %sign3A_59 = arith.subi %sign3A_55, %sign3A_58 : i32
      %ne3A = arith.cmpi ne, %sign3A_52, %sign3A_59 : i32
      %rem3A = arith.remsi %scan3A_46, %jit3A : i32
      %ne3A_60 = arith.constant 0 : i32
      %ne3A_61 = arith.cmpi ne, %rem3A, %ne3A_60 : i32
      %and3A = arith.andi %ne3A, %ne3A_61 : i1
      %sub3A = arith.constant 1 : i32
      %sub3A_62 = arith.subi %div3A, %sub3A : i32
      %select_n3A = arith.select %and3A, %sub3A_62, %div3A : i32
      %jit3A_63 = arith.constant 8 : i32
      %eq3A = arith.constant 0 : i32
      %eq3A_64 = arith.cmpi eq, %jit3A_63, %eq3A : i32
      %jit3A_65 = arith.constant 1 : i32
      %select_n3A_66 = arith.select %eq3A_64, %jit3A_65, %jit3A_63 : i32
      %rem3A_67 = arith.remsi %scan3A_46, %select_n3A_66 : i32
      %ne3A_68 = arith.constant 0 : i32
      %ne3A_69 = arith.cmpi ne, %rem3A_67, %ne3A_68 : i32
      %lt3A = arith.constant 0 : i32
      %lt3A_70 = arith.cmpi slt, %rem3A_67, %lt3A : i32
      %lt3A_71 = arith.constant 0 : i32
      %lt3A_72 = arith.cmpi slt, %select_n3A_66, %lt3A_71 : i32
      %ne3A_73 = arith.xori %lt3A_70, %lt3A_72 : i1
      %and3A_74 = arith.andi %ne3A_73, %ne3A_69 : i1
      %add3A_75 = arith.addi %rem3A_67, %select_n3A_66 : i32
      %select_n3A_76 = arith.select %and3A_74, %add3A_75, %rem3A_67 : i32
      %mul3A_77 = arith.constant 16 : i32
      %mul3A_78 = arith.muli %select_n3A_76, %mul3A_77 : i32
      %swap3A = arith.index_cast %select_n3A : i32 to index
      %swap3A_79 = arith.index_cast %mul3A_78 : i32 to index
      %swap3A_80 = tpu.vector_load %arg5[%swap3A, %swap3A_79] {strides = array<i32>} : memref<128x128xf32, #tpu.memory_space<vmem>>, vector<1x16xf32>,
      %swap3A_81 = vector.shape_cast %swap3A_80 : vector<1x16xf32> to vector<16xf32>
      %swap3A_82 = vector.shape_cast %broadcast_in_dim3A_1 : vector<16xf32> to vector<1x16xf32>
      tpu.vector_store %arg5[%swap3A, %swap3A_79], %swap3A_82 {strides = array<i32>} : memref<128x128xf32, #tpu.memory_space<vmem>>, vector<1x16xf32>,
    }
    %scan3A_6 = arith.constant 1024 : i32
    %mul3A_7 = arith.constant 640 : i32
    %mul3A_8 = arith.muli %arg1, %mul3A_7 : i32
    %add3A_9 = arith.constant 0 : i32
    %add3A_10 = arith.addi %mul3A_8, %add3A_9 : i32
    "tpu.region"() ({
      %run_scoped3A = tpu.sem_alloc : memref<!tpu.dma_semaphore, #tpu.memory_space<semaphore_mem>>
      %dma_start3A = arith.constant 0 : i32
      %dma_start3A_46 = tpu.memref_slice %arg6[%add3A_10, %dma_start3A] : memref<10240x128xf32, #tpu.memory_space<vmem_shared>> -> memref<128x128xf32, #tpu.memory_space<vmem_shared>>
      %dma_start3A_47 = arith.constant 0 : i32
      %dma_start3A_48 = tpu.memref_slice %arg6[%add3A_10, %dma_start3A_47] : memref<10240x128xf32, #tpu.memory_space<vmem_shared>> -> memref<128x128xf32, #tpu.memory_space<vmem_shared>>
      tpu.enqueue_dma source(%arg5 : memref<128x128xf32, #tpu.memory_space<vmem>>) target(%dma_start3A_48 : memref<128x128xf32, #tpu.memory_space<vmem_shared>>) target_semaphore(%run_scoped3A : memref<!tpu.dma_semaphore, #tpu.memory_space<semaphore_mem>>)
      %dma_wait3A = arith.constant 0 : i32
      %dma_wait3A_49 = tpu.memref_slice %arg6[%add3A_10, %dma_wait3A] : memref<10240x128xf32, #tpu.memory_space<vmem_shared>> -> memref<128x128xf32, #tpu.memory_space<vmem_shared>>
      %dma_wait3A_50 = arith.constant 0 : i32
      %dma_wait3A_51 = tpu.memref_slice %arg6[%add3A_10, %dma_wait3A_50] : memref<10240x128xf32, #tpu.memory_space<vmem_shared>> -> memref<128x128xf32, #tpu.memory_space<vmem_shared>>
      tpu.wait_dma2 semaphore(%run_scoped3A : memref<!tpu.dma_semaphore, #tpu.memory_space<semaphore_mem>>) src(%arg5 : memref<128x128xf32, #tpu.memory_space<vmem>>) dst(%dma_wait3A_51 : memref<128x128xf32, #tpu.memory_space<vmem_shared>>)
      tpu.yield
    }) : () -> ()
    %mul3A_11 = arith.constant 640 : i32
    %mul3A_12 = arith.muli %arg1, %mul3A_11 : i32
    %add3A_13 = arith.constant 128 : i32
    %add3A_14 = arith.addi %mul3A_12, %add3A_13 : i32
    "tpu.region"() ({
      %run_scoped3A = tpu.sem_alloc : memref<!tpu.dma_semaphore, #tpu.memory_space<semaphore_mem>>
      %dma_start3A = arith.constant 0 : i32
      %dma_start3A_46 = tpu.memref_slice %arg6[%add3A_14, %dma_start3A] : memref<10240x128xf32, #tpu.memory_space<vmem_shared>> -> memref<128x128xf32, #tpu.memory_space<vmem_shared>>
      %dma_start3A_47 = arith.constant 0 : i32
      %dma_start3A_48 = tpu.memref_slice %arg6[%add3A_14, %dma_start3A_47] : memref<10240x128xf32, #tpu.memory_space<vmem_shared>> -> memref<128x128xf32, #tpu.memory_space<vmem_shared>>
      tpu.enqueue_dma source(%arg5 : memref<128x128xf32, #tpu.memory_space<vmem>>) target(%dma_start3A_48 : memref<128x128xf32, #tpu.memory_space<vmem_shared>>) target_semaphore(%run_scoped3A : memref<!tpu.dma_semaphore, #tpu.memory_space<semaphore_mem>>)
      %dma_wait3A = arith.constant 0 : i32
      %dma_wait3A_49 = tpu.memref_slice %arg6[%add3A_14, %dma_wait3A] : memref<10240x128xf32, #tpu.memory_space<vmem_shared>> -> memref<128x128xf32, #tpu.memory_space<vmem_shared>>
      %dma_wait3A_50 = arith.constant 0 : i32
      %dma_wait3A_51 = tpu.memref_slice %arg6[%add3A_14, %dma_wait3A_50] : memref<10240x128xf32, #tpu.memory_space<vmem_shared>> -> memref<128x128xf32, #tpu.memory_space<vmem_shared>>
      tpu.wait_dma2 semaphore(%run_scoped3A : memref<!tpu.dma_semaphore, #tpu.memory_space<semaphore_mem>>) src(%arg5 : memref<128x128xf32, #tpu.memory_space<vmem>>) dst(%dma_wait3A_51 : memref<128x128xf32, #tpu.memory_space<vmem_shared>>)
      tpu.yield
    }) : () -> ()
    %mul3A_15 = arith.constant 640 : i32
    %mul3A_16 = arith.muli %arg1, %mul3A_15 : i32
    %add3A_17 = arith.constant 256 : i32
    %add3A_18 = arith.addi %mul3A_16, %add3A_17 : i32
    "tpu.region"() ({
      %run_scoped3A = tpu.sem_alloc : memref<!tpu.dma_semaphore, #tpu.memory_space<semaphore_mem>>
      %dma_start3A = arith.constant 0 : i32
      %dma_start3A_46 = tpu.memref_slice %arg6[%add3A_18, %dma_start3A] : memref<10240x128xf32, #tpu.memory_space<vmem_shared>> -> memref<128x128xf32, #tpu.memory_space<vmem_shared>>
      %dma_start3A_47 = arith.constant 0 : i32
      %dma_start3A_48 = tpu.memref_slice %arg6[%add3A_18, %dma_start3A_47] : memref<10240x128xf32, #tpu.memory_space<vmem_shared>> -> memref<128x128xf32, #tpu.memory_space<vmem_shared>>
      tpu.enqueue_dma source(%arg5 : memref<128x128xf32, #tpu.memory_space<vmem>>) target(%dma_start3A_48 : memref<128x128xf32, #tpu.memory_space<vmem_shared>>) target_semaphore(%run_scoped3A : memref<!tpu.dma_semaphore, #tpu.memory_space<semaphore_mem>>)
      %dma_wait3A = arith.constant 0 : i32
      %dma_wait3A_49 = tpu.memref_slice %arg6[%add3A_18, %dma_wait3A] : memref<10240x128xf32, #tpu.memory_space<vmem_shared>> -> memref<128x128xf32, #tpu.memory_space<vmem_shared>>
      %dma_wait3A_50 = arith.constant 0 : i32
      %dma_wait3A_51 = tpu.memref_slice %arg6[%add3A_18, %dma_wait3A_50] : memref<10240x128xf32, #tpu.memory_space<vmem_shared>> -> memref<128x128xf32, #tpu.memory_space<vmem_shared>>
      tpu.wait_dma2 semaphore(%run_scoped3A : memref<!tpu.dma_semaphore, #tpu.memory_space<semaphore_mem>>) src(%arg5 : memref<128x128xf32, #tpu.memory_space<vmem>>) dst(%dma_wait3A_51 : memref<128x128xf32, #tpu.memory_space<vmem_shared>>)
      tpu.yield
    }) : () -> ()
    %mul3A_19 = arith.constant 640 : i32
    %mul3A_20 = arith.muli %arg1, %mul3A_19 : i32
    %add3A_21 = arith.constant 384 : i32
    %add3A_22 = arith.addi %mul3A_20, %add3A_21 : i32
    "tpu.region"() ({
      %run_scoped3A = tpu.sem_alloc : memref<!tpu.dma_semaphore, #tpu.memory_space<semaphore_mem>>
      %dma_start3A = arith.constant 0 : i32
      %dma_start3A_46 = tpu.memref_slice %arg6[%add3A_22, %dma_start3A] : memref<10240x128xf32, #tpu.memory_space<vmem_shared>> -> memref<128x128xf32, #tpu.memory_space<vmem_shared>>
      %dma_start3A_47 = arith.constant 0 : i32
      %dma_start3A_48 = tpu.memref_slice %arg6[%add3A_22, %dma_start3A_47] : memref<10240x128xf32, #tpu.memory_space<vmem_shared>> -> memref<128x128xf32, #tpu.memory_space<vmem_shared>>
      tpu.enqueue_dma source(%arg5 : memref<128x128xf32, #tpu.memory_space<vmem>>) target(%dma_start3A_48 : memref<128x128xf32, #tpu.memory_space<vmem_shared>>) target_semaphore(%run_scoped3A : memref<!tpu.dma_semaphore, #tpu.memory_space<semaphore_mem>>)
      %dma_wait3A = arith.constant 0 : i32
      %dma_wait3A_49 = tpu.memref_slice %arg6[%add3A_22, %dma_wait3A] : memref<10240x128xf32, #tpu.memory_space<vmem_shared>> -> memref<128x128xf32, #tpu.memory_space<vmem_shared>>
      %dma_wait3A_50 = arith.constant 0 : i32
      %dma_wait3A_51 = tpu.memref_slice %arg6[%add3A_22, %dma_wait3A_50] : memref<10240x128xf32, #tpu.memory_space<vmem_shared>> -> memref<128x128xf32, #tpu.memory_space<vmem_shared>>
      tpu.wait_dma2 semaphore(%run_scoped3A : memref<!tpu.dma_semaphore, #tpu.memory_space<semaphore_mem>>) src(%arg5 : memref<128x128xf32, #tpu.memory_space<vmem>>) dst(%dma_wait3A_51 : memref<128x128xf32, #tpu.memory_space<vmem_shared>>)
      tpu.yield
    }) : () -> ()
    %mul3A_23 = arith.constant 640 : i32
    %mul3A_24 = arith.muli %arg1, %mul3A_23 : i32
    %add3A_25 = arith.constant 512 : i32
    %add3A_26 = arith.addi %mul3A_24, %add3A_25 : i32
    "tpu.region"() ({
      %run_scoped3A = tpu.sem_alloc : memref<!tpu.dma_semaphore, #tpu.memory_space<semaphore_mem>>
      %dma_start3A = arith.constant 0 : i32
      %dma_start3A_46 = tpu.memref_slice %arg6[%add3A_26, %dma_start3A] : memref<10240x128xf32, #tpu.memory_space<vmem_shared>> -> memref<128x128xf32, #tpu.memory_space<vmem_shared>>
      %dma_start3A_47 = arith.constant 0 : i32
      %dma_start3A_48 = tpu.memref_slice %arg6[%add3A_26, %dma_start3A_47] : memref<10240x128xf32, #tpu.memory_space<vmem_shared>> -> memref<128x128xf32, #tpu.memory_space<vmem_shared>>
      tpu.enqueue_dma source(%arg5 : memref<128x128xf32, #tpu.memory_space<vmem>>) target(%dma_start3A_48 : memref<128x128xf32, #tpu.memory_space<vmem_shared>>) target_semaphore(%run_scoped3A : memref<!tpu.dma_semaphore, #tpu.memory_space<semaphore_mem>>)
      %dma_wait3A = arith.constant 0 : i32
      %dma_wait3A_49 = tpu.memref_slice %arg6[%add3A_26, %dma_wait3A] : memref<10240x128xf32, #tpu.memory_space<vmem_shared>> -> memref<128x128xf32, #tpu.memory_space<vmem_shared>>
      %dma_wait3A_50 = arith.constant 0 : i32
      %dma_wait3A_51 = tpu.memref_slice %arg6[%add3A_26, %dma_wait3A_50] : memref<10240x128xf32, #tpu.memory_space<vmem_shared>> -> memref<128x128xf32, #tpu.memory_space<vmem_shared>>
      tpu.wait_dma2 semaphore(%run_scoped3A : memref<!tpu.dma_semaphore, #tpu.memory_space<semaphore_mem>>) src(%arg5 : memref<128x128xf32, #tpu.memory_space<vmem>>) dst(%dma_wait3A_51 : memref<128x128xf32, #tpu.memory_space<vmem_shared>>)
      tpu.yield
    }) : () -> ()
    "tpu.region"() ({
      %run_scoped3A = tpu.sem_alloc : memref<!tpu.dma_semaphore, #tpu.memory_space<semaphore_mem>>
      %dma_start3A = arith.constant 0 : i32
      %dma_start3A_46 = arith.constant 0 : i32
      %dma_start3A_47 = tpu.memref_slice %arg2[%add3A, %dma_start3A, %dma_start3A_46] : memref<32x80x128xi32, #tpu.memory_space<hbm>> -> memref<1x80x128xi32, #tpu.memory_space<hbm>>
      %dma_start3A_48 = tpu.memref_squeeze %dma_start3A_47 : memref<1x80x128xi32, #tpu.memory_space<hbm>> -> memref<80x128xi32, #tpu.memory_space<hbm>>
      %dma_start3A_49 = arith.constant 0 : i32
      %dma_start3A_50 = arith.constant 0 : i32
      %dma_start3A_51 = tpu.memref_slice %arg2[%add3A, %dma_start3A_49, %dma_start3A_50] : memref<32x80x128xi32, #tpu.memory_space<hbm>> -> memref<1x80x128xi32, #tpu.memory_space<hbm>>
      %dma_start3A_52 = tpu.memref_squeeze %dma_start3A_51 : memref<1x80x128xi32, #tpu.memory_space<hbm>> -> memref<80x128xi32, #tpu.memory_space<hbm>>
      tpu.enqueue_dma source(%dma_start3A_52 : memref<80x128xi32, #tpu.memory_space<hbm>>) target(%arg4 : memref<80x128xi32, #tpu.memory_space<vmem>>) target_semaphore(%run_scoped3A : memref<!tpu.dma_semaphore, #tpu.memory_space<semaphore_mem>>)
      %dma_wait3A = arith.constant 0 : i32
      %dma_wait3A_53 = arith.constant 0 : i32
      %dma_wait3A_54 = tpu.memref_slice %arg2[%add3A, %dma_wait3A, %dma_wait3A_53] : memref<32x80x128xi32, #tpu.memory_space<hbm>> -> memref<1x80x128xi32, #tpu.memory_space<hbm>>
      %dma_wait3A_55 = tpu.memref_squeeze %dma_wait3A_54 : memref<1x80x128xi32, #tpu.memory_space<hbm>> -> memref<80x128xi32, #tpu.memory_space<hbm>>
      %dma_wait3A_56 = arith.constant 0 : i32
      %dma_wait3A_57 = arith.constant 0 : i32
      %dma_wait3A_58 = tpu.memref_slice %arg2[%add3A, %dma_wait3A_56, %dma_wait3A_57] : memref<32x80x128xi32, #tpu.memory_space<hbm>> -> memref<1x80x128xi32, #tpu.memory_space<hbm>>
      %dma_wait3A_59 = tpu.memref_squeeze %dma_wait3A_58 : memref<1x80x128xi32, #tpu.memory_space<hbm>> -> memref<80x128xi32, #tpu.memory_space<hbm>>
      tpu.wait_dma2 semaphore(%run_scoped3A : memref<!tpu.dma_semaphore, #tpu.memory_space<semaphore_mem>>) src(%dma_wait3A_59 : memref<80x128xi32, #tpu.memory_space<hbm>>) dst(%arg4 : memref<80x128xi32, #tpu.memory_space<vmem>>)
      tpu.yield
    }) : () -> ()
    %broadcast_in_dim3A_27 = arith.constant 1.000000e+00 : f32
    %broadcast_in_dim3A_28 = vector.broadcast %broadcast_in_dim3A_27 : f32 to vector<16xf32>
    %scan3A_29 = arith.constant 0 : i32
    %scan3A_30 = arith.constant 0 : i32
    %scan3A_31 = arith.constant 1024 : i32
    %scan3A_32 = arith.addi %scan3A_30, %scan3A_31 : i32
    %scan3A_33 = arith.constant 1 : i32
    scf.for %scan3A_46 = %scan3A_30 to %scan3A_32 step %scan3A_33  : i32 {
      %jit3A = arith.constant 8 : i32
      %div3A = arith.divsi %scan3A_46, %jit3A : i32
      %sign3A = arith.constant 0 : i32
      %sign3A_47 = arith.cmpi sgt, %scan3A_46, %sign3A : i32
      %sign3A_48 = arith.extui %sign3A_47 : i1 to i32
      %sign3A_49 = arith.constant 0 : i32
      %sign3A_50 = arith.cmpi slt, %scan3A_46, %sign3A_49 : i32
      %sign3A_51 = arith.extui %sign3A_50 : i1 to i32
      %sign3A_52 = arith.subi %sign3A_48, %sign3A_51 : i32
      %sign3A_53 = arith.constant 0 : i32
      %sign3A_54 = arith.cmpi sgt, %jit3A, %sign3A_53 : i32
      %sign3A_55 = arith.extui %sign3A_54 : i1 to i32
      %sign3A_56 = arith.constant 0 : i32
      %sign3A_57 = arith.cmpi slt, %jit3A, %sign3A_56 : i32
      %sign3A_58 = arith.extui %sign3A_57 : i1 to i32
      %sign3A_59 = arith.subi %sign3A_55, %sign3A_58 : i32
      %ne3A = arith.cmpi ne, %sign3A_52, %sign3A_59 : i32
      %rem3A = arith.remsi %scan3A_46, %jit3A : i32
      %ne3A_60 = arith.constant 0 : i32
      %ne3A_61 = arith.cmpi ne, %rem3A, %ne3A_60 : i32
      %and3A = arith.andi %ne3A, %ne3A_61 : i1
      %sub3A = arith.constant 1 : i32
      %sub3A_62 = arith.subi %div3A, %sub3A : i32
      %select_n3A = arith.select %and3A, %sub3A_62, %div3A : i32
      %jit3A_63 = arith.constant 8 : i32
      %eq3A = arith.constant 0 : i32
      %eq3A_64 = arith.cmpi eq, %jit3A_63, %eq3A : i32
      %jit3A_65 = arith.constant 1 : i32
      %select_n3A_66 = arith.select %eq3A_64, %jit3A_65, %jit3A_63 : i32
      %rem3A_67 = arith.remsi %scan3A_46, %select_n3A_66 : i32
      %ne3A_68 = arith.constant 0 : i32
      %ne3A_69 = arith.cmpi ne, %rem3A_67, %ne3A_68 : i32
      %lt3A = arith.constant 0 : i32
      %lt3A_70 = arith.cmpi slt, %rem3A_67, %lt3A : i32
      %lt3A_71 = arith.constant 0 : i32
      %lt3A_72 = arith.cmpi slt, %select_n3A_66, %lt3A_71 : i32
      %ne3A_73 = arith.xori %lt3A_70, %lt3A_72 : i1
      %and3A_74 = arith.andi %ne3A_73, %ne3A_69 : i1
      %add3A_75 = arith.addi %rem3A_67, %select_n3A_66 : i32
      %select_n3A_76 = arith.select %and3A_74, %add3A_75, %rem3A_67 : i32
      %mul3A_77 = arith.constant 16 : i32
      %mul3A_78 = arith.muli %select_n3A_76, %mul3A_77 : i32
      %swap3A = arith.index_cast %select_n3A : i32 to index
      %swap3A_79 = arith.index_cast %mul3A_78 : i32 to index
      %swap3A_80 = tpu.vector_load %arg5[%swap3A, %swap3A_79] {strides = array<i32>} : memref<128x128xf32, #tpu.memory_space<vmem>>, vector<1x16xf32>,
      %swap3A_81 = vector.shape_cast %swap3A_80 : vector<1x16xf32> to vector<16xf32>
      %swap3A_82 = vector.shape_cast %broadcast_in_dim3A_28 : vector<16xf32> to vector<1x16xf32>
      tpu.vector_store %arg5[%swap3A, %swap3A_79], %swap3A_82 {strides = array<i32>} : memref<128x128xf32, #tpu.memory_space<vmem>>, vector<1x16xf32>,
    }
    %scan3A_34 = arith.constant 1024 : i32
    %barrier3A = arith.constant 0 : index
    tpu.barrier barrier_id(%barrier3A)
    %scan3A_35 = arith.constant 0 : i32
    %scan3A_36 = arith.constant 0 : i32
    %scan3A_37 = arith.constant 80 : i32
    %scan3A_38 = arith.addi %scan3A_36, %scan3A_37 : i32
    %scan3A_39 = arith.constant 1 : i32
    scf.for %scan3A_46 = %scan3A_36 to %scan3A_38 step %scan3A_39  : i32 {
      "tpu.region"() ({
        %run_scoped3A = tpu.sem_alloc : memref<!tpu.dma_semaphore, #tpu.memory_space<semaphore_mem>>
        %dma_start3A = arith.constant 0 : i32
        %dma_start3A_47 = tpu.memref_slice %arg4[%scan3A_46, %dma_start3A] : memref<80x128xi32, #tpu.memory_space<vmem>> -> memref<1x128xi32, #tpu.memory_space<vmem>>
        %dma_start3A_48 = tpu.memref_squeeze %dma_start3A_47 : memref<1x128xi32, #tpu.memory_space<vmem>> -> memref<128xi32, #tpu.memory_space<vmem>>
        %dma_start3A_49 = arith.constant 0 : i32
        %dma_start3A_50 = arith.constant 0 : i32
        %dma_start3A_51 = tpu.memref_slice %arg6[%dma_start3A_49, %dma_start3A_50] : memref<10240x128xf32, #tpu.memory_space<vmem_shared>> -> memref<10240x128xf32, #tpu.memory_space<vmem_shared>>
        tpu.enqueue_indirect_dma source(%arg5 : memref<128x128xf32, #tpu.memory_space<vmem>>) target(%dma_start3A_51 : memref<10240x128xf32, #tpu.memory_space<vmem_shared>>) offsets(%dma_start3A_48 : memref<128xi32, #tpu.memory_space<vmem>>) semaphore(%run_scoped3A : memref<!tpu.dma_semaphore, #tpu.memory_space<semaphore_mem>>) {add = true}
        %dma_wait3A = arith.constant 0 : i32
        %dma_wait3A_52 = tpu.memref_slice %arg4[%scan3A_46, %dma_wait3A] : memref<80x128xi32, #tpu.memory_space<vmem>> -> memref<1x128xi32, #tpu.memory_space<vmem>>
        %dma_wait3A_53 = tpu.memref_squeeze %dma_wait3A_52 : memref<1x128xi32, #tpu.memory_space<vmem>> -> memref<128xi32, #tpu.memory_space<vmem>>
        %dma_wait3A_54 = arith.constant 0 : i32
        %dma_wait3A_55 = arith.constant 0 : i32
        %dma_wait3A_56 = tpu.memref_slice %arg6[%dma_wait3A_54, %dma_wait3A_55] : memref<10240x128xf32, #tpu.memory_space<vmem_shared>> -> memref<10240x128xf32, #tpu.memory_space<vmem_shared>>
        tpu.wait_indirect_dma semaphore(%run_scoped3A : memref<!tpu.dma_semaphore, #tpu.memory_space<semaphore_mem>>) src(%arg5 : memref<128x128xf32, #tpu.memory_space<vmem>>) dst(%dma_wait3A_56 : memref<10240x128xf32, #tpu.memory_space<vmem_shared>>)
        tpu.yield
      }) : () -> ()
    }
    %scan3A_40 = arith.constant 80 : i32
    %barrier3A_41 = arith.constant 0 : index
    tpu.barrier barrier_id(%barrier3A_41)
    %mul3A_42 = arith.constant 640 : i32
    %mul3A_43 = arith.muli %arg1, %mul3A_42 : i32
    %mul3A_44 = arith.constant 640 : i32
    %mul3A_45 = arith.muli %arg1, %mul3A_44 : i32
    "tpu.region"() ({
      %run_scoped3A = tpu.sem_alloc : memref<!tpu.dma_semaphore, #tpu.memory_space<semaphore_mem>>
      %dma_start3A = arith.constant 0 : i32
      %dma_start3A_46 = tpu.memref_slice %arg3[%arg0, %mul3A_45, %dma_start3A] : memref<2x10240x128xf32, #tpu.memory_space<hbm>> -> memref<1x640x128xf32, #tpu.memory_space<hbm>>
      %dma_start3A_47 = tpu.memref_squeeze %dma_start3A_46 : memref<1x640x128xf32, #tpu.memory_space<hbm>> -> memref<640x128xf32, #tpu.memory_space<hbm>>
      %dma_start3A_48 = arith.constant 0 : i32
      %dma_start3A_49 = tpu.memref_slice %arg6[%mul3A_43, %dma_start3A_48] : memref<10240x128xf32, #tpu.memory_space<vmem_shared>> -> memref<640x128xf32, #tpu.memory_space<vmem_shared>>
      tpu.enqueue_dma source(%dma_start3A_49 : memref<640x128xf32, #tpu.memory_space<vmem_shared>>) target(%dma_start3A_47 : memref<640x128xf32, #tpu.memory_space<hbm>>) target_semaphore(%run_scoped3A : memref<!tpu.dma_semaphore, #tpu.memory_space<semaphore_mem>>)
      %dma_wait3A = arith.constant 0 : i32
      %dma_wait3A_50 = tpu.memref_slice %arg3[%arg0, %mul3A_45, %dma_wait3A] : memref<2x10240x128xf32, #tpu.memory_space<hbm>> -> memref<1x640x128xf32, #tpu.memory_space<hbm>>
      %dma_wait3A_51 = tpu.memref_squeeze %dma_wait3A_50 : memref<1x640x128xf32, #tpu.memory_space<hbm>> -> memref<640x128xf32, #tpu.memory_space<hbm>>
      %dma_wait3A_52 = arith.constant 0 : i32
      %dma_wait3A_53 = tpu.memref_slice %arg6[%mul3A_43, %dma_wait3A_52] : memref<10240x128xf32, #tpu.memory_space<vmem_shared>> -> memref<640x128xf32, #tpu.memory_space<vmem_shared>>
      tpu.wait_dma2 semaphore(%run_scoped3A : memref<!tpu.dma_semaphore, #tpu.memory_space<semaphore_mem>>) src(%dma_wait3A_53 : memref<640x128xf32, #tpu.memory_space<vmem_shared>>) dst(%dma_wait3A_51 : memref<640x128xf32, #tpu.memory_space<hbm>>)
      tpu.yield
    }) : () -> ()
    return
  }
}

module attributes {stable_mosaic.version = 14 : i64} {
  func.func @_m1_body(%arg0: memref<10000x128xf32, #tpu.memory_space<vmem>>, %arg1: memref<128x128xf32, #tpu.memory_space<vmem>>, %arg2: memref<10000x1xf32, #tpu.memory_space<vmem>>, %arg3: memref<10000x1xf32, #tpu.memory_space<vmem>>, %arg4: memref<10000x128xf32, #tpu.memory_space<vmem>>, %arg5: memref<10000x128xf32, #tpu.memory_space<vmem>>, %arg6: memref<10000x1xf32, #tpu.memory_space<vmem>>, %arg7: memref<10000x1xf32, #tpu.memory_space<vmem>>) attributes {dimension_semantics = [], scalar_prefetch = 0 : i64, scratch_operands = 0 : i64, tpu.core_type = #tpu.core_type<tc>} {
    %get3A = arith.constant 0 : index
    %get3A_0 = arith.constant 0 : index
    %get3A_1 = vector.load %arg2[%get3A, %get3A_0] : memref<10000x1xf32, #tpu.memory_space<vmem>>, vector<10000x1xf32>
    %get3A_2 = arith.constant 0 : index
    %get3A_3 = arith.constant 0 : index
    %get3A_4 = vector.load %arg3[%get3A_2, %get3A_3] : memref<10000x1xf32, #tpu.memory_space<vmem>>, vector<10000x1xf32>
    %add3A = arith.addf %get3A_1, %get3A_4 : vector<10000x1xf32>
    %add3A_5 = arith.constant 1.000000e+00 : f32
    %add3A_6 = vector.broadcast %add3A_5 : f32 to vector<10000x1xf32>
    %add3A_7 = arith.addf %add3A, %add3A_6 : vector<10000x1xf32>
    %sqrt3A = math.sqrt %add3A_7 : vector<10000x1xf32>
    %div3A = arith.constant 1.000000e+00 : f32
    %div3A_8 = vector.broadcast %div3A : f32 to vector<10000x1xf32>
    %div3A_9 = arith.divf %div3A_8, %sqrt3A : vector<10000x1xf32>
    %get3A_10 = arith.constant 0 : index
    %get3A_11 = arith.constant 0 : index
    %get3A_12 = vector.load %arg0[%get3A_10, %get3A_11] : memref<10000x128xf32, #tpu.memory_space<vmem>>, vector<10000x128xf32>
    %get3A_13 = arith.constant 0 : index
    %get3A_14 = arith.constant 0 : index
    %get3A_15 = vector.load %arg1[%get3A_13, %get3A_14] : memref<128x128xf32, #tpu.memory_space<vmem>>, vector<128x128xf32>
    %dot_general3A = arith.constant dense<0.000000e+00> : vector<10000x128xf32>
    %dot_general3A_16 = tpu.matmul %get3A_12, %get3A_15, %dot_general3A {dimension_numbers = #tpu.dot_dimension_numbers<[1], [0], [0], [1], [0, 0, 1, 1], [], []>, transpose_lhs_hint = false} : vector<10000x128xf32>, vector<128x128xf32>, vector<10000x128xf32> -> vector<10000x128xf32>
    %swap3A = arith.constant 0 : index
    %swap3A_17 = arith.constant 0 : index
    %swap3A_18 = vector.load %arg4[%swap3A, %swap3A_17] : memref<10000x128xf32, #tpu.memory_space<vmem>>, vector<10000x128xf32>
    tpu.vector_store %arg4[%swap3A, %swap3A_17], %dot_general3A_16 {strides = array<i32>} : memref<10000x128xf32, #tpu.memory_space<vmem>>, vector<10000x128xf32>,
    %mul3A = vector.broadcast %div3A_9 : vector<10000x1xf32> to vector<10000x128xf32>
    %mul3A_19 = arith.mulf %mul3A, %dot_general3A_16 : vector<10000x128xf32>
    %swap3A_20 = arith.constant 0 : index
    %swap3A_21 = arith.constant 0 : index
    %swap3A_22 = vector.load %arg5[%swap3A_20, %swap3A_21] : memref<10000x128xf32, #tpu.memory_space<vmem>>, vector<10000x128xf32>
    tpu.vector_store %arg5[%swap3A_20, %swap3A_21], %mul3A_19 {strides = array<i32>} : memref<10000x128xf32, #tpu.memory_space<vmem>>, vector<10000x128xf32>,
    %swap3A_23 = arith.constant 0 : index
    %swap3A_24 = arith.constant 0 : index
    %swap3A_25 = vector.load %arg6[%swap3A_23, %swap3A_24] : memref<10000x1xf32, #tpu.memory_space<vmem>>, vector<10000x1xf32>
    tpu.vector_store %arg6[%swap3A_23, %swap3A_24], %div3A_9 {strides = array<i32>} : memref<10000x1xf32, #tpu.memory_space<vmem>>, vector<10000x1xf32>,
    %div3A_26 = arith.constant 1.000000e+00 : f32
    %div3A_27 = vector.broadcast %div3A_26 : f32 to vector<10000x1xf32>
    %div3A_28 = arith.divf %div3A_27, %add3A_7 : vector<10000x1xf32>
    %swap3A_29 = arith.constant 0 : index
    %swap3A_30 = arith.constant 0 : index
    %swap3A_31 = vector.load %arg7[%swap3A_29, %swap3A_30] : memref<10000x1xf32, #tpu.memory_space<vmem>>, vector<10000x1xf32>
    tpu.vector_store %arg7[%swap3A_29, %swap3A_30], %div3A_28 {strides = array<i32>} : memref<10000x1xf32, #tpu.memory_space<vmem>>, vector<10000x1xf32>,
    return
  }
}

module attributes {stable_mosaic.version = 14 : i64} {
  func.func @_m2_body(%arg0: memref<10000x128xf32, #tpu.memory_space<vmem>>, %arg1: memref<10000x128xf32, #tpu.memory_space<vmem>>, %arg2: memref<10000x128xf32, #tpu.memory_space<vmem>>, %arg3: memref<10000x1xf32, #tpu.memory_space<vmem>>, %arg4: memref<10000x1xf32, #tpu.memory_space<vmem>>, %arg5: memref<1x128xf32, #tpu.memory_space<vmem>>, %arg6: memref<128x128xf32, #tpu.memory_space<vmem>>, %arg7: memref<10000x128xf32, #tpu.memory_space<vmem>>, %arg8: memref<10000x128xf32, #tpu.memory_space<vmem>>) attributes {dimension_semantics = [], scalar_prefetch = 0 : i64, scratch_operands = 0 : i64, tpu.core_type = #tpu.core_type<tc>} {
    %get3A = arith.constant 0 : index
    %get3A_0 = arith.constant 0 : index
    %get3A_1 = vector.load %arg3[%get3A, %get3A_0] : memref<10000x1xf32, #tpu.memory_space<vmem>>, vector<10000x1xf32>
    %get3A_2 = arith.constant 0 : index
    %get3A_3 = arith.constant 0 : index
    %get3A_4 = vector.load %arg0[%get3A_2, %get3A_3] : memref<10000x128xf32, #tpu.memory_space<vmem>>, vector<10000x128xf32>
    %get3A_5 = arith.constant 0 : index
    %get3A_6 = arith.constant 0 : index
    %get3A_7 = vector.load %arg1[%get3A_5, %get3A_6] : memref<10000x128xf32, #tpu.memory_space<vmem>>, vector<10000x128xf32>
    %add3A = arith.addf %get3A_4, %get3A_7 : vector<10000x128xf32>
    %mul3A = vector.broadcast %get3A_1 : vector<10000x1xf32> to vector<10000x128xf32>
    %mul3A_8 = arith.mulf %mul3A, %add3A : vector<10000x128xf32>
    %get3A_9 = arith.constant 0 : index
    %get3A_10 = arith.constant 0 : index
    %get3A_11 = vector.load %arg4[%get3A_9, %get3A_10] : memref<10000x1xf32, #tpu.memory_space<vmem>>, vector<10000x1xf32>
    %get3A_12 = arith.constant 0 : index
    %get3A_13 = arith.constant 0 : index
    %get3A_14 = vector.load %arg2[%get3A_12, %get3A_13] : memref<10000x128xf32, #tpu.memory_space<vmem>>, vector<10000x128xf32>
    %mul3A_15 = vector.broadcast %get3A_11 : vector<10000x1xf32> to vector<10000x128xf32>
    %mul3A_16 = arith.mulf %mul3A_15, %get3A_14 : vector<10000x128xf32>
    %add3A_17 = arith.addf %mul3A_8, %mul3A_16 : vector<10000x128xf32>
    %get3A_18 = arith.constant 0 : index
    %get3A_19 = arith.constant 0 : index
    %get3A_20 = vector.load %arg5[%get3A_18, %get3A_19] : memref<1x128xf32, #tpu.memory_space<vmem>>, vector<1x128xf32>
    %add3A_21 = vector.broadcast %get3A_20 : vector<1x128xf32> to vector<10000x128xf32>
    %add3A_22 = arith.addf %add3A_17, %add3A_21 : vector<10000x128xf32>
    %max3A = arith.constant 0.000000e+00 : f32
    %max3A_23 = vector.broadcast %max3A : f32 to vector<10000x128xf32>
    %max3A_24 = arith.maximumf %add3A_22, %max3A_23 : vector<10000x128xf32>
    %get3A_25 = arith.constant 0 : index
    %get3A_26 = arith.constant 0 : index
    %get3A_27 = vector.load %arg6[%get3A_25, %get3A_26] : memref<128x128xf32, #tpu.memory_space<vmem>>, vector<128x128xf32>
    %dot_general3A = arith.constant dense<0.000000e+00> : vector<10000x128xf32>
    %dot_general3A_28 = tpu.matmul %max3A_24, %get3A_27, %dot_general3A {dimension_numbers = #tpu.dot_dimension_numbers<[1], [0], [0], [1], [0, 0, 1, 1], [], []>, transpose_lhs_hint = false} : vector<10000x128xf32>, vector<128x128xf32>, vector<10000x128xf32> -> vector<10000x128xf32>
    %swap3A = arith.constant 0 : index
    %swap3A_29 = arith.constant 0 : index
    %swap3A_30 = vector.load %arg7[%swap3A, %swap3A_29] : memref<10000x128xf32, #tpu.memory_space<vmem>>, vector<10000x128xf32>
    tpu.vector_store %arg7[%swap3A, %swap3A_29], %dot_general3A_28 {strides = array<i32>} : memref<10000x128xf32, #tpu.memory_space<vmem>>, vector<10000x128xf32>,
    %mul3A_31 = vector.broadcast %get3A_1 : vector<10000x1xf32> to vector<10000x128xf32>
    %mul3A_32 = arith.mulf %mul3A_31, %dot_general3A_28 : vector<10000x128xf32>
    %swap3A_33 = arith.constant 0 : index
    %swap3A_34 = arith.constant 0 : index
    %swap3A_35 = vector.load %arg8[%swap3A_33, %swap3A_34] : memref<10000x128xf32, #tpu.memory_space<vmem>>, vector<10000x128xf32>
    tpu.vector_store %arg8[%swap3A_33, %swap3A_34], %mul3A_32 {strides = array<i32>} : memref<10000x128xf32, #tpu.memory_space<vmem>>, vector<10000x128xf32>,
    return
  }
}

module attributes {stable_mosaic.version = 14 : i64} {
  func.func @_m3_body(%arg0: memref<10000x128xf32, #tpu.memory_space<vmem>>, %arg1: memref<10000x128xf32, #tpu.memory_space<vmem>>, %arg2: memref<10000x128xf32, #tpu.memory_space<vmem>>, %arg3: memref<10000x1xf32, #tpu.memory_space<vmem>>, %arg4: memref<10000x1xf32, #tpu.memory_space<vmem>>, %arg5: memref<1x128xf32, #tpu.memory_space<vmem>>, %arg6: memref<10000x128xf32, #tpu.memory_space<vmem>>) attributes {dimension_semantics = [], scalar_prefetch = 0 : i64, scratch_operands = 0 : i64, tpu.core_type = #tpu.core_type<tc>} {
    %get3A = arith.constant 0 : index
    %get3A_0 = arith.constant 0 : index
    %get3A_1 = vector.load %arg3[%get3A, %get3A_0] : memref<10000x1xf32, #tpu.memory_space<vmem>>, vector<10000x1xf32>
    %get3A_2 = arith.constant 0 : index
    %get3A_3 = arith.constant 0 : index
    %get3A_4 = vector.load %arg0[%get3A_2, %get3A_3] : memref<10000x128xf32, #tpu.memory_space<vmem>>, vector<10000x128xf32>
    %get3A_5 = arith.constant 0 : index
    %get3A_6 = arith.constant 0 : index
    %get3A_7 = vector.load %arg1[%get3A_5, %get3A_6] : memref<10000x128xf32, #tpu.memory_space<vmem>>, vector<10000x128xf32>
    %add3A = arith.addf %get3A_4, %get3A_7 : vector<10000x128xf32>
    %mul3A = vector.broadcast %get3A_1 : vector<10000x1xf32> to vector<10000x128xf32>
    %mul3A_8 = arith.mulf %mul3A, %add3A : vector<10000x128xf32>
    %get3A_9 = arith.constant 0 : index
    %get3A_10 = arith.constant 0 : index
    %get3A_11 = vector.load %arg4[%get3A_9, %get3A_10] : memref<10000x1xf32, #tpu.memory_space<vmem>>, vector<10000x1xf32>
    %get3A_12 = arith.constant 0 : index
    %get3A_13 = arith.constant 0 : index
    %get3A_14 = vector.load %arg2[%get3A_12, %get3A_13] : memref<10000x128xf32, #tpu.memory_space<vmem>>, vector<10000x128xf32>
    %mul3A_15 = vector.broadcast %get3A_11 : vector<10000x1xf32> to vector<10000x128xf32>
    %mul3A_16 = arith.mulf %mul3A_15, %get3A_14 : vector<10000x128xf32>
    %add3A_17 = arith.addf %mul3A_8, %mul3A_16 : vector<10000x128xf32>
    %get3A_18 = arith.constant 0 : index
    %get3A_19 = arith.constant 0 : index
    %get3A_20 = vector.load %arg5[%get3A_18, %get3A_19] : memref<1x128xf32, #tpu.memory_space<vmem>>, vector<1x128xf32>
    %add3A_21 = vector.broadcast %get3A_20 : vector<1x128xf32> to vector<10000x128xf32>
    %add3A_22 = arith.addf %add3A_17, %add3A_21 : vector<10000x128xf32>
    %max3A = arith.constant 0.000000e+00 : f32
    %max3A_23 = vector.broadcast %max3A : f32 to vector<10000x128xf32>
    %max3A_24 = arith.maximumf %add3A_22, %max3A_23 : vector<10000x128xf32>
    %swap3A = arith.constant 0 : index
    %swap3A_25 = arith.constant 0 : index
    %swap3A_26 = vector.load %arg6[%swap3A, %swap3A_25] : memref<10000x128xf32, #tpu.memory_space<vmem>>, vector<10000x128xf32>
    tpu.vector_store %arg6[%swap3A, %swap3A_25], %max3A_24 {strides = array<i32>} : memref<10000x128xf32, #tpu.memory_space<vmem>>, vector<10000x128xf32>,
    return
  }
}

module attributes {stable_mosaic.version = 14 : i64} {
  func.func @_m4_body(%arg0: memref<400x3200xf32, #tpu.memory_space<vmem>>, %arg1: memref<3200x1xf32, #tpu.memory_space<vmem>>, %arg2: memref<1x1xf32, #tpu.memory_space<vmem>>, %arg3: memref<400x1xf32, #tpu.memory_space<vmem>>) attributes {dimension_semantics = [], scalar_prefetch = 0 : i64, scratch_operands = 0 : i64, tpu.core_type = #tpu.core_type<tc>} {
    %get3A = arith.constant 0 : index
    %get3A_0 = arith.constant 0 : index
    %get3A_1 = vector.load %arg0[%get3A, %get3A_0] : memref<400x3200xf32, #tpu.memory_space<vmem>>, vector<400x3200xf32>
    %get3A_2 = arith.constant 0 : index
    %get3A_3 = arith.constant 0 : index
    %get3A_4 = vector.load %arg1[%get3A_2, %get3A_3] : memref<3200x1xf32, #tpu.memory_space<vmem>>, vector<3200x1xf32>
    %dot_general3A = arith.constant dense<0.000000e+00> : vector<400x1xf32>
    %dot_general3A_5 = tpu.matmul %get3A_1, %get3A_4, %dot_general3A {dimension_numbers = #tpu.dot_dimension_numbers<[1], [0], [0], [1], [0, 0, 1, 1], [], []>, transpose_lhs_hint = false} : vector<400x3200xf32>, vector<3200x1xf32>, vector<400x1xf32> -> vector<400x1xf32>
    %get3A_6 = arith.constant 0 : index
    %get3A_7 = arith.constant 0 : index
    %get3A_8 = vector.load %arg2[%get3A_6, %get3A_7] : memref<1x1xf32, #tpu.memory_space<vmem>>, vector<1x1xf32>
    %add3A = vector.broadcast %get3A_8 : vector<1x1xf32> to vector<400x1xf32>
    %add3A_9 = arith.addf %dot_general3A_5, %add3A : vector<400x1xf32>
    %swap3A = arith.constant 0 : index
    %swap3A_10 = arith.constant 0 : index
    %swap3A_11 = vector.load %arg3[%swap3A, %swap3A_10] : memref<400x1xf32, #tpu.memory_space<vmem>>, vector<400x1xf32>
    tpu.vector_store %arg3[%swap3A, %swap3A_10], %add3A_9 {strides = array<i32>} : memref<400x1xf32, #tpu.memory_space<vmem>>, vector<400x1xf32>,
    return
  }
}

</mosaic_0001>

<sc_bundles>
// kernel: kernel.12.cloned.1.call-start
scs
__scs_entry_jumppad:
0x0: {  	(pc) =	sbr.rel $0x88, $3  }
0x1: {  	(tag) =	ssettag $0x0;
	lr =	simm.s32 $0x1  }
0x2: {  	[smem:$0x3F99] =	sst lr;
	_ =	strace $0xD0000000  }
0x3: {  	_ = 	snop  }
0x4: {  	_ = 	snop  }
0x5: {  	_ = 	snop  }
0x6: {  	_ = 	snop  }
0x7: {  	_ = 	snop  }
__scs_overlays_trampoline_lowered:
0x8: {  	[smem:$0x3FA8] =	sst s0  }
0x9: {  	[smem:$0x3FA9] =	sst s1  }
0xa: {  	[smem:$0x3FAA] =	sst s2  }
0xb: {  	[smem:$0x3FAB] =	sst s3  }
0xc: {  	[smem:$0x3FAC] =	sst s4  }
0xd: {  	[smem:$0x3FAD] =	sst s5  }
0xe: {  	[smem:$0x3FAE] =	sst s6  }
0xf: {  	[smem:$0x3FAF] =	sst s7  }
0x10: {  	[smem:$0x3FB0] =	sst s8  }
0x11: {  	[smem:$0x3FB1] =	sst s9;
	s0 =	simm.s32 @!p0 $0x0  }
0x12: {  	s1 =	sld [smem:$0x3F97];
	s0 =	simm.s32 @p0 $0x1  }
0x13: {  	[smem:$0x3FB2] =	sst s0;
	s0 =	simm.s32 @!p1 $0x0  }
0x14: {  	s2 =	sld [smem:$0x3F96];
	s0 =	simm.s32 @p1 $0x1  }
0x15: {  	[smem:$0x3FB3] =	sst s0;
	s0 =	simm.s32 @!p2 $0x0  }
0x16: {  	s3 =	sld [smem:$0x3FDB];
	s0 =	simm.s32 @p2 $0x1  }
0x17: {  	s4 =	simm.s32 $0x1BF5;
	[smem:$0x3FB5] =	sst s0  }
0x18: {  	s0 =	sld [smem:$0x3F98];
	_ =	swait.ge [sflag:s4], $0x0  }
0x19: {  	s7 =	sld [smem:$0x3F99]  }
0x1a: {  	s8 =	sadd.s32 $0xFFFFE003, lr  }
0x1b: {  	s9 =	sadd.s32 $0xFFFFFEF7, lr;
	s5 =	simm.s32 $0xFFFFFFFF;
	p2 =	slt.u32 s8, $0xFFFFF086  }
0x1c: {  	p1 =	slt.u32 s9, $0xF7A;
	s5 =	simm.s32 @!p2 $0x0  }
0x1d: {  	s5 =	simm.s32 @p1 $0x1;
	p0 =	seq.s32 s7, s2  }
0x1e: {  	s7 =	smul.u32 @!p0 $0xF7A, s2;
	p2 =	seq.s32 @!p0 s5, $0x0  }
0x1f: {  	s9 =	smul.u32 $0xF7A, s1;
	s8 =	simm.s32 @!p0 $0x1BF5;
	p2 =	por !p2, p0  }
0x20: {  	[sflag:s8] =	ssyncset.s32 @!p0 $0xFFFFF086;
	s6 =	sadd.s32 @!p0 s3, s7;
	s7 =	simm.s32 @!p0 $0x108  }
0x21: {  	s3 =	sadd.s32 s3, s9;
	s6 =	sadd.s32 @!p0 $0x88, s6;
	s7 =	simm.s32 @p2 $0x1082  }
0x22: {  	[simem:s7], [sflag:s8] =	dma.local @!p0 [hbm:s6], $0xF7A  }
0x23: {  	s9 =	sor.u32 $0xD0000000, s2;
	s6 =	simm.s32 $0x108;
	_ =	swait.ge @!p0 [sflag:s8], $0x0  }
0x24: {  	s3 =	sadd.s32 $0x88, s3;
	s6 =	simm.s32 @!p1 $0x1082;
	[sflag:s4] =	ssyncset.s32 $0xFFFFF086  }
0x25: {  	[simem:s6], [sflag:s4] =	dma.local [hbm:s3], $0xF7A  }
0x26: {  	[smem:$0x3F99] =	sst s1;
	(tag) =	ssettag s2;
	_ =	strace s9  }
0x27: {  	s1 =	sld [smem:$0x3FA9]  }
0x28: {  	s2 =	sld [smem:$0x3FAA]  }
0x29: {  	s4 =	sld [smem:$0x3FAC]  }
0x2a: {  	p0 =	seq.s32 s5, $0x0;
	s5 =	sld [smem:$0x3FAD]  }
0x2b: {  	s6 =	sld [smem:$0x3FAE]  }
0x2c: {  	s7 =	sld [smem:$0x3FAF]  }
0x2d: {  	s3 =	simm.s32 $0x108;
	s8 =	sld [smem:$0x3FB0]  }
0x2e: {  	s3 =	simm.s32 @!p0 $0x1082;
	s9 =	sld [smem:$0x3FB1]  }
0x2f: {  	lr =	sadd.s32 s0, s3;
	s0 =	sld [smem:$0x3FA8]  }
0x30: {  	s3 =	sld [smem:$0x3FAB]  }
0x31: {  	[smem:$0x3FB4] =	sst s10  }
0x32: {  	s10 =	sld [smem:$0x3FB2];
	_ =	sdelay $0x3  }
0x33: {  	p0 =	seq.s32 s10, $0x1;
	s10 =	sld [smem:$0x3FB4];
	_ =	sdelay $0x3  }
0x34: {  	[smem:$0x3FB4] =	sst s10  }
0x35: {  	s10 =	sld [smem:$0x3FB3];
	_ =	sdelay $0x3  }
0x36: {  	p1 =	seq.s32 s10, $0x1;
	s10 =	sld [smem:$0x3FB4];
	_ =	sdelay $0x3  }
0x37: {  	[smem:$0x3FB4] =	sst s10  }
0x38: {  	s10 =	sld [smem:$0x3FB5]  }
0x39: {  	_ = 	snop;
	(pc) =	sbr.ind lr, $3  }
0x3a: {  	_ = 	snop  }
0x3b: {  	_ = 	snop  }
0x3c: {  	p2 =	seq.s32 s10, $0x1;
	s10 =	sld [smem:$0x3FB4]  }
0x3d: {  	_ =	shalt  }
0x3e: {  	_ =	shalt  }
0x3f: {  	_ =	shalt  }
0x40: {  	_ =	shalt  }
0x41: {  	_ =	shalt  }
0x42: {  	_ =	shalt  }
0x43: {  	_ =	shalt  }
0x44: {  	_ =	shalt  }
0x45: {  	_ =	shalt  }
0x46: {  	_ =	shalt  }
0x47: {  	_ =	shalt  }
0x48: {  	_ =	shalt  }
0x49: {  	_ =	shalt  }
0x4a: {  	_ =	shalt  }
0x4b: {  	_ =	shalt  }
0x4c: {  	_ =	shalt  }
0x4d: {  	_ =	shalt  }
0x4e: {  	_ =	shalt  }
0x4f: {  	_ =	shalt  }
0x50: {  	_ =	shalt  }
0x51: {  	_ =	shalt  }
0x52: {  	_ =	shalt  }
0x53: {  	_ =	shalt  }
0x54: {  	_ =	shalt  }
0x55: {  	_ =	shalt  }
0x56: {  	_ =	shalt  }
0x57: {  	_ =	shalt  }
0x58: {  	_ =	shalt  }
0x59: {  	_ =	shalt  }
0x5a: {  	_ =	shalt  }
0x5b: {  	_ =	shalt  }
0x5c: {  	_ =	shalt  }
0x5d: {  	_ =	shalt  }
0x5e: {  	_ =	shalt  }
0x5f: {  	_ =	shalt  }
0x60: {  	_ =	shalt  }
0x61: {  	_ =	shalt  }
0x62: {  	_ =	shalt  }
0x63: {  	_ =	shalt  }
0x64: {  	_ =	shalt  }
0x65: {  	_ =	shalt  }
0x66: {  	_ =	shalt  }
0x67: {  	_ =	shalt  }
0x68: {  	_ =	shalt  }
0x69: {  	_ =	shalt  }
0x6a: {  	_ =	shalt  }
0x6b: {  	_ =	shalt  }
0x6c: {  	_ =	shalt  }
0x6d: {  	_ =	shalt  }
0x6e: {  	_ =	shalt  }
0x6f: {  	_ =	shalt  }
0x70: {  	_ =	shalt  }
0x71: {  	_ =	shalt  }
0x72: {  	_ =	shalt  }
0x73: {  	_ =	shalt  }
0x74: {  	_ =	shalt  }
0x75: {  	_ =	shalt  }
0x76: {  	_ =	shalt  }
0x77: {  	_ =	shalt  }
0x78: {  	_ =	shalt  }
0x79: {  	_ =	shalt  }
0x7a: {  	_ =	shalt  }
0x7b: {  	_ =	shalt  }
0x7c: {  	_ =	shalt  }
0x7d: {  	_ =	shalt  }
0x7e: {  	_ =	shalt  }
0x7f: {  	_ =	shalt  }
0x80: {  	_ =	shalt  }
0x81: {  	_ =	shalt  }
0x82: {  	_ =	shalt  }
0x83: {  	_ =	shalt  }
0x84: {  	_ =	shalt  }
0x85: {  	_ =	shalt  }
0x86: {  	_ =	shalt  }
0x87: {  	_ =	shalt  }
.Lfunc_end0:
.L_simem_size_0:
called_computation.1_lowered:
.L_overlay_start_0:
0x88: {  	s2 =	sld [smem:$0x3FD9]  }
0x89: {  	s3 =	sld [smem:$0x3FFE];
	_ =	sdelay $0x1  }
0x8a: {  	s1 =	srdreg.scid  }
0x8b: {  	s0 =	sand.u32 $0x1, s1  }
0x8c: {  	s16 =	sshll.u32 s0, $0xA;
	s2 =	sadd.s32 s3, s2  }
0x8d: {  	s2 =	sadd.s32 s2, s16  }
0x8e: {  	[smem:$0x3FC0] =	sst s2  }
0x8f: {  	_ = 	snop  }
0x90: {  	(tm) =	ssettm $0x1  }
0x91: {  	s17 =	sld [smem:$0x3FFB];
	_ =	sdelay $0x3  }
0x92: {  	_ =	strace s17  }
0x93: {  	s2 =	sld [smem:$0x3FFC];
	_ =	sdelay $0x3  }
0x94: {  	_ =	strace s2  }
0x95: {  	s2 =	sld [smem:$0x3FFD];
	_ =	sdelay $0x3  }
0x96: {  	_ =	strace s2  }
0x97: {  	_ =	strace $0x8FFFFFFF  }
0x98: {  	s18 =	sld [smem:$0x3FDB];
	_ =	sdelay $0x1  }
0x99: {  	s19 =	simm.s32 $_scs_section_size  }
0x9a: {  	s4 =	simm.s32 $_size__tile_overlayer_lowered;
	s5 =	simm.s32 $_tile_overlayer_lowered  }
0x9b: {  	s22 =	simm.s32 $0x1BFF;
	s21 =	sshll.u32 s5, $0x1;
	s2 =	sadd.s32 s19, s18  }
0x9c: {  	s6 =	simm.s32 $0x0;
	s20 =	sshll.u32 s4, $0x1;
	s4 =	sadd.s32 s21, s2  }
0x9d: {  	[timem:s6], [sflag:s22] =	dma.local [hbm:s4], s20  }
0x9e: {  	_ =	swait.ge [sflag:s22], s20  }
0x9f: {  	s3 =	ssub.s32 $0x0, s20;
	[sflag:s22] =	ssyncset.done $0x0  }
0xa0: {  	[sflag:s22] =	ssyncadd.s32 s3;
	_ =	sdelay $0x1  }
0xa1: {  	s23 =	simm.s32 $0x1B8B  }
0xa2: {  	_ =	swait.ge [sflag:s23], $0x1  }
0xa3: {  	[sflag:s23] =	ssyncset.done $0x0  }
0xa4: {  	s25 =	simm.s32 $0x1B8E;
	s24 =	sld [smem:$0x3FFE];
	[sflag:s23] =	ssyncadd.s32 $0xFFFFFFFF  }
0xa5: {  	s26 =	simm.s32 $execute0_lowered;
	[smem:$0x3FD2] =	sst s25  }
0xa6: {  	s4 =	sshll.u32 s26, $0x1;
	_ =	strace $0x80000049;
	[dreg:$0x1] =	wrdreg $0xFFFFFFFF  }
0xa7: {  	s28 =	simm.s32 $_size_execute0_lowered;
	s2 =	sadd.s32 s2, s4;
	[dreg:$0x0] =	wrdreg $0x0  }
0xa8: {  	s4 =	sshll.u32 s28, $0x1;
	[dreg:$0x2] =	wrdreg s2  }
0xa9: {  	[dreg:$0x3] =	wrdreg s4  }
0xaa: {  	[dreg:$0x4] =	wrdreg $0xC0  }
0xab: {  	_ =	task [dreg:s6], $0x5FFFF  }
0xac: {  	[dreg:$0x1] =	wrdreg $0xFFFFFFFF  }
0xad: {  	[dreg:$0x0] =	wrdreg $0x60  }
0xae: {  	[dreg:$0x2] =	wrdreg s24  }
0xaf: {  	[dreg:$0x3] =	wrdreg $0xA8000  }
0xb0: {  	[dreg:$0x4] =	wrdreg $0x9  }
0xb1: {  	_ =	task.clear_ibuf [dreg:s6], $0x5FFFF;
	_ =	strace $0x90000049  }
0xb2: {  	s29 =	simm.s32 $0x9;
	_ =	strace $0x8000004B  }
0xb3: {  	_ =	swait.ge [sflag:s29], $0x1  }
0xb4: {  	[sflag:s29] =	ssyncadd.s32 $0xFFFFFFFF  }
0xb5: {  	_ =	strace $0x9000004B  }
0xb6: {  	_ =	sfence  }
0xb7: {  	s30 =	sld [smem:$0x0];
	_ =	sdelay $0x2  }
0xb8: {  	s31 =	sshll.u32 s1, $0xD;
	s1 =	sshrl.u32 s1, $0x2  }
0xb9: {  	s3 =	sand.u32 $0x4000, s31;
	s1 =	sadd.s32 s1, s30  }
0xba: {  	s0 =	sor.u32 s3, s0;
	s1 =	sshll.u32 s1, $0x11  }
0xbb: {  	s0 =	sor.u32 s1, s0  }
0xbc: {  	s0 =	sadd.s32 $0x8F2B, s0  }
0xbd: {  	[sflag:s0] =	ssyncadd.remote.s32 $0x1  }
0xbe: {  	_ =	sfence.sel $0xFFFF  }
0xbf: {  	[dreg:$0x0] =	wrdreg $0xFFFFFFFF;
	(pc) =	sbr.abs _section_cstart, $3  }
0xc0: {  	[dreg:$0x1] =	wrdreg $0xFFFFFFFF  }
0xc1: {  	_ =	task.clear_ibuf [dreg:s6], $0x2FFFF;
	_ =	strace $0x9FFFFFFF  }
0xc2: {  	(tm) =	ssettm $0x7FFFFFFF  }
0xc3: {  	_ =	shalt  }
tec
execute0_lowered:
.L_overlay_start_1:
0x0: {  	(tag) =	ssettag $0x1  }
0x1: {  	s5 =	rddreg [dreg:$0x0]  }
0x2: {  	s0 =	srdreg.scid;
	s2 =	rddreg [dreg:$0x1]  }
0x3: {  	s1 =	stileid.u32;
	s3 =	simm.s32 $0x0;
	s17 =	simm.s32 $0x3  }
0x4: {  	s18 =	simm.s32 $0x1400;
	s19 =	simm.s32 $0x80;
	s20 =	simm.s32 $0x6800  }
0x5: {  	s21 =	simm.s32 $0x1;
	s22 =	simm.s32 $0x2;
	s23 =	simm.s32 $0x1380  }
0x6: {  	s24 =	simm.s32 $0x2700;
	s25 =	simm.s32 $0x2780;
	s6 =	sand.u32 $0x1, s0  }
0x7: {  	s8 =	smul.u32 $0x14000, s1;
	[smem:$0x7FF] =	sst s3;
	s4 =	sadd.s32 $0x16400, s5  }
0x8: {  	s12 =	sadd.s32 $0xC400, s5;
	s26 =	smul.u32 $0x50000, s1;
	s13 =	sadd.s32 $0x2400, s5  }
0x9: {  	s28 =	sshll.u32 s1, $0x1;
	s7 =	smul.u32 $0x140000, s6;
	_ =	strace $0x8000004A  }
0xa: {  	s29 =	ssub.s32 $0x2, s6;
	s6 =	sor.u32 s6, s28;
	s30 =	sshrl.u32 s26, $0x2  }
0xb: {  	s31 =	sshrl.u32 s29, $0x1;
	s10 =	smul.u32 $0x2800, s6;
	s7 =	sadd.s32 s8, s7  }
0xc: {  	s26 =	simm.s32 $0x0;
	s15 =	ssub.s32 s29, s31;
	s7 =	sshrl.u32 s7, $0x3  }
0xd: {  	s16 =	sshrl.u32 s10, $0x3;
	s15 =	smax.u32 s15, $0x1;
	s14 =	sadd.s32 s7, s5  }
0xe: {  	s5 =	sadd.s32 s30, s2;
	s10 =	sadd.s32 s12, s16;
	s11 =	sadd.s32 s13, s16  }
0xf: {  	s16 =	sadd.s32 $0x280, s16;
	s6 =	sadd.s32 $0x4000, s5;
	s7 =	sadd.s32 $0x8000, s5  }
0x10: {  	s8 =	sadd.s32 $0xC000, s5;
	s9 =	sadd.s32 $0x10000, s5;
	s12 =	sadd.s32 s12, s16  }
0x11: {  	v0 =	vimm.f32 $0.0e+00;
	s13 =	sadd.s32 s13, s16;
	s14 =	sadd.s32 $0xB2C00, s14;
	s16 =	simm.s32 $0x2800  }
.LBB2_1:
0x12: {  	s28 =	sand.u32 $0xFE00, s3  }
0x13: {  	s29 =	sand.u32 $0x70, s3;
	s30 =	sshrl.u32 s28, $0x2  }
0x14: {  	s28 =	simm.s32 $0x40;
	s30 =	sor.u32 s29, s30;
	s29 =	simm.s32 $0x0  }
.LBB2_2:
0x15: {  	p0 =	sne.s32 s28, $0xFFC0  }
0x16: {  	[tilespmem:s30+$0x2800] =	vst v0;
	s29 =	sadd.s32 $0x10, s29;
	s30 =	smov.u32 s28;
	s28 =	sadd.s32 $0x40, s28  }
.Ltmp0:
0x17: {  	(pc) =	sbr.rel @p0 .LBB2_2-.Ltmp0, $4  }
0x18: {  	_ = 	snop  }
0x19: {  	s30 =	sand.u32 $0xFE00, s30  }
0x1a: {  	s31 =	sand.u32 $0x70, s29;
	s30 =	sshrl.u32 s30, $0x2  }
0x1b: {  	s30 =	sor.u32 s31, s30  }
0x1c: {  	[tilespmem:s30+$0x2800] =	vst v0  }
0x1d: {  	[spmem:s5] =	stream.linear.scatter [tilespmem:s16], [sflag:$0x3], $0x4000, $0x38;
	[tilespmem:$0x1E800] =	vst v63  }
0x1e: {  	_ =	swait.ge [sflag:s17], $0x4000  }
0x1f: {  	[sflag:s17] =	ssyncset.done $0x0  }
0x20: {  	[sflag:s17] =	ssyncadd.s32 $0xFFFFC000  }
0x21: {  	[spmem:s6] =	stream.linear.scatter [tilespmem:s16], [sflag:$0x3], $0x4000, $0x38;
	[tilespmem:$0x1E800] =	vst v63  }
0x22: {  	_ =	swait.ge [sflag:s17], $0x4000  }
0x23: {  	[sflag:s17] =	ssyncset.done $0x0  }
0x24: {  	[sflag:s17] =	ssyncadd.s32 $0xFFFFC000  }
0x25: {  	[spmem:s7] =	stream.linear.scatter [tilespmem:s16], [sflag:$0x3], $0x4000, $0x38;
	[tilespmem:$0x1E800] =	vst v63  }
0x26: {  	_ =	swait.ge [sflag:s17], $0x4000  }
0x27: {  	[sflag:s17] =	ssyncset.done $0x0  }
0x28: {  	[sflag:s17] =	ssyncadd.s32 $0xFFFFC000  }
0x29: {  	[spmem:s8] =	stream.linear.scatter [tilespmem:s16], [sflag:$0x3], $0x4000, $0x38;
	[tilespmem:$0x1E800] =	vst v63  }
0x2a: {  	_ =	swait.ge [sflag:s17], $0x4000  }
0x2b: {  	[sflag:s17] =	ssyncset.done $0x0  }
0x2c: {  	[sflag:s17] =	ssyncadd.s32 $0xFFFFC000  }
0x2d: {  	[spmem:s9] =	stream.linear.scatter [tilespmem:s16], [sflag:$0x3], $0x4000, $0x38;
	[tilespmem:$0x1E800] =	vst v63  }
0x2e: {  	_ =	swait.ge [sflag:s17], $0x4000  }
0x2f: {  	[sflag:s17] =	ssyncset.done $0x0  }
0x30: {  	[sflag:s17] =	ssyncadd.s32 $0xFFFFC000  }
0x31: {  	s28 =	simm.s32 $0x0;
	[bflag:$0x0] =	sbarrier.arrive $0xFFFF  }
0x32: {  	[tilespmem:s28], [sflag:$0x3] =	stream.linear.gather [hbm4b:s10+s28], $0x1400, $0x38;
	[tilespmem:$0x1E800] =	vst v63  }
0x33: {  	_ =	swait.ge [sflag:s17], $0x1400  }
0x34: {  	[sflag:s17] =	ssyncset.done $0x0  }
0x35: {  	[sflag:s17] =	ssyncadd.s32 $0xFFFFEC00  }
0x36: {  	[tilespmem:s18], [sflag:$0x3] =	stream.linear.gather [hbm4b:s11+s28], $0x1400, $0x38;
	[tilespmem:$0x1E800] =	vst v63  }
0x37: {  	_ =	swait.ge [sflag:s17], $0x1400  }
0x38: {  	[sflag:s17] =	ssyncset.done $0x0  }
0x39: {  	[sflag:s17] =	ssyncadd.s32 $0xFFFFEC00  }
0x3a: {  	[tilespmem:s16], [sflag:$0x1] =	stream.indirect.gather [hbm4b:s4+s19], $0x80, s28, s19, $0xb8;
	[tilespmem:$0x1E800] =	vst v63  }
0x3b: {  	s28 =	simm.s32 $0x80  }
0x3c: {  	[tilespmem:s20], [sflag:$0x2] =	stream.indirect.gather [hbm4b:s4+s19], $0x80, s28, s19, $0xb8;
	[tilespmem:$0x1E800] =	vst v63  }
0x3d: {  	_ =	swait.ge [sflag:s21], $0x4000  }
0x3e: {  	[sflag:s21] =	ssyncset.done $0x0  }
0x3f: {  	s28 =	simm.s32 $0x1400;
	[sflag:s21] =	ssyncadd.s32 $0xFFFFC000  }
0x40: {  	[spmem:s2] =	stream.indirect.scatter.add.f32 [tilespmem:s16], [sflag:$0x3], $0x80, s28, s19, $0xb8;
	[tilespmem:$0x1E800] =	vst v63  }
0x41: {  	_ =	swait.ge [sflag:s17], $0x4000  }
0x42: {  	[sflag:s17] =	ssyncset.done $0x0  }
0x43: {  	s28 =	simm.s32 $0x100;
	[sflag:s17] =	ssyncadd.s32 $0xFFFFC000  }
0x44: {  	[tilespmem:s16], [sflag:$0x1] =	stream.indirect.gather [hbm4b:s4+s19], $0x80, s28, s19, $0xb8;
	[tilespmem:$0x1E800] =	vst v63  }
0x45: {  	_ =	swait.ge [sflag:s22], $0x4000  }
0x46: {  	[sflag:s22] =	ssyncset.done $0x0  }
0x47: {  	s28 =	simm.s32 $0x1480;
	[sflag:s22] =	ssyncadd.s32 $0xFFFFC000  }
0x48: {  	[spmem:s2] =	stream.indirect.scatter.add.f32 [tilespmem:s20], [sflag:$0x3], $0x80, s28, s19, $0xb8;
	[tilespmem:$0x1E800] =	vst v63  }
0x49: {  	_ =	swait.ge [sflag:s17], $0x4000  }
0x4a: {  	s29 =	simm.s32 $0x800;
	s28 =	simm.s32 $0x100;
	[sflag:s17] =	ssyncset.done $0x0  }
.LBB2_4:
0x4b: {  	s30 =	sadd.s32 $0x80, s28  }
0x4c: {  	[sflag:s17] =	ssyncadd.s32 $0xFFFFC000;
	s31 =	smov.u32 s29;
	s0 =	sadd.s32 $0x400, s29  }
0x4d: {  	[tilespmem:s20], [sflag:$0x2] =	stream.indirect.gather [hbm4b:s4+s19], $0x80, s30, s19, $0xb8;
	[tilespmem:$0x1E800] =	vst v63  }
0x4e: {  	p0 =	sne.s32 s29, $0x4800;
	_ =	swait.ge [sflag:s21], $0x4000  }
0x4f: {  	[sflag:s21] =	ssyncset.done $0x0  }
0x50: {  	s29 =	sadd.s32 $0x1400, s28;
	[sflag:s21] =	ssyncadd.s32 $0xFFFFC000  }
0x51: {  	[spmem:s2] =	stream.indirect.scatter.add.f32 [tilespmem:s16], [sflag:$0x3], $0x80, s29, s19, $0xb8;
	[tilespmem:$0x1E800] =	vst v63  }
0x52: {  	_ =	swait.ge [sflag:s17], $0x4000  }
0x53: {  	[sflag:s17] =	ssyncset.done $0x0  }
0x54: {  	s29 =	sadd.s32 $0x100, s28;
	[sflag:s17] =	ssyncadd.s32 $0xFFFFC000  }
0x55: {  	[tilespmem:s16], [sflag:$0x1] =	stream.indirect.gather [hbm4b:s4+s19], $0x80, s29, s19, $0xb8;
	[tilespmem:$0x1E800] =	vst v63  }
0x56: {  	_ =	swait.ge [sflag:s22], $0x4000  }
.Ltmp1:
0x57: {  	[sflag:s22] =	ssyncset.done $0x0;
	(pc) =	sbr.rel @p0 .LBB2_4-.Ltmp1, $4  }
0x58: {  	s28 =	sadd.s32 $0x1480, s28;
	[sflag:s22] =	ssyncadd.s32 $0xFFFFC000  }
0x59: {  	[spmem:s2] =	stream.indirect.scatter.add.f32 [tilespmem:s20], [sflag:$0x3], $0x80, s28, s19, $0xb8;
	[tilespmem:$0x1E800] =	vst v63  }
0x5a: {  	_ =	swait.ge [sflag:s17], $0x4000  }
0x5b: {  	s29 =	smov.u32 s0;
	s28 =	sshra.s32 s31, $0x2;
	[sflag:s17] =	ssyncset.done $0x0  }
0x5c: {  	s0 =	sadd.s32 $0x80, s28;
	[sflag:s17] =	ssyncadd.s32 $0xFFFFC000  }
0x5d: {  	[tilespmem:s20], [sflag:$0x2] =	stream.indirect.gather [hbm4b:s4+s19], $0x80, s0, s19, $0xb8;
	[tilespmem:$0x1E800] =	vst v63  }
0x5e: {  	_ =	swait.ge [sflag:s21], $0x4000  }
0x5f: {  	[sflag:s21] =	ssyncset.done $0x0  }
0x60: {  	s30 =	sadd.s32 $0x1400, s28;
	[sflag:s21] =	ssyncadd.s32 $0xFFFFC000  }
0x61: {  	[spmem:s2] =	stream.indirect.scatter.add.f32 [tilespmem:s16], [sflag:$0x3], $0x80, s30, s19, $0xb8;
	[tilespmem:$0x1E800] =	vst v63  }
0x62: {  	_ =	swait.ge [sflag:s17], $0x4000  }
0x63: {  	[sflag:s17] =	ssyncset.done $0x0  }
0x64: {  	s31 =	sadd.s32 $0x100, s28;
	[sflag:s17] =	ssyncadd.s32 $0xFFFFC000  }
0x65: {  	[tilespmem:s16], [sflag:$0x1] =	stream.indirect.gather [hbm4b:s4+s19], $0x80, s31, s19, $0xb8;
	[tilespmem:$0x1E800] =	vst v63  }
0x66: {  	_ =	swait.ge [sflag:s22], $0x4000  }
0x67: {  	[sflag:s22] =	ssyncset.done $0x0  }
0x68: {  	s30 =	sadd.s32 $0x1480, s28;
	[sflag:s22] =	ssyncadd.s32 $0xFFFFC000  }
0x69: {  	[spmem:s2] =	stream.indirect.scatter.add.f32 [tilespmem:s20], [sflag:$0x3], $0x80, s30, s19, $0xb8;
	[tilespmem:$0x1E800] =	vst v63  }
0x6a: {  	_ =	swait.ge [sflag:s17], $0x4000  }
0x6b: {  	[sflag:s17] =	ssyncset.done $0x0  }
0x6c: {  	[sflag:s17] =	ssyncadd.s32 $0xFFFFC000  }
0x6d: {  	[tilespmem:s20], [sflag:$0x2] =	stream.indirect.gather [hbm4b:s4+s19], $0x80, s23, s19, $0xb8;
	[tilespmem:$0x1E800] =	vst v63  }
0x6e: {  	_ =	swait.ge [sflag:s21], $0x4000  }
0x6f: {  	[sflag:s21] =	ssyncset.done $0x0  }
0x70: {  	[sflag:s21] =	ssyncadd.s32 $0xFFFFC000  }
0x71: {  	[spmem:s2] =	stream.indirect.scatter.add.f32 [tilespmem:s16], [sflag:$0x3], $0x80, s24, s19, $0xb8;
	[tilespmem:$0x1E800] =	vst v63  }
0x72: {  	_ =	swait.ge [sflag:s17], $0x4000  }
0x73: {  	[sflag:s17] =	ssyncset.done $0x0  }
0x74: {  	[sflag:s17] =	ssyncadd.s32 $0xFFFFC000  }
0x75: {  	_ =	swait.ge [sflag:s22], $0x4000  }
0x76: {  	[sflag:s22] =	ssyncset.done $0x0  }
0x77: {  	[sflag:s22] =	ssyncadd.s32 $0xFFFFC000  }
0x78: {  	[spmem:s2] =	stream.indirect.scatter.add.f32 [tilespmem:s20], [sflag:$0x3], $0x80, s25, s19, $0xb8;
	[tilespmem:$0x1E800] =	vst v63  }
0x79: {  	_ =	swait.ge [sflag:s17], $0x4000  }
0x7a: {  	[sflag:s17] =	ssyncset.done $0x0  }
0x7b: {  	s31 =	simm.s32 $0x0;
	[sflag:s17] =	ssyncadd.s32 $0xFFFFC000  }
0x7c: {  	[tilespmem:s31], [sflag:$0x3] =	stream.linear.gather [hbm4b:s12+s31], $0x1400, $0x38;
	[tilespmem:$0x1E800] =	vst v63  }
0x7d: {  	_ =	swait.ge [sflag:s17], $0x1400  }
0x7e: {  	[sflag:s17] =	ssyncset.done $0x0  }
0x7f: {  	[sflag:s17] =	ssyncadd.s32 $0xFFFFEC00  }
0x80: {  	[tilespmem:s18], [sflag:$0x3] =	stream.linear.gather [hbm4b:s13+s31], $0x1400, $0x38;
	[tilespmem:$0x1E800] =	vst v63  }
0x81: {  	_ =	swait.ge [sflag:s17], $0x1400  }
0x82: {  	[sflag:s17] =	ssyncset.done $0x0  }
0x83: {  	[sflag:s17] =	ssyncadd.s32 $0xFFFFEC00  }
0x84: {  	[tilespmem:s16], [sflag:$0x1] =	stream.indirect.gather [hbm4b:s4+s19], $0x80, s31, s19, $0xb8;
	[tilespmem:$0x1E800] =	vst v63  }
0x85: {  	s30 =	simm.s32 $0x80  }
0x86: {  	[tilespmem:s20], [sflag:$0x2] =	stream.indirect.gather [hbm4b:s4+s19], $0x80, s30, s19, $0xb8;
	[tilespmem:$0x1E800] =	vst v63  }
0x87: {  	_ =	swait.ge [sflag:s21], $0x4000  }
0x88: {  	[sflag:s21] =	ssyncset.done $0x0  }
0x89: {  	s31 =	simm.s32 $0x1400;
	[sflag:s21] =	ssyncadd.s32 $0xFFFFC000  }
0x8a: {  	[spmem:s2] =	stream.indirect.scatter.add.f32 [tilespmem:s16], [sflag:$0x3], $0x80, s31, s19, $0xb8;
	[tilespmem:$0x1E800] =	vst v63  }
0x8b: {  	_ =	swait.ge [sflag:s17], $0x4000  }
0x8c: {  	[sflag:s17] =	ssyncset.done $0x0  }
0x8d: {  	s30 =	simm.s32 $0x100;
	[sflag:s17] =	ssyncadd.s32 $0xFFFFC000  }
0x8e: {  	[tilespmem:s16], [sflag:$0x1] =	stream.indirect.gather [hbm4b:s4+s19], $0x80, s30, s19, $0xb8;
	[tilespmem:$0x1E800] =	vst v63  }
0x8f: {  	_ =	swait.ge [sflag:s22], $0x4000  }
0x90: {  	[sflag:s22] =	ssyncset.done $0x0  }
0x91: {  	s31 =	simm.s32 $0x1480;
	[sflag:s22] =	ssyncadd.s32 $0xFFFFC000  }
0x92: {  	[spmem:s2] =	stream.indirect.scatter.add.f32 [tilespmem:s20], [sflag:$0x3], $0x80, s31, s19, $0xb8;
	[tilespmem:$0x1E800] =	vst v63  }
0x93: {  	_ =	swait.ge [sflag:s17], $0x4000  }
0x94: {  	s29 =	simm.s32 $0x800;
	s28 =	simm.s32 $0x100;
	[sflag:s17] =	ssyncset.done $0x0  }
.LBB2_6:
0x95: {  	s0 =	sadd.s32 $0x80, s28  }
0x96: {  	[sflag:s17] =	ssyncadd.s32 $0xFFFFC000;
	s30 =	smov.u32 s29;
	s31 =	sadd.s32 $0x400, s29  }
0x97: {  	[tilespmem:s20], [sflag:$0x2] =	stream.indirect.gather [hbm4b:s4+s19], $0x80, s0, s19, $0xb8;
	[tilespmem:$0x1E800] =	vst v63  }
0x98: {  	p0 =	sne.s32 s29, $0x4800;
	_ =	swait.ge [sflag:s21], $0x4000  }
0x99: {  	[sflag:s21] =	ssyncset.done $0x0  }
0x9a: {  	s0 =	sadd.s32 $0x1400, s28;
	[sflag:s21] =	ssyncadd.s32 $0xFFFFC000  }
0x9b: {  	[spmem:s2] =	stream.indirect.scatter.add.f32 [tilespmem:s16], [sflag:$0x3], $0x80, s0, s19, $0xb8;
	[tilespmem:$0x1E800] =	vst v63  }
0x9c: {  	_ =	swait.ge [sflag:s17], $0x4000  }
0x9d: {  	[sflag:s17] =	ssyncset.done $0x0  }
0x9e: {  	s0 =	sadd.s32 $0x100, s28;
	[sflag:s17] =	ssyncadd.s32 $0xFFFFC000  }
0x9f: {  	[tilespmem:s16], [sflag:$0x1] =	stream.indirect.gather [hbm4b:s4+s19], $0x80, s0, s19, $0xb8;
	[tilespmem:$0x1E800] =	vst v63  }
0xa0: {  	_ =	swait.ge [sflag:s22], $0x4000  }
.Ltmp2:
0xa1: {  	[sflag:s22] =	ssyncset.done $0x0;
	(pc) =	sbr.rel @p0 .LBB2_6-.Ltmp2, $4  }
0xa2: {  	s0 =	sadd.s32 $0x1480, s28;
	[sflag:s22] =	ssyncadd.s32 $0xFFFFC000  }
0xa3: {  	[spmem:s2] =	stream.indirect.scatter.add.f32 [tilespmem:s20], [sflag:$0x3], $0x80, s0, s19, $0xb8;
	[tilespmem:$0x1E800] =	vst v63  }
0xa4: {  	_ =	swait.ge [sflag:s17], $0x4000  }
0xa5: {  	s29 =	smov.u32 s31;
	s28 =	sshra.s32 s30, $0x2;
	[sflag:s17] =	ssyncset.done $0x0  }
0xa6: {  	s0 =	sadd.s32 $0x80, s28;
	[sflag:s17] =	ssyncadd.s32 $0xFFFFC000  }
0xa7: {  	[tilespmem:s20], [sflag:$0x2] =	stream.indirect.gather [hbm4b:s4+s19], $0x80, s0, s19, $0xb8;
	[tilespmem:$0x1E800] =	vst v63  }
0xa8: {  	_ =	swait.ge [sflag:s21], $0x4000  }
0xa9: {  	[sflag:s21] =	ssyncset.done $0x0  }
0xaa: {  	s30 =	sadd.s32 $0x1400, s28;
	[sflag:s21] =	ssyncadd.s32 $0xFFFFC000  }
0xab: {  	[spmem:s2] =	stream.indirect.scatter.add.f32 [tilespmem:s16], [sflag:$0x3], $0x80, s30, s19, $0xb8;
	[tilespmem:$0x1E800] =	vst v63  }
0xac: {  	_ =	swait.ge [sflag:s17], $0x4000  }
0xad: {  	[sflag:s17] =	ssyncset.done $0x0  }
0xae: {  	s31 =	sadd.s32 $0x100, s28;
	[sflag:s17] =	ssyncadd.s32 $0xFFFFC000  }
0xaf: {  	[tilespmem:s16], [sflag:$0x1] =	stream.indirect.gather [hbm4b:s4+s19], $0x80, s31, s19, $0xb8;
	[tilespmem:$0x1E800] =	vst v63  }
0xb0: {  	_ =	swait.ge [sflag:s22], $0x4000  }
0xb1: {  	[sflag:s22] =	ssyncset.done $0x0  }
0xb2: {  	s29 =	sadd.s32 $0x1480, s28;
	[sflag:s22] =	ssyncadd.s32 $0xFFFFC000  }
0xb3: {  	[spmem:s2] =	stream.indirect.scatter.add.f32 [tilespmem:s20], [sflag:$0x3], $0x80, s29, s19, $0xb8;
	[tilespmem:$0x1E800] =	vst v63  }
0xb4: {  	_ =	swait.ge [sflag:s17], $0x4000  }
0xb5: {  	[sflag:s17] =	ssyncset.done $0x0  }
0xb6: {  	[sflag:s17] =	ssyncadd.s32 $0xFFFFC000  }
0xb7: {  	[tilespmem:s20], [sflag:$0x2] =	stream.indirect.gather [hbm4b:s4+s19], $0x80, s23, s19, $0xb8;
	[tilespmem:$0x1E800] =	vst v63  }
0xb8: {  	_ =	swait.ge [sflag:s21], $0x4000  }
0xb9: {  	[sflag:s21] =	ssyncset.done $0x0  }
0xba: {  	[sflag:s21] =	ssyncadd.s32 $0xFFFFC000  }
0xbb: {  	[spmem:s2] =	stream.indirect.scatter.add.f32 [tilespmem:s16], [sflag:$0x3], $0x80, s24, s19, $0xb8;
	[tilespmem:$0x1E800] =	vst v63  }
0xbc: {  	_ =	swait.ge [sflag:s17], $0x4000  }
0xbd: {  	[sflag:s17] =	ssyncset.done $0x0  }
0xbe: {  	[sflag:s17] =	ssyncadd.s32 $0xFFFFC000  }
0xbf: {  	_ =	swait.ge [sflag:s22], $0x4000  }
0xc0: {  	[sflag:s22] =	ssyncset.done $0x0  }
0xc1: {  	[sflag:s22] =	ssyncadd.s32 $0xFFFFC000  }
0xc2: {  	[spmem:s2] =	stream.indirect.scatter.add.f32 [tilespmem:s20], [sflag:$0x3], $0x80, s25, s19, $0xb8;
	[tilespmem:$0x1E800] =	vst v63  }
0xc3: {  	_ =	swait.ge [sflag:s17], $0x4000  }
0xc4: {  	s26 =	sadd.s32 $0x1, s26;
	s30 =	sshll.u32 s1, $0x6;
	[sflag:s17] =	ssyncset.done $0x0  }
0xc5: {  	p0 =	sne.s32 s26, s15;
	s0 =	sor.u32 $0x1C03, s30;
	[sflag:s17] =	ssyncadd.s32 $0xFFFFC000  }
.Ltmp3:
0xc6: {  	s31 =	sshrl.u32 s5, $0x3;
	[bflag:$0x0] =	sbarrier.arrive $0xFFFF;
	(pc) =	sbr.rel @p0 .LBB2_1-.Ltmp3, $4  }
0xc7: {  	[hbm:s14], [sflag:s0] =	dma.local [spmem:s31], $0x2800  }
0xc8: {  	_ =	swait.ge [sflag:s17], $0x2800  }
0xc9: {  	[sflag:s17] =	ssyncset.done $0x0  }
0xca: {  	[sflag:s17] =	ssyncadd.s32 $0xFFFFD800  }
0xcb: {  	_ =	sfence.sel $0x180000  }
0xcc: {  	[bflag:$0x0] =	sbarrier.arrive $0xFFFF  }
0xcd: {  	_ =	strace $0x9000004A  }
0xce: {  	[bflag:$0x2] =	sbarrier.arrive $0xFFFF  }
0xcf: {  	p0 =	sne.s32 s1, $0x0;
	s0 =	rddreg [dreg:$0x2]  }
0xd0: {  	s0 =	sadd.s32 @!p0 $0x100000, s0  }
0xd1: {  	[sflag:s0] =	ssyncadd.tile.s32 @!p0 $0x1;
	_ =	shalt  }
.Lfunc_end2:
_tile_overlayer_lowered:
.L_overlay_start_2:
0xd2: {  	(tag) =	ssettag $0x2  }
0xd3: {  	s0 =	rddreg [dreg:$0x0];
	s2 =	stileid.u32  }
0xd4: {  	s1 =	rddreg [dreg:$0x1];
	p0 =	sne.s32 s2, $0x0  }
0xd5: {  	s3 =	rddreg [dreg:$0x2];
	[bflag:$0x3] =	sbarrier.arrive $0xFFFF;
	s2 =	simm.s32 @!p0 $0x1C03  }
0xd6: {  	[timem:s3], [sflag:s2] =	dma.local @!p0 [hbm:s0], s1  }
0xd7: {  	s0 =	simm.s32 @!p0 $0x3  }
0xd8: {  	_ =	swait.ge @!p0 [sflag:s0], s1  }
0xd9: {  	s1 =	ssub.s32 @!p0 $0x0, s1;
	[sflag:s0] =	ssyncset.done @!p0 $0x0  }
0xda: {  	[sflag:s0] =	ssyncadd.s32 @!p0 s1  }
0xdb: {  	[bflag:$0x3] =	sbarrier.arrive $0xFFFF  }
0xdc: {  	_ =	shalt  }

// kernel: kernel.15.cloned.1.call-start
scs
__scs_entry_jumppad:
0x0: {  	(pc) =	sbr.rel $0x88, $3  }
0x1: {  	(tag) =	ssettag $0x0;
	lr =	simm.s32 $0x1  }
0x2: {  	[smem:$0x3F99] =	sst lr;
	_ =	strace $0xD0000000  }
0x3: {  	_ = 	snop  }
0x4: {  	_ = 	snop  }
0x5: {  	_ = 	snop  }
0x6: {  	_ = 	snop  }
0x7: {  	_ = 	snop  }
__scs_overlays_trampoline_lowered:
0x8: {  	[smem:$0x3FA8] =	sst s0  }
0x9: {  	[smem:$0x3FA9] =	sst s1  }
0xa: {  	[smem:$0x3FAA] =	sst s2  }
0xb: {  	[smem:$0x3FAB] =	sst s3  }
0xc: {  	[smem:$0x3FAC] =	sst s4  }
0xd: {  	[smem:$0x3FAD] =	sst s5  }
0xe: {  	[smem:$0x3FAE] =	sst s6  }
0xf: {  	[smem:$0x3FAF] =	sst s7  }
0x10: {  	[smem:$0x3FB0] =	sst s8  }
0x11: {  	[smem:$0x3FB1] =	sst s9;
	s0 =	simm.s32 @!p0 $0x0  }
0x12: {  	s1 =	sld [smem:$0x3F97];
	s0 =	simm.s32 @p0 $0x1  }
0x13: {  	[smem:$0x3FB2] =	sst s0;
	s0 =	simm.s32 @!p1 $0x0  }
0x14: {  	s2 =	sld [smem:$0x3F96];
	s0 =	simm.s32 @p1 $0x1  }
0x15: {  	[smem:$0x3FB3] =	sst s0;
	s0 =	simm.s32 @!p2 $0x0  }
0x16: {  	s3 =	sld [smem:$0x3FDB];
	s0 =	simm.s32 @p2 $0x1  }
0x17: {  	s4 =	simm.s32 $0x1BF5;
	[smem:$0x3FB5] =	sst s0  }
0x18: {  	s0 =	sld [smem:$0x3F98];
	_ =	swait.ge [sflag:s4], $0x0  }
0x19: {  	s7 =	sld [smem:$0x3F99]  }
0x1a: {  	s8 =	sadd.s32 $0xFFFFE003, lr  }
0x1b: {  	s9 =	sadd.s32 $0xFFFFFEF7, lr;
	s5 =	simm.s32 $0xFFFFFFFF;
	p2 =	slt.u32 s8, $0xFFFFF086  }
0x1c: {  	p1 =	slt.u32 s9, $0xF7A;
	s5 =	simm.s32 @!p2 $0x0  }
0x1d: {  	s5 =	simm.s32 @p1 $0x1;
	p0 =	seq.s32 s7, s2  }
0x1e: {  	s7 =	smul.u32 @!p0 $0xF7A, s2;
	p2 =	seq.s32 @!p0 s5, $0x0  }
0x1f: {  	s9 =	smul.u32 $0xF7A, s1;
	s8 =	simm.s32 @!p0 $0x1BF5;
	p2 =	por !p2, p0  }
0x20: {  	[sflag:s8] =	ssyncset.s32 @!p0 $0xFFFFF086;
	s6 =	sadd.s32 @!p0 s3, s7;
	s7 =	simm.s32 @!p0 $0x108  }
0x21: {  	s3 =	sadd.s32 s3, s9;
	s6 =	sadd.s32 @!p0 $0x88, s6;
	s7 =	simm.s32 @p2 $0x1082  }
0x22: {  	[simem:s7], [sflag:s8] =	dma.local @!p0 [hbm:s6], $0xF7A  }
0x23: {  	s9 =	sor.u32 $0xD0000000, s2;
	s6 =	simm.s32 $0x108;
	_ =	swait.ge @!p0 [sflag:s8], $0x0  }
0x24: {  	s3 =	sadd.s32 $0x88, s3;
	s6 =	simm.s32 @!p1 $0x1082;
	[sflag:s4] =	ssyncset.s32 $0xFFFFF086  }
0x25: {  	[simem:s6], [sflag:s4] =	dma.local [hbm:s3], $0xF7A  }
0x26: {  	[smem:$0x3F99] =	sst s1;
	(tag) =	ssettag s2;
	_ =	strace s9  }
0x27: {  	s1 =	sld [smem:$0x3FA9]  }
0x28: {  	s2 =	sld [smem:$0x3FAA]  }
0x29: {  	s4 =	sld [smem:$0x3FAC]  }
0x2a: {  	p0 =	seq.s32 s5, $0x0;
	s5 =	sld [smem:$0x3FAD]  }
0x2b: {  	s6 =	sld [smem:$0x3FAE]  }
0x2c: {  	s7 =	sld [smem:$0x3FAF]  }
0x2d: {  	s3 =	simm.s32 $0x108;
	s8 =	sld [smem:$0x3FB0]  }
0x2e: {  	s3 =	simm.s32 @!p0 $0x1082;
	s9 =	sld [smem:$0x3FB1]  }
0x2f: {  	lr =	sadd.s32 s0, s3;
	s0 =	sld [smem:$0x3FA8]  }
0x30: {  	s3 =	sld [smem:$0x3FAB]  }
0x31: {  	[smem:$0x3FB4] =	sst s10  }
0x32: {  	s10 =	sld [smem:$0x3FB2];
	_ =	sdelay $0x3  }
0x33: {  	p0 =	seq.s32 s10, $0x1;
	s10 =	sld [smem:$0x3FB4];
	_ =	sdelay $0x3  }
0x34: {  	[smem:$0x3FB4] =	sst s10  }
0x35: {  	s10 =	sld [smem:$0x3FB3];
	_ =	sdelay $0x3  }
0x36: {  	p1 =	seq.s32 s10, $0x1;
	s10 =	sld [smem:$0x3FB4];
	_ =	sdelay $0x3  }
0x37: {  	[smem:$0x3FB4] =	sst s10  }
0x38: {  	s10 =	sld [smem:$0x3FB5]  }
0x39: {  	_ = 	snop;
	(pc) =	sbr.ind lr, $3  }
0x3a: {  	_ = 	snop  }
0x3b: {  	_ = 	snop  }
0x3c: {  	p2 =	seq.s32 s10, $0x1;
	s10 =	sld [smem:$0x3FB4]  }
0x3d: {  	_ =	shalt  }
0x3e: {  	_ =	shalt  }
0x3f: {  	_ =	shalt  }
0x40: {  	_ =	shalt  }
0x41: {  	_ =	shalt  }
0x42: {  	_ =	shalt  }
0x43: {  	_ =	shalt  }
0x44: {  	_ =	shalt  }
0x45: {  	_ =	shalt  }
0x46: {  	_ =	shalt  }
0x47: {  	_ =	shalt  }
0x48: {  	_ =	shalt  }
0x49: {  	_ =	shalt  }
0x4a: {  	_ =	shalt  }
0x4b: {  	_ =	shalt  }
0x4c: {  	_ =	shalt  }
0x4d: {  	_ =	shalt  }
0x4e: {  	_ =	shalt  }
0x4f: {  	_ =	shalt  }
0x50: {  	_ =	shalt  }
0x51: {  	_ =	shalt  }
0x52: {  	_ =	shalt  }
0x53: {  	_ =	shalt  }
0x54: {  	_ =	shalt  }
0x55: {  	_ =	shalt  }
0x56: {  	_ =	shalt  }
0x57: {  	_ =	shalt  }
0x58: {  	_ =	shalt  }
0x59: {  	_ =	shalt  }
0x5a: {  	_ =	shalt  }
0x5b: {  	_ =	shalt  }
0x5c: {  	_ =	shalt  }
0x5d: {  	_ =	shalt  }
0x5e: {  	_ =	shalt  }
0x5f: {  	_ =	shalt  }
0x60: {  	_ =	shalt  }
0x61: {  	_ =	shalt  }
0x62: {  	_ =	shalt  }
0x63: {  	_ =	shalt  }
0x64: {  	_ =	shalt  }
0x65: {  	_ =	shalt  }
0x66: {  	_ =	shalt  }
0x67: {  	_ =	shalt  }
0x68: {  	_ =	shalt  }
0x69: {  	_ =	shalt  }
0x6a: {  	_ =	shalt  }
0x6b: {  	_ =	shalt  }
0x6c: {  	_ =	shalt  }
0x6d: {  	_ =	shalt  }
0x6e: {  	_ =	shalt  }
0x6f: {  	_ =	shalt  }
0x70: {  	_ =	shalt  }
0x71: {  	_ =	shalt  }
0x72: {  	_ =	shalt  }
0x73: {  	_ =	shalt  }
0x74: {  	_ =	shalt  }
0x75: {  	_ =	shalt  }
0x76: {  	_ =	shalt  }
0x77: {  	_ =	shalt  }
0x78: {  	_ =	shalt  }
0x79: {  	_ =	shalt  }
0x7a: {  	_ =	shalt  }
0x7b: {  	_ =	shalt  }
0x7c: {  	_ =	shalt  }
0x7d: {  	_ =	shalt  }
0x7e: {  	_ =	shalt  }
0x7f: {  	_ =	shalt  }
0x80: {  	_ =	shalt  }
0x81: {  	_ =	shalt  }
0x82: {  	_ =	shalt  }
0x83: {  	_ =	shalt  }
0x84: {  	_ =	shalt  }
0x85: {  	_ =	shalt  }
0x86: {  	_ =	shalt  }
0x87: {  	_ =	shalt  }
.Lfunc_end0:
.L_simem_size_0:
called_computation.2_lowered:
.L_overlay_start_0:
0x88: {  	s2 =	sld [smem:$0x3FD9]  }
0x89: {  	s3 =	sld [smem:$0x3FFE];
	_ =	sdelay $0x1  }
0x8a: {  	s1 =	srdreg.scid  }
0x8b: {  	s0 =	sand.u32 $0x1, s1  }
0x8c: {  	s16 =	sshll.u32 s0, $0xA;
	s2 =	sadd.s32 s3, s2  }
0x8d: {  	s2 =	sadd.s32 s2, s16  }
0x8e: {  	[smem:$0x3FC0] =	sst s2  }
0x8f: {  	_ = 	snop  }
0x90: {  	(tm) =	ssettm $0x1  }
0x91: {  	s17 =	sld [smem:$0x3FFB];
	_ =	sdelay $0x3  }
0x92: {  	_ =	strace s17  }
0x93: {  	s2 =	sld [smem:$0x3FFC];
	_ =	sdelay $0x3  }
0x94: {  	_ =	strace s2  }
0x95: {  	s2 =	sld [smem:$0x3FFD];
	_ =	sdelay $0x3  }
0x96: {  	_ =	strace s2  }
0x97: {  	_ =	strace $0x8FFFFFFF  }
0x98: {  	s18 =	sld [smem:$0x3FDB];
	_ =	sdelay $0x1  }
0x99: {  	s19 =	simm.s32 $_scs_section_size  }
0x9a: {  	s4 =	simm.s32 $_size__tile_overlayer_lowered;
	s5 =	simm.s32 $_tile_overlayer_lowered  }
0x9b: {  	s22 =	simm.s32 $0x1BFF;
	s21 =	sshll.u32 s5, $0x1;
	s2 =	sadd.s32 s19, s18  }
0x9c: {  	s6 =	simm.s32 $0x0;
	s20 =	sshll.u32 s4, $0x1;
	s4 =	sadd.s32 s21, s2  }
0x9d: {  	[timem:s6], [sflag:s22] =	dma.local [hbm:s4], s20  }
0x9e: {  	_ =	swait.ge [sflag:s22], s20  }
0x9f: {  	s3 =	ssub.s32 $0x0, s20;
	[sflag:s22] =	ssyncset.done $0x0  }
0xa0: {  	[sflag:s22] =	ssyncadd.s32 s3;
	_ =	sdelay $0x1  }
0xa1: {  	s23 =	simm.s32 $0x1B8B  }
0xa2: {  	_ =	swait.ge [sflag:s23], $0x1  }
0xa3: {  	[sflag:s23] =	ssyncset.done $0x0  }
0xa4: {  	s25 =	simm.s32 $0x1B8E;
	s24 =	sld [smem:$0x3FFE];
	[sflag:s23] =	ssyncadd.s32 $0xFFFFFFFF  }
0xa5: {  	s26 =	simm.s32 $execute0_lowered;
	[smem:$0x3FD2] =	sst s25  }
0xa6: {  	s4 =	sshll.u32 s26, $0x1;
	_ =	strace $0x8000004C;
	[dreg:$0x1] =	wrdreg $0xFFFFFFFF  }
0xa7: {  	s28 =	simm.s32 $_size_execute0_lowered;
	s2 =	sadd.s32 s2, s4;
	[dreg:$0x0] =	wrdreg $0x0  }
0xa8: {  	s4 =	sshll.u32 s28, $0x1;
	[dreg:$0x2] =	wrdreg s2  }
0xa9: {  	[dreg:$0x3] =	wrdreg s4  }
0xaa: {  	[dreg:$0x4] =	wrdreg $0xC0  }
0xab: {  	_ =	task [dreg:s6], $0x5FFFF  }
0xac: {  	[dreg:$0x1] =	wrdreg $0xFFFFFFFF  }
0xad: {  	[dreg:$0x0] =	wrdreg $0x60  }
0xae: {  	[dreg:$0x2] =	wrdreg s24  }
0xaf: {  	[dreg:$0x3] =	wrdreg $0xA8000  }
0xb0: {  	[dreg:$0x4] =	wrdreg $0x9  }
0xb1: {  	_ =	task.clear_ibuf [dreg:s6], $0x5FFFF;
	_ =	strace $0x9000004C  }
0xb2: {  	s29 =	simm.s32 $0x9;
	_ =	strace $0x8000004E  }
0xb3: {  	_ =	swait.ge [sflag:s29], $0x1  }
0xb4: {  	[sflag:s29] =	ssyncadd.s32 $0xFFFFFFFF  }
0xb5: {  	_ =	strace $0x9000004E  }
0xb6: {  	_ =	sfence  }
0xb7: {  	s30 =	sld [smem:$0x0];
	_ =	sdelay $0x2  }
0xb8: {  	s31 =	sshll.u32 s1, $0xD;
	s1 =	sshrl.u32 s1, $0x2  }
0xb9: {  	s3 =	sand.u32 $0x4000, s31;
	s1 =	sadd.s32 s1, s30  }
0xba: {  	s0 =	sor.u32 s3, s0;
	s1 =	sshll.u32 s1, $0x11  }
0xbb: {  	s0 =	sor.u32 s1, s0  }
0xbc: {  	s0 =	sadd.s32 $0x8F2B, s0  }
0xbd: {  	[sflag:s0] =	ssyncadd.remote.s32 $0x1  }
0xbe: {  	_ =	sfence.sel $0xFFFF  }
0xbf: {  	[dreg:$0x0] =	wrdreg $0xFFFFFFFF;
	(pc) =	sbr.abs _section_cstart, $3  }
0xc0: {  	[dreg:$0x1] =	wrdreg $0xFFFFFFFF  }
0xc1: {  	_ =	task.clear_ibuf [dreg:s6], $0x2FFFF;
	_ =	strace $0x9FFFFFFF  }
0xc2: {  	(tm) =	ssettm $0x7FFFFFFF  }
0xc3: {  	_ =	shalt  }
tec
execute0_lowered:
.L_overlay_start_1:
0x0: {  	(tag) =	ssettag $0x1  }
0x1: {  	s5 =	rddreg [dreg:$0x0]  }
0x2: {  	s0 =	srdreg.scid;
	s2 =	rddreg [dreg:$0x1]  }
0x3: {  	s1 =	stileid.u32;
	s3 =	simm.s32 $0x0;
	s17 =	simm.s32 $0x3  }
0x4: {  	s18 =	simm.s32 $0x1400;
	s19 =	simm.s32 $0x80;
	s20 =	simm.s32 $0x6800  }
0x5: {  	s21 =	simm.s32 $0x1;
	s22 =	simm.s32 $0x2;
	s23 =	simm.s32 $0x1380  }
0x6: {  	s24 =	simm.s32 $0x2700;
	s25 =	simm.s32 $0x2780;
	s6 =	sand.u32 $0x1, s0  }
0x7: {  	s8 =	smul.u32 $0x14000, s1;
	[smem:$0x7FF] =	sst s3;
	s4 =	sadd.s32 $0x16400, s5  }
0x8: {  	s12 =	sadd.s32 $0xC400, s5;
	s26 =	smul.u32 $0x50000, s1;
	s13 =	sadd.s32 $0x2400, s5  }
0x9: {  	s28 =	sshll.u32 s1, $0x1;
	s7 =	smul.u32 $0x140000, s6;
	_ =	strace $0x8000004D  }
0xa: {  	s29 =	ssub.s32 $0x2, s6;
	s6 =	sor.u32 s6, s28;
	s30 =	sshrl.u32 s26, $0x2  }
0xb: {  	s31 =	sshrl.u32 s29, $0x1;
	s10 =	smul.u32 $0x2800, s6;
	s7 =	sadd.s32 s8, s7  }
0xc: {  	s26 =	simm.s32 $0x0;
	s15 =	ssub.s32 s29, s31;
	s7 =	sshrl.u32 s7, $0x3  }
0xd: {  	s16 =	sshrl.u32 s10, $0x3;
	s15 =	smax.u32 s15, $0x1;
	s14 =	sadd.s32 s7, s5  }
0xe: {  	s5 =	sadd.s32 s30, s2;
	s10 =	sadd.s32 s12, s16;
	s11 =	sadd.s32 s13, s16  }
0xf: {  	s16 =	sadd.s32 $0x280, s16;
	s6 =	sadd.s32 $0x4000, s5;
	s7 =	sadd.s32 $0x8000, s5  }
0x10: {  	s8 =	sadd.s32 $0xC000, s5;
	s9 =	sadd.s32 $0x10000, s5;
	s12 =	sadd.s32 s12, s16  }
0x11: {  	v0 =	vimm.f32 $0.0e+00;
	s13 =	sadd.s32 s13, s16;
	s14 =	sadd.s32 $0x8BA00, s14;
	s16 =	simm.s32 $0x2800  }
.LBB2_1:
0x12: {  	s28 =	sand.u32 $0xFE00, s3  }
0x13: {  	s29 =	sand.u32 $0x70, s3;
	s30 =	sshrl.u32 s28, $0x2  }
0x14: {  	s28 =	simm.s32 $0x40;
	s30 =	sor.u32 s29, s30;
	s29 =	simm.s32 $0x0  }
.LBB2_2:
0x15: {  	p0 =	sne.s32 s28, $0xFFC0  }
0x16: {  	[tilespmem:s30+$0x2800] =	vst v0;
	s29 =	sadd.s32 $0x10, s29;
	s30 =	smov.u32 s28;
	s28 =	sadd.s32 $0x40, s28  }
.Ltmp0:
0x17: {  	(pc) =	sbr.rel @p0 .LBB2_2-.Ltmp0, $4  }
0x18: {  	_ = 	snop  }
0x19: {  	s30 =	sand.u32 $0xFE00, s30  }
0x1a: {  	s31 =	sand.u32 $0x70, s29;
	s30 =	sshrl.u32 s30, $0x2  }
0x1b: {  	s30 =	sor.u32 s31, s30  }
0x1c: {  	[tilespmem:s30+$0x2800] =	vst v0  }
0x1d: {  	[spmem:s5] =	stream.linear.scatter [tilespmem:s16], [sflag:$0x3], $0x4000, $0x38;
	[tilespmem:$0x1E800] =	vst v63  }
0x1e: {  	_ =	swait.ge [sflag:s17], $0x4000  }
0x1f: {  	[sflag:s17] =	ssyncset.done $0x0  }
0x20: {  	[sflag:s17] =	ssyncadd.s32 $0xFFFFC000  }
0x21: {  	[spmem:s6] =	stream.linear.scatter [tilespmem:s16], [sflag:$0x3], $0x4000, $0x38;
	[tilespmem:$0x1E800] =	vst v63  }
0x22: {  	_ =	swait.ge [sflag:s17], $0x4000  }
0x23: {  	[sflag:s17] =	ssyncset.done $0x0  }
0x24: {  	[sflag:s17] =	ssyncadd.s32 $0xFFFFC000  }
0x25: {  	[spmem:s7] =	stream.linear.scatter [tilespmem:s16], [sflag:$0x3], $0x4000, $0x38;
	[tilespmem:$0x1E800] =	vst v63  }
0x26: {  	_ =	swait.ge [sflag:s17], $0x4000  }
0x27: {  	[sflag:s17] =	ssyncset.done $0x0  }
0x28: {  	[sflag:s17] =	ssyncadd.s32 $0xFFFFC000  }
0x29: {  	[spmem:s8] =	stream.linear.scatter [tilespmem:s16], [sflag:$0x3], $0x4000, $0x38;
	[tilespmem:$0x1E800] =	vst v63  }
0x2a: {  	_ =	swait.ge [sflag:s17], $0x4000  }
0x2b: {  	[sflag:s17] =	ssyncset.done $0x0  }
0x2c: {  	[sflag:s17] =	ssyncadd.s32 $0xFFFFC000  }
0x2d: {  	[spmem:s9] =	stream.linear.scatter [tilespmem:s16], [sflag:$0x3], $0x4000, $0x38;
	[tilespmem:$0x1E800] =	vst v63  }
0x2e: {  	_ =	swait.ge [sflag:s17], $0x4000  }
0x2f: {  	[sflag:s17] =	ssyncset.done $0x0  }
0x30: {  	[sflag:s17] =	ssyncadd.s32 $0xFFFFC000  }
0x31: {  	s28 =	simm.s32 $0x0;
	[bflag:$0x0] =	sbarrier.arrive $0xFFFF  }
0x32: {  	[tilespmem:s28], [sflag:$0x3] =	stream.linear.gather [hbm4b:s10+s28], $0x1400, $0x38;
	[tilespmem:$0x1E800] =	vst v63  }
0x33: {  	_ =	swait.ge [sflag:s17], $0x1400  }
0x34: {  	[sflag:s17] =	ssyncset.done $0x0  }
0x35: {  	[sflag:s17] =	ssyncadd.s32 $0xFFFFEC00  }
0x36: {  	[tilespmem:s18], [sflag:$0x3] =	stream.linear.gather [hbm4b:s11+s28], $0x1400, $0x38;
	[tilespmem:$0x1E800] =	vst v63  }
0x37: {  	_ =	swait.ge [sflag:s17], $0x1400  }
0x38: {  	[sflag:s17] =	ssyncset.done $0x0  }
0x39: {  	[sflag:s17] =	ssyncadd.s32 $0xFFFFEC00  }
0x3a: {  	[tilespmem:s16], [sflag:$0x1] =	stream.indirect.gather [hbm4b:s4+s19], $0x80, s28, s19, $0xb8;
	[tilespmem:$0x1E800] =	vst v63  }
0x3b: {  	s28 =	simm.s32 $0x80  }
0x3c: {  	[tilespmem:s20], [sflag:$0x2] =	stream.indirect.gather [hbm4b:s4+s19], $0x80, s28, s19, $0xb8;
	[tilespmem:$0x1E800] =	vst v63  }
0x3d: {  	_ =	swait.ge [sflag:s21], $0x4000  }
0x3e: {  	[sflag:s21] =	ssyncset.done $0x0  }
0x3f: {  	s28 =	simm.s32 $0x1400;
	[sflag:s21] =	ssyncadd.s32 $0xFFFFC000  }
0x40: {  	[spmem:s2] =	stream.indirect.scatter.add.f32 [tilespmem:s16], [sflag:$0x3], $0x80, s28, s19, $0xb8;
	[tilespmem:$0x1E800] =	vst v63  }
0x41: {  	_ =	swait.ge [sflag:s17], $0x4000  }
0x42: {  	[sflag:s17] =	ssyncset.done $0x0  }
0x43: {  	s28 =	simm.s32 $0x100;
	[sflag:s17] =	ssyncadd.s32 $0xFFFFC000  }
0x44: {  	[tilespmem:s16], [sflag:$0x1] =	stream.indirect.gather [hbm4b:s4+s19], $0x80, s28, s19, $0xb8;
	[tilespmem:$0x1E800] =	vst v63  }
0x45: {  	_ =	swait.ge [sflag:s22], $0x4000  }
0x46: {  	[sflag:s22] =	ssyncset.done $0x0  }
0x47: {  	s28 =	simm.s32 $0x1480;
	[sflag:s22] =	ssyncadd.s32 $0xFFFFC000  }
0x48: {  	[spmem:s2] =	stream.indirect.scatter.add.f32 [tilespmem:s20], [sflag:$0x3], $0x80, s28, s19, $0xb8;
	[tilespmem:$0x1E800] =	vst v63  }
0x49: {  	_ =	swait.ge [sflag:s17], $0x4000  }
0x4a: {  	s29 =	simm.s32 $0x800;
	s28 =	simm.s32 $0x100;
	[sflag:s17] =	ssyncset.done $0x0  }
.LBB2_4:
0x4b: {  	s30 =	sadd.s32 $0x80, s28  }
0x4c: {  	[sflag:s17] =	ssyncadd.s32 $0xFFFFC000;
	s31 =	smov.u32 s29;
	s0 =	sadd.s32 $0x400, s29  }
0x4d: {  	[tilespmem:s20], [sflag:$0x2] =	stream.indirect.gather [hbm4b:s4+s19], $0x80, s30, s19, $0xb8;
	[tilespmem:$0x1E800] =	vst v63  }
0x4e: {  	p0 =	sne.s32 s29, $0x4800;
	_ =	swait.ge [sflag:s21], $0x4000  }
0x4f: {  	[sflag:s21] =	ssyncset.done $0x0  }
0x50: {  	s29 =	sadd.s32 $0x1400, s28;
	[sflag:s21] =	ssyncadd.s32 $0xFFFFC000  }
0x51: {  	[spmem:s2] =	stream.indirect.scatter.add.f32 [tilespmem:s16], [sflag:$0x3], $0x80, s29, s19, $0xb8;
	[tilespmem:$0x1E800] =	vst v63  }
0x52: {  	_ =	swait.ge [sflag:s17], $0x4000  }
0x53: {  	[sflag:s17] =	ssyncset.done $0x0  }
0x54: {  	s29 =	sadd.s32 $0x100, s28;
	[sflag:s17] =	ssyncadd.s32 $0xFFFFC000  }
0x55: {  	[tilespmem:s16], [sflag:$0x1] =	stream.indirect.gather [hbm4b:s4+s19], $0x80, s29, s19, $0xb8;
	[tilespmem:$0x1E800] =	vst v63  }
0x56: {  	_ =	swait.ge [sflag:s22], $0x4000  }
.Ltmp1:
0x57: {  	[sflag:s22] =	ssyncset.done $0x0;
	(pc) =	sbr.rel @p0 .LBB2_4-.Ltmp1, $4  }
0x58: {  	s28 =	sadd.s32 $0x1480, s28;
	[sflag:s22] =	ssyncadd.s32 $0xFFFFC000  }
0x59: {  	[spmem:s2] =	stream.indirect.scatter.add.f32 [tilespmem:s20], [sflag:$0x3], $0x80, s28, s19, $0xb8;
	[tilespmem:$0x1E800] =	vst v63  }
0x5a: {  	_ =	swait.ge [sflag:s17], $0x4000  }
0x5b: {  	s29 =	smov.u32 s0;
	s28 =	sshra.s32 s31, $0x2;
	[sflag:s17] =	ssyncset.done $0x0  }
0x5c: {  	s0 =	sadd.s32 $0x80, s28;
	[sflag:s17] =	ssyncadd.s32 $0xFFFFC000  }
0x5d: {  	[tilespmem:s20], [sflag:$0x2] =	stream.indirect.gather [hbm4b:s4+s19], $0x80, s0, s19, $0xb8;
	[tilespmem:$0x1E800] =	vst v63  }
0x5e: {  	_ =	swait.ge [sflag:s21], $0x4000  }
0x5f: {  	[sflag:s21] =	ssyncset.done $0x0  }
0x60: {  	s30 =	sadd.s32 $0x1400, s28;
	[sflag:s21] =	ssyncadd.s32 $0xFFFFC000  }
0x61: {  	[spmem:s2] =	stream.indirect.scatter.add.f32 [tilespmem:s16], [sflag:$0x3], $0x80, s30, s19, $0xb8;
	[tilespmem:$0x1E800] =	vst v63  }
0x62: {  	_ =	swait.ge [sflag:s17], $0x4000  }
0x63: {  	[sflag:s17] =	ssyncset.done $0x0  }
0x64: {  	s31 =	sadd.s32 $0x100, s28;
	[sflag:s17] =	ssyncadd.s32 $0xFFFFC000  }
0x65: {  	[tilespmem:s16], [sflag:$0x1] =	stream.indirect.gather [hbm4b:s4+s19], $0x80, s31, s19, $0xb8;
	[tilespmem:$0x1E800] =	vst v63  }
0x66: {  	_ =	swait.ge [sflag:s22], $0x4000  }
0x67: {  	[sflag:s22] =	ssyncset.done $0x0  }
0x68: {  	s30 =	sadd.s32 $0x1480, s28;
	[sflag:s22] =	ssyncadd.s32 $0xFFFFC000  }
0x69: {  	[spmem:s2] =	stream.indirect.scatter.add.f32 [tilespmem:s20], [sflag:$0x3], $0x80, s30, s19, $0xb8;
	[tilespmem:$0x1E800] =	vst v63  }
0x6a: {  	_ =	swait.ge [sflag:s17], $0x4000  }
0x6b: {  	[sflag:s17] =	ssyncset.done $0x0  }
0x6c: {  	[sflag:s17] =	ssyncadd.s32 $0xFFFFC000  }
0x6d: {  	[tilespmem:s20], [sflag:$0x2] =	stream.indirect.gather [hbm4b:s4+s19], $0x80, s23, s19, $0xb8;
	[tilespmem:$0x1E800] =	vst v63  }
0x6e: {  	_ =	swait.ge [sflag:s21], $0x4000  }
0x6f: {  	[sflag:s21] =	ssyncset.done $0x0  }
0x70: {  	[sflag:s21] =	ssyncadd.s32 $0xFFFFC000  }
0x71: {  	[spmem:s2] =	stream.indirect.scatter.add.f32 [tilespmem:s16], [sflag:$0x3], $0x80, s24, s19, $0xb8;
	[tilespmem:$0x1E800] =	vst v63  }
0x72: {  	_ =	swait.ge [sflag:s17], $0x4000  }
0x73: {  	[sflag:s17] =	ssyncset.done $0x0  }
0x74: {  	[sflag:s17] =	ssyncadd.s32 $0xFFFFC000  }
0x75: {  	_ =	swait.ge [sflag:s22], $0x4000  }
0x76: {  	[sflag:s22] =	ssyncset.done $0x0  }
0x77: {  	[sflag:s22] =	ssyncadd.s32 $0xFFFFC000  }
0x78: {  	[spmem:s2] =	stream.indirect.scatter.add.f32 [tilespmem:s20], [sflag:$0x3], $0x80, s25, s19, $0xb8;
	[tilespmem:$0x1E800] =	vst v63  }
0x79: {  	_ =	swait.ge [sflag:s17], $0x4000  }
0x7a: {  	[sflag:s17] =	ssyncset.done $0x0  }
0x7b: {  	s31 =	simm.s32 $0x0;
	[sflag:s17] =	ssyncadd.s32 $0xFFFFC000  }
0x7c: {  	[tilespmem:s31], [sflag:$0x3] =	stream.linear.gather [hbm4b:s12+s31], $0x1400, $0x38;
	[tilespmem:$0x1E800] =	vst v63  }
0x7d: {  	_ =	swait.ge [sflag:s17], $0x1400  }
0x7e: {  	[sflag:s17] =	ssyncset.done $0x0  }
0x7f: {  	[sflag:s17] =	ssyncadd.s32 $0xFFFFEC00  }
0x80: {  	[tilespmem:s18], [sflag:$0x3] =	stream.linear.gather [hbm4b:s13+s31], $0x1400, $0x38;
	[tilespmem:$0x1E800] =	vst v63  }
0x81: {  	_ =	swait.ge [sflag:s17], $0x1400  }
0x82: {  	[sflag:s17] =	ssyncset.done $0x0  }
0x83: {  	[sflag:s17] =	ssyncadd.s32 $0xFFFFEC00  }
0x84: {  	[tilespmem:s16], [sflag:$0x1] =	stream.indirect.gather [hbm4b:s4+s19], $0x80, s31, s19, $0xb8;
	[tilespmem:$0x1E800] =	vst v63  }
0x85: {  	s30 =	simm.s32 $0x80  }
0x86: {  	[tilespmem:s20], [sflag:$0x2] =	stream.indirect.gather [hbm4b:s4+s19], $0x80, s30, s19, $0xb8;
	[tilespmem:$0x1E800] =	vst v63  }
0x87: {  	_ =	swait.ge [sflag:s21], $0x4000  }
0x88: {  	[sflag:s21] =	ssyncset.done $0x0  }
0x89: {  	s31 =	simm.s32 $0x1400;
	[sflag:s21] =	ssyncadd.s32 $0xFFFFC000  }
0x8a: {  	[spmem:s2] =	stream.indirect.scatter.add.f32 [tilespmem:s16], [sflag:$0x3], $0x80, s31, s19, $0xb8;
	[tilespmem:$0x1E800] =	vst v63  }
0x8b: {  	_ =	swait.ge [sflag:s17], $0x4000  }
0x8c: {  	[sflag:s17] =	ssyncset.done $0x0  }
0x8d: {  	s30 =	simm.s32 $0x100;
	[sflag:s17] =	ssyncadd.s32 $0xFFFFC000  }
0x8e: {  	[tilespmem:s16], [sflag:$0x1] =	stream.indirect.gather [hbm4b:s4+s19], $0x80, s30, s19, $0xb8;
	[tilespmem:$0x1E800] =	vst v63  }
0x8f: {  	_ =	swait.ge [sflag:s22], $0x4000  }
0x90: {  	[sflag:s22] =	ssyncset.done $0x0  }
0x91: {  	s31 =	simm.s32 $0x1480;
	[sflag:s22] =	ssyncadd.s32 $0xFFFFC000  }
0x92: {  	[spmem:s2] =	stream.indirect.scatter.add.f32 [tilespmem:s20], [sflag:$0x3], $0x80, s31, s19, $0xb8;
	[tilespmem:$0x1E800] =	vst v63  }
0x93: {  	_ =	swait.ge [sflag:s17], $0x4000  }
0x94: {  	s29 =	simm.s32 $0x800;
	s28 =	simm.s32 $0x100;
	[sflag:s17] =	ssyncset.done $0x0  }
.LBB2_6:
0x95: {  	s0 =	sadd.s32 $0x80, s28  }
0x96: {  	[sflag:s17] =	ssyncadd.s32 $0xFFFFC000;
	s30 =	smov.u32 s29;
	s31 =	sadd.s32 $0x400, s29  }
0x97: {  	[tilespmem:s20], [sflag:$0x2] =	stream.indirect.gather [hbm4b:s4+s19], $0x80, s0, s19, $0xb8;
	[tilespmem:$0x1E800] =	vst v63  }
0x98: {  	p0 =	sne.s32 s29, $0x4800;
	_ =	swait.ge [sflag:s21], $0x4000  }
0x99: {  	[sflag:s21] =	ssyncset.done $0x0  }
0x9a: {  	s0 =	sadd.s32 $0x1400, s28;
	[sflag:s21] =	ssyncadd.s32 $0xFFFFC000  }
0x9b: {  	[spmem:s2] =	stream.indirect.scatter.add.f32 [tilespmem:s16], [sflag:$0x3], $0x80, s0, s19, $0xb8;
	[tilespmem:$0x1E800] =	vst v63  }
0x9c: {  	_ =	swait.ge [sflag:s17], $0x4000  }
0x9d: {  	[sflag:s17] =	ssyncset.done $0x0  }
0x9e: {  	s0 =	sadd.s32 $0x100, s28;
	[sflag:s17] =	ssyncadd.s32 $0xFFFFC000  }
0x9f: {  	[tilespmem:s16], [sflag:$0x1] =	stream.indirect.gather [hbm4b:s4+s19], $0x80, s0, s19, $0xb8;
	[tilespmem:$0x1E800] =	vst v63  }
0xa0: {  	_ =	swait.ge [sflag:s22], $0x4000  }
.Ltmp2:
0xa1: {  	[sflag:s22] =	ssyncset.done $0x0;
	(pc) =	sbr.rel @p0 .LBB2_6-.Ltmp2, $4  }
0xa2: {  	s0 =	sadd.s32 $0x1480, s28;
	[sflag:s22] =	ssyncadd.s32 $0xFFFFC000  }
0xa3: {  	[spmem:s2] =	stream.indirect.scatter.add.f32 [tilespmem:s20], [sflag:$0x3], $0x80, s0, s19, $0xb8;
	[tilespmem:$0x1E800] =	vst v63  }
0xa4: {  	_ =	swait.ge [sflag:s17], $0x4000  }
0xa5: {  	s29 =	smov.u32 s31;
	s28 =	sshra.s32 s30, $0x2;
	[sflag:s17] =	ssyncset.done $0x0  }
0xa6: {  	s0 =	sadd.s32 $0x80, s28;
	[sflag:s17] =	ssyncadd.s32 $0xFFFFC000  }
0xa7: {  	[tilespmem:s20], [sflag:$0x2] =	stream.indirect.gather [hbm4b:s4+s19], $0x80, s0, s19, $0xb8;
	[tilespmem:$0x1E800] =	vst v63  }
0xa8: {  	_ =	swait.ge [sflag:s21], $0x4000  }
0xa9: {  	[sflag:s21] =	ssyncset.done $0x0  }
0xaa: {  	s30 =	sadd.s32 $0x1400, s28;
	[sflag:s21] =	ssyncadd.s32 $0xFFFFC000  }
0xab: {  	[spmem:s2] =	stream.indirect.scatter.add.f32 [tilespmem:s16], [sflag:$0x3], $0x80, s30, s19, $0xb8;
	[tilespmem:$0x1E800] =	vst v63  }
0xac: {  	_ =	swait.ge [sflag:s17], $0x4000  }
0xad: {  	[sflag:s17] =	ssyncset.done $0x0  }
0xae: {  	s31 =	sadd.s32 $0x100, s28;
	[sflag:s17] =	ssyncadd.s32 $0xFFFFC000  }
0xaf: {  	[tilespmem:s16], [sflag:$0x1] =	stream.indirect.gather [hbm4b:s4+s19], $0x80, s31, s19, $0xb8;
	[tilespmem:$0x1E800] =	vst v63  }
0xb0: {  	_ =	swait.ge [sflag:s22], $0x4000  }
0xb1: {  	[sflag:s22] =	ssyncset.done $0x0  }
0xb2: {  	s29 =	sadd.s32 $0x1480, s28;
	[sflag:s22] =	ssyncadd.s32 $0xFFFFC000  }
0xb3: {  	[spmem:s2] =	stream.indirect.scatter.add.f32 [tilespmem:s20], [sflag:$0x3], $0x80, s29, s19, $0xb8;
	[tilespmem:$0x1E800] =	vst v63  }
0xb4: {  	_ =	swait.ge [sflag:s17], $0x4000  }
0xb5: {  	[sflag:s17] =	ssyncset.done $0x0  }
0xb6: {  	[sflag:s17] =	ssyncadd.s32 $0xFFFFC000  }
0xb7: {  	[tilespmem:s20], [sflag:$0x2] =	stream.indirect.gather [hbm4b:s4+s19], $0x80, s23, s19, $0xb8;
	[tilespmem:$0x1E800] =	vst v63  }
0xb8: {  	_ =	swait.ge [sflag:s21], $0x4000  }
0xb9: {  	[sflag:s21] =	ssyncset.done $0x0  }
0xba: {  	[sflag:s21] =	ssyncadd.s32 $0xFFFFC000  }
0xbb: {  	[spmem:s2] =	stream.indirect.scatter.add.f32 [tilespmem:s16], [sflag:$0x3], $0x80, s24, s19, $0xb8;
	[tilespmem:$0x1E800] =	vst v63  }
0xbc: {  	_ =	swait.ge [sflag:s17], $0x4000  }
0xbd: {  	[sflag:s17] =	ssyncset.done $0x0  }
0xbe: {  	[sflag:s17] =	ssyncadd.s32 $0xFFFFC000  }
0xbf: {  	_ =	swait.ge [sflag:s22], $0x4000  }
0xc0: {  	[sflag:s22] =	ssyncset.done $0x0  }
0xc1: {  	[sflag:s22] =	ssyncadd.s32 $0xFFFFC000  }
0xc2: {  	[spmem:s2] =	stream.indirect.scatter.add.f32 [tilespmem:s20], [sflag:$0x3], $0x80, s25, s19, $0xb8;
	[tilespmem:$0x1E800] =	vst v63  }
0xc3: {  	_ =	swait.ge [sflag:s17], $0x4000  }
0xc4: {  	s26 =	sadd.s32 $0x1, s26;
	s30 =	sshll.u32 s1, $0x6;
	[sflag:s17] =	ssyncset.done $0x0  }
0xc5: {  	p0 =	sne.s32 s26, s15;
	s0 =	sor.u32 $0x1C03, s30;
	[sflag:s17] =	ssyncadd.s32 $0xFFFFC000  }
.Ltmp3:
0xc6: {  	s31 =	sshrl.u32 s5, $0x3;
	[bflag:$0x0] =	sbarrier.arrive $0xFFFF;
	(pc) =	sbr.rel @p0 .LBB2_1-.Ltmp3, $4  }
0xc7: {  	[hbm:s14], [sflag:s0] =	dma.local [spmem:s31], $0x2800  }
0xc8: {  	_ =	swait.ge [sflag:s17], $0x2800  }
0xc9: {  	[sflag:s17] =	ssyncset.done $0x0  }
0xca: {  	[sflag:s17] =	ssyncadd.s32 $0xFFFFD800  }
0xcb: {  	_ =	sfence.sel $0x180000  }
0xcc: {  	[bflag:$0x0] =	sbarrier.arrive $0xFFFF  }
0xcd: {  	_ =	strace $0x9000004D  }
0xce: {  	[bflag:$0x2] =	sbarrier.arrive $0xFFFF  }
0xcf: {  	p0 =	sne.s32 s1, $0x0;
	s0 =	rddreg [dreg:$0x2]  }
0xd0: {  	s0 =	sadd.s32 @!p0 $0x100000, s0  }
0xd1: {  	[sflag:s0] =	ssyncadd.tile.s32 @!p0 $0x1;
	_ =	shalt  }
.Lfunc_end2:
_tile_overlayer_lowered:
.L_overlay_start_2:
0xd2: {  	(tag) =	ssettag $0x2  }
0xd3: {  	s0 =	rddreg [dreg:$0x0];
	s2 =	stileid.u32  }
0xd4: {  	s1 =	rddreg [dreg:$0x1];
	p0 =	sne.s32 s2, $0x0  }
0xd5: {  	s3 =	rddreg [dreg:$0x2];
	[bflag:$0x3] =	sbarrier.arrive $0xFFFF;
	s2 =	simm.s32 @!p0 $0x1C03  }
0xd6: {  	[timem:s3], [sflag:s2] =	dma.local @!p0 [hbm:s0], s1  }
0xd7: {  	s0 =	simm.s32 @!p0 $0x3  }
0xd8: {  	_ =	swait.ge @!p0 [sflag:s0], s1  }
0xd9: {  	s1 =	ssub.s32 @!p0 $0x0, s1;
	[sflag:s0] =	ssyncset.done @!p0 $0x0  }
0xda: {  	[sflag:s0] =	ssyncadd.s32 @!p0 s1  }
0xdb: {  	[bflag:$0x3] =	sbarrier.arrive $0xFFFF  }
0xdc: {  	_ =	shalt  }

// kernel: kernel.9.cloned.1.call-start
scs
__scs_entry_jumppad:
0x0: {  	(pc) =	sbr.rel $0x88, $3  }
0x1: {  	(tag) =	ssettag $0x0;
	lr =	simm.s32 $0x1  }
0x2: {  	[smem:$0x3F99] =	sst lr;
	_ =	strace $0xD0000000  }
0x3: {  	_ = 	snop  }
0x4: {  	_ = 	snop  }
0x5: {  	_ = 	snop  }
0x6: {  	_ = 	snop  }
0x7: {  	_ = 	snop  }
__scs_overlays_trampoline_lowered:
0x8: {  	[smem:$0x3FA8] =	sst s0  }
0x9: {  	[smem:$0x3FA9] =	sst s1  }
0xa: {  	[smem:$0x3FAA] =	sst s2  }
0xb: {  	[smem:$0x3FAB] =	sst s3  }
0xc: {  	[smem:$0x3FAC] =	sst s4  }
0xd: {  	[smem:$0x3FAD] =	sst s5  }
0xe: {  	[smem:$0x3FAE] =	sst s6  }
0xf: {  	[smem:$0x3FAF] =	sst s7  }
0x10: {  	[smem:$0x3FB0] =	sst s8  }
0x11: {  	[smem:$0x3FB1] =	sst s9;
	s0 =	simm.s32 @!p0 $0x0  }
0x12: {  	s1 =	sld [smem:$0x3F97];
	s0 =	simm.s32 @p0 $0x1  }
0x13: {  	[smem:$0x3FB2] =	sst s0;
	s0 =	simm.s32 @!p1 $0x0  }
0x14: {  	s2 =	sld [smem:$0x3F96];
	s0 =	simm.s32 @p1 $0x1  }
0x15: {  	[smem:$0x3FB3] =	sst s0;
	s0 =	simm.s32 @!p2 $0x0  }
0x16: {  	s3 =	sld [smem:$0x3FDB];
	s0 =	simm.s32 @p2 $0x1  }
0x17: {  	s4 =	simm.s32 $0x1BF5;
	[smem:$0x3FB5] =	sst s0  }
0x18: {  	s0 =	sld [smem:$0x3F98];
	_ =	swait.ge [sflag:s4], $0x0  }
0x19: {  	s7 =	sld [smem:$0x3F99]  }
0x1a: {  	s8 =	sadd.s32 $0xFFFFE003, lr  }
0x1b: {  	s9 =	sadd.s32 $0xFFFFFEF7, lr;
	s5 =	simm.s32 $0xFFFFFFFF;
	p2 =	slt.u32 s8, $0xFFFFF086  }
0x1c: {  	p1 =	slt.u32 s9, $0xF7A;
	s5 =	simm.s32 @!p2 $0x0  }
0x1d: {  	s5 =	simm.s32 @p1 $0x1;
	p0 =	seq.s32 s7, s2  }
0x1e: {  	s7 =	smul.u32 @!p0 $0xF7A, s2;
	p2 =	seq.s32 @!p0 s5, $0x0  }
0x1f: {  	s9 =	smul.u32 $0xF7A, s1;
	s8 =	simm.s32 @!p0 $0x1BF5;
	p2 =	por !p2, p0  }
0x20: {  	[sflag:s8] =	ssyncset.s32 @!p0 $0xFFFFF086;
	s6 =	sadd.s32 @!p0 s3, s7;
	s7 =	simm.s32 @!p0 $0x108  }
0x21: {  	s3 =	sadd.s32 s3, s9;
	s6 =	sadd.s32 @!p0 $0x88, s6;
	s7 =	simm.s32 @p2 $0x1082  }
0x22: {  	[simem:s7], [sflag:s8] =	dma.local @!p0 [hbm:s6], $0xF7A  }
0x23: {  	s9 =	sor.u32 $0xD0000000, s2;
	s6 =	simm.s32 $0x108;
	_ =	swait.ge @!p0 [sflag:s8], $0x0  }
0x24: {  	s3 =	sadd.s32 $0x88, s3;
	s6 =	simm.s32 @!p1 $0x1082;
	[sflag:s4] =	ssyncset.s32 $0xFFFFF086  }
0x25: {  	[simem:s6], [sflag:s4] =	dma.local [hbm:s3], $0xF7A  }
0x26: {  	[smem:$0x3F99] =	sst s1;
	(tag) =	ssettag s2;
	_ =	strace s9  }
0x27: {  	s1 =	sld [smem:$0x3FA9]  }
0x28: {  	s2 =	sld [smem:$0x3FAA]  }
0x29: {  	s4 =	sld [smem:$0x3FAC]  }
0x2a: {  	p0 =	seq.s32 s5, $0x0;
	s5 =	sld [smem:$0x3FAD]  }
0x2b: {  	s6 =	sld [smem:$0x3FAE]  }
0x2c: {  	s7 =	sld [smem:$0x3FAF]  }
0x2d: {  	s3 =	simm.s32 $0x108;
	s8 =	sld [smem:$0x3FB0]  }
0x2e: {  	s3 =	simm.s32 @!p0 $0x1082;
	s9 =	sld [smem:$0x3FB1]  }
0x2f: {  	lr =	sadd.s32 s0, s3;
	s0 =	sld [smem:$0x3FA8]  }
0x30: {  	s3 =	sld [smem:$0x3FAB]  }
0x31: {  	[smem:$0x3FB4] =	sst s10  }
0x32: {  	s10 =	sld [smem:$0x3FB2];
	_ =	sdelay $0x3  }
0x33: {  	p0 =	seq.s32 s10, $0x1;
	s10 =	sld [smem:$0x3FB4];
	_ =	sdelay $0x3  }
0x34: {  	[smem:$0x3FB4] =	sst s10  }
0x35: {  	s10 =	sld [smem:$0x3FB3];
	_ =	sdelay $0x3  }
0x36: {  	p1 =	seq.s32 s10, $0x1;
	s10 =	sld [smem:$0x3FB4];
	_ =	sdelay $0x3  }
0x37: {  	[smem:$0x3FB4] =	sst s10  }
0x38: {  	s10 =	sld [smem:$0x3FB5]  }
0x39: {  	_ = 	snop;
	(pc) =	sbr.ind lr, $3  }
0x3a: {  	_ = 	snop  }
0x3b: {  	_ = 	snop  }
0x3c: {  	p2 =	seq.s32 s10, $0x1;
	s10 =	sld [smem:$0x3FB4]  }
0x3d: {  	_ =	shalt  }
0x3e: {  	_ =	shalt  }
0x3f: {  	_ =	shalt  }
0x40: {  	_ =	shalt  }
0x41: {  	_ =	shalt  }
0x42: {  	_ =	shalt  }
0x43: {  	_ =	shalt  }
0x44: {  	_ =	shalt  }
0x45: {  	_ =	shalt  }
0x46: {  	_ =	shalt  }
0x47: {  	_ =	shalt  }
0x48: {  	_ =	shalt  }
0x49: {  	_ =	shalt  }
0x4a: {  	_ =	shalt  }
0x4b: {  	_ =	shalt  }
0x4c: {  	_ =	shalt  }
0x4d: {  	_ =	shalt  }
0x4e: {  	_ =	shalt  }
0x4f: {  	_ =	shalt  }
0x50: {  	_ =	shalt  }
0x51: {  	_ =	shalt  }
0x52: {  	_ =	shalt  }
0x53: {  	_ =	shalt  }
0x54: {  	_ =	shalt  }
0x55: {  	_ =	shalt  }
0x56: {  	_ =	shalt  }
0x57: {  	_ =	shalt  }
0x58: {  	_ =	shalt  }
0x59: {  	_ =	shalt  }
0x5a: {  	_ =	shalt  }
0x5b: {  	_ =	shalt  }
0x5c: {  	_ =	shalt  }
0x5d: {  	_ =	shalt  }
0x5e: {  	_ =	shalt  }
0x5f: {  	_ =	shalt  }
0x60: {  	_ =	shalt  }
0x61: {  	_ =	shalt  }
0x62: {  	_ =	shalt  }
0x63: {  	_ =	shalt  }
0x64: {  	_ =	shalt  }
0x65: {  	_ =	shalt  }
0x66: {  	_ =	shalt  }
0x67: {  	_ =	shalt  }
0x68: {  	_ =	shalt  }
0x69: {  	_ =	shalt  }
0x6a: {  	_ =	shalt  }
0x6b: {  	_ =	shalt  }
0x6c: {  	_ =	shalt  }
0x6d: {  	_ =	shalt  }
0x6e: {  	_ =	shalt  }
0x6f: {  	_ =	shalt  }
0x70: {  	_ =	shalt  }
0x71: {  	_ =	shalt  }
0x72: {  	_ =	shalt  }
0x73: {  	_ =	shalt  }
0x74: {  	_ =	shalt  }
0x75: {  	_ =	shalt  }
0x76: {  	_ =	shalt  }
0x77: {  	_ =	shalt  }
0x78: {  	_ =	shalt  }
0x79: {  	_ =	shalt  }
0x7a: {  	_ =	shalt  }
0x7b: {  	_ =	shalt  }
0x7c: {  	_ =	shalt  }
0x7d: {  	_ =	shalt  }
0x7e: {  	_ =	shalt  }
0x7f: {  	_ =	shalt  }
0x80: {  	_ =	shalt  }
0x81: {  	_ =	shalt  }
0x82: {  	_ =	shalt  }
0x83: {  	_ =	shalt  }
0x84: {  	_ =	shalt  }
0x85: {  	_ =	shalt  }
0x86: {  	_ =	shalt  }
0x87: {  	_ =	shalt  }
.Lfunc_end0:
.L_simem_size_0:
called_computation_lowered:
.L_overlay_start_0:
0x88: {  	s2 =	sld [smem:$0x3FD9]  }
0x89: {  	s3 =	sld [smem:$0x3FFE];
	_ =	sdelay $0x1  }
0x8a: {  	s1 =	srdreg.scid  }
0x8b: {  	s0 =	sand.u32 $0x1, s1  }
0x8c: {  	s16 =	sshll.u32 s0, $0xA;
	s2 =	sadd.s32 s3, s2  }
0x8d: {  	s2 =	sadd.s32 s2, s16  }
0x8e: {  	[smem:$0x3FC0] =	sst s2  }
0x8f: {  	_ = 	snop  }
0x90: {  	(tm) =	ssettm $0x1  }
0x91: {  	s17 =	sld [smem:$0x3FFB];
	_ =	sdelay $0x3  }
0x92: {  	_ =	strace s17  }
0x93: {  	s2 =	sld [smem:$0x3FFC];
	_ =	sdelay $0x3  }
0x94: {  	_ =	strace s2  }
0x95: {  	s2 =	sld [smem:$0x3FFD];
	_ =	sdelay $0x3  }
0x96: {  	_ =	strace s2  }
0x97: {  	_ =	strace $0x8FFFFFFF  }
0x98: {  	s18 =	sld [smem:$0x3FDB];
	_ =	sdelay $0x1  }
0x99: {  	s19 =	simm.s32 $_scs_section_size  }
0x9a: {  	s4 =	simm.s32 $_size__tile_overlayer_lowered;
	s5 =	simm.s32 $_tile_overlayer_lowered  }
0x9b: {  	s22 =	simm.s32 $0x1BFF;
	s21 =	sshll.u32 s5, $0x1;
	s2 =	sadd.s32 s19, s18  }
0x9c: {  	s6 =	simm.s32 $0x0;
	s20 =	sshll.u32 s4, $0x1;
	s4 =	sadd.s32 s21, s2  }
0x9d: {  	[timem:s6], [sflag:s22] =	dma.local [hbm:s4], s20  }
0x9e: {  	_ =	swait.ge [sflag:s22], s20  }
0x9f: {  	s3 =	ssub.s32 $0x0, s20;
	[sflag:s22] =	ssyncset.done $0x0  }
0xa0: {  	[sflag:s22] =	ssyncadd.s32 s3;
	_ =	sdelay $0x1  }
0xa1: {  	s23 =	simm.s32 $0x1B8B  }
0xa2: {  	_ =	swait.ge [sflag:s23], $0x1  }
0xa3: {  	[sflag:s23] =	ssyncset.done $0x0  }
0xa4: {  	s25 =	simm.s32 $0x1B8E;
	s24 =	sld [smem:$0x3FFE];
	[sflag:s23] =	ssyncadd.s32 $0xFFFFFFFF  }
0xa5: {  	s26 =	simm.s32 $execute0_lowered;
	[smem:$0x3FD2] =	sst s25  }
0xa6: {  	s4 =	sshll.u32 s26, $0x1;
	_ =	strace $0x80000046;
	[dreg:$0x1] =	wrdreg $0xFFFFFFFF  }
0xa7: {  	s28 =	simm.s32 $_size_execute0_lowered;
	s2 =	sadd.s32 s2, s4;
	[dreg:$0x0] =	wrdreg $0x0  }
0xa8: {  	s4 =	sshll.u32 s28, $0x1;
	[dreg:$0x2] =	wrdreg s2  }
0xa9: {  	[dreg:$0x3] =	wrdreg s4  }
0xaa: {  	[dreg:$0x4] =	wrdreg $0xC0  }
0xab: {  	_ =	task [dreg:s6], $0x5FFFF  }
0xac: {  	[dreg:$0x1] =	wrdreg $0xFFFFFFFF  }
0xad: {  	[dreg:$0x0] =	wrdreg $0x60  }
0xae: {  	[dreg:$0x2] =	wrdreg s24  }
0xaf: {  	[dreg:$0x3] =	wrdreg $0x68000  }
0xb0: {  	[dreg:$0x4] =	wrdreg $0x9  }
0xb1: {  	_ =	task.clear_ibuf [dreg:s6], $0x5FFFF;
	_ =	strace $0x90000046  }
0xb2: {  	s29 =	simm.s32 $0x9;
	_ =	strace $0x80000048  }
0xb3: {  	_ =	swait.ge [sflag:s29], $0x1  }
0xb4: {  	[sflag:s29] =	ssyncadd.s32 $0xFFFFFFFF  }
0xb5: {  	_ =	strace $0x90000048  }
0xb6: {  	_ =	sfence  }
0xb7: {  	s30 =	sld [smem:$0x0];
	_ =	sdelay $0x2  }
0xb8: {  	s31 =	sshll.u32 s1, $0xD;
	s1 =	sshrl.u32 s1, $0x2  }
0xb9: {  	s3 =	sand.u32 $0x4000, s31;
	s1 =	sadd.s32 s1, s30  }
0xba: {  	s0 =	sor.u32 s3, s0;
	s1 =	sshll.u32 s1, $0x11  }
0xbb: {  	s0 =	sor.u32 s1, s0  }
0xbc: {  	s0 =	sadd.s32 $0x8F2B, s0  }
0xbd: {  	[sflag:s0] =	ssyncadd.remote.s32 $0x1  }
0xbe: {  	_ =	sfence.sel $0xFFFF  }
0xbf: {  	[dreg:$0x0] =	wrdreg $0xFFFFFFFF;
	(pc) =	sbr.abs _section_cstart, $3  }
0xc0: {  	[dreg:$0x1] =	wrdreg $0xFFFFFFFF  }
0xc1: {  	_ =	task.clear_ibuf [dreg:s6], $0x2FFFF;
	_ =	strace $0x9FFFFFFF  }
0xc2: {  	(tm) =	ssettm $0x7FFFFFFF  }
0xc3: {  	_ =	shalt  }
tec
execute0_lowered:
.L_overlay_start_1:
0x0: {  	(tag) =	ssettag $0x1  }
0x1: {  	s1 =	srdreg.scid;
	s5 =	rddreg [dreg:$0x0]  }
0x2: {  	s0 =	stileid.u32;
	s2 =	rddreg [dreg:$0x1];
	s3 =	simm.s32 $0x0  }
0x3: {  	s13 =	simm.s32 $0x1;
	s14 =	simm.s32 $0x80;
	s17 =	simm.s32 $0x0  }
0x4: {  	s4 =	sand.u32 $0x1, s1;
	s26 =	sshll.u32 s0, $0x1;
	s8 =	smul.u32 $0x14000, s0  }
0x5: {  	[smem:$0x7FF] =	sst s3;
	s9 =	smul.u32 $0x50000, s0;
	s15 =	sshll.u32 s0, $0x6  }
0x6: {  	s1 =	sor.u32 s4, s26;
	s7 =	smul.u32 $0x140000, s4;
	s29 =	ssub.s32 $0x2, s4  }
0x7: {  	s15 =	sor.u32 $0x1C01, s15;
	s6 =	smul.u32 $0x500, s1;
	s1 =	rddreg [dreg:$0x2]  }
0x8: {  	_ =	strace $0x80000047;
	s30 =	sshrl.u32 s9, $0x2;
	s31 =	sshrl.u32 s29, $0x1  }
0x9: {  	s28 =	sadd.s32 s8, s7;
	s4 =	sadd.s32 s30, s2;
	s12 =	ssub.s32 s29, s31  }
0xa: {  	s10 =	sadd.s32 s6, s5;
	s6 =	sshrl.u32 s28, $0x3;
	s7 =	sadd.s32 $0xC000, s4  }
0xb: {  	s8 =	sadd.s32 $0x10000, s4;
	s16 =	sshrl.u32 s4, $0x3;
	s11 =	sadd.s32 s6, s5  }
0xc: {  	s5 =	sadd.s32 $0x4000, s4;
	s6 =	sadd.s32 $0x8000, s4;
	s9 =	sadd.s32 $0x2400, s10  }
0xd: {  	v0 =	vimm.f32 $0.0e+00;
	v1 =	vimm.f32 $1.000000000e+00;
	s10 =	sadd.s32 $0x16400, s11;
	s11 =	smax.u32 s12, $0x1;
	s12 =	simm.s32 $0x2800  }
.LBB2_1:
0xe: {  	s18 =	sand.u32 $0xFE00, s3  }
0xf: {  	s19 =	sand.u32 $0x70, s3;
	s20 =	sshrl.u32 s18, $0x2  }
0x10: {  	s18 =	simm.s32 $0x40;
	s20 =	sor.u32 s19, s20;
	s19 =	simm.s32 $0x0  }
.LBB2_2:
0x11: {  	p0 =	sne.s32 s18, $0xFFC0  }
0x12: {  	[tilespmem:s20+$0x2800] =	vst v0;
	s19 =	sadd.s32 $0x10, s19;
	s20 =	smov.u32 s18;
	s18 =	sadd.s32 $0x40, s18  }
.Ltmp0:
0x13: {  	(pc) =	sbr.rel @p0 .LBB2_2-.Ltmp0, $4  }
0x14: {  	_ = 	snop  }
0x15: {  	s20 =	sand.u32 $0xFE00, s20  }
0x16: {  	s21 =	sand.u32 $0x70, s19;
	s20 =	sshrl.u32 s20, $0x2  }
0x17: {  	s20 =	sor.u32 s21, s20  }
0x18: {  	[tilespmem:s20+$0x2800] =	vst v0  }
0x19: {  	[spmem:s4] =	stream.linear.scatter [tilespmem:s12], [sflag:$0x1], $0x4000, $0x38;
	[tilespmem:$0x1A800] =	vst v63  }
0x1a: {  	_ =	swait.ge [sflag:s13], $0x4000  }
0x1b: {  	[sflag:s13] =	ssyncset.done $0x0  }
0x1c: {  	[sflag:s13] =	ssyncadd.s32 $0xFFFFC000  }
0x1d: {  	[spmem:s5] =	stream.linear.scatter [tilespmem:s12], [sflag:$0x1], $0x4000, $0x38;
	[tilespmem:$0x1A800] =	vst v63  }
0x1e: {  	_ =	swait.ge [sflag:s13], $0x4000  }
0x1f: {  	[sflag:s13] =	ssyncset.done $0x0  }
0x20: {  	[sflag:s13] =	ssyncadd.s32 $0xFFFFC000  }
0x21: {  	[spmem:s6] =	stream.linear.scatter [tilespmem:s12], [sflag:$0x1], $0x4000, $0x38;
	[tilespmem:$0x1A800] =	vst v63  }
0x22: {  	_ =	swait.ge [sflag:s13], $0x4000  }
0x23: {  	[sflag:s13] =	ssyncset.done $0x0  }
0x24: {  	[sflag:s13] =	ssyncadd.s32 $0xFFFFC000  }
0x25: {  	[spmem:s7] =	stream.linear.scatter [tilespmem:s12], [sflag:$0x1], $0x4000, $0x38;
	[tilespmem:$0x1A800] =	vst v63  }
0x26: {  	_ =	swait.ge [sflag:s13], $0x4000  }
0x27: {  	[sflag:s13] =	ssyncset.done $0x0  }
0x28: {  	[sflag:s13] =	ssyncadd.s32 $0xFFFFC000  }
0x29: {  	[spmem:s8] =	stream.linear.scatter [tilespmem:s12], [sflag:$0x1], $0x4000, $0x38;
	[tilespmem:$0x1A800] =	vst v63  }
0x2a: {  	_ =	swait.ge [sflag:s13], $0x4000  }
0x2b: {  	[sflag:s13] =	ssyncset.done $0x0  }
0x2c: {  	s18 =	simm.s32 $0x0;
	[sflag:s13] =	ssyncadd.s32 $0xFFFFC000  }
0x2d: {  	[tilespmem:s18], [sflag:$0x1] =	stream.linear.gather [hbm4b:s9+s18], $0x2800, $0x38;
	[tilespmem:$0x1A800] =	vst v63  }
0x2e: {  	s19 =	sand.u32 $0xFE00, s18;
	_ =	swait.ge [sflag:s13], $0x2800  }
0x2f: {  	s31 =	sand.u32 $0x70, s18;
	s21 =	sshrl.u32 s19, $0x2;
	[sflag:s13] =	ssyncset.done $0x0  }
0x30: {  	s19 =	simm.s32 $0x40;
	s20 =	sor.u32 s31, s21;
	[sflag:s13] =	ssyncadd.s32 $0xFFFFD800  }
.LBB2_4:
0x31: {  	p0 =	sne.s32 s19, $0xFFC0  }
0x32: {  	[tilespmem:s20+$0x2800] =	vst v1;
	s18 =	sadd.s32 $0x10, s18;
	s20 =	smov.u32 s19;
	s19 =	sadd.s32 $0x40, s19  }
.Ltmp1:
0x33: {  	(pc) =	sbr.rel @p0 .LBB2_4-.Ltmp1, $4  }
0x34: {  	_ = 	snop  }
0x35: {  	s20 =	sand.u32 $0xFE00, s20  }
0x36: {  	s21 =	sand.u32 $0x70, s18;
	s20 =	sshrl.u32 s20, $0x2  }
0x37: {  	s20 =	sor.u32 s21, s20  }
0x38: {  	[tilespmem:s20+$0x2800] =	vst v1  }
0x39: {  	s18 =	simm.s32 $0x0;
	[bflag:$0x0] =	sbarrier.arrive $0xFFFF  }
0x3a: {  	[spmem:s2] =	stream.indirect.scatter.add.f32 [tilespmem:s12], [sflag:$0x1], $0x80, s18, s14, $0xb8;
	[tilespmem:$0x1A800] =	vst v63  }
0x3b: {  	_ =	swait.ge [sflag:s13], $0x4000  }
0x3c: {  	s18 =	simm.s32 $0x200;
	[sflag:s13] =	ssyncset.done $0x0  }
.LBB2_6:
0x3d: {  	s19 =	sshra.s32 s18, $0x2;
	[sflag:s13] =	ssyncadd.s32 $0xFFFFC000;
	p0 =	sne.s32 s18, $0x9E00  }
0x3e: {  	[spmem:s2] =	stream.indirect.scatter.add.f32 [tilespmem:s12], [sflag:$0x1], $0x80, s19, s14, $0xb8;
	[tilespmem:$0x1A800] =	vst v63  }
.Ltmp2:
0x3f: {  	_ = 	snop;
	(pc) =	sbr.rel @p0 .LBB2_6-.Ltmp2, $4  }
0x40: {  	_ = 	snop  }
0x41: {  	s18 =	sadd.s32 $0x200, s18  }
0x42: {  	_ =	swait.ge [sflag:s13], $0x4000  }
0x43: {  	[sflag:s13] =	ssyncset.done $0x0  }
0x44: {  	s17 =	sadd.s32 $0x1, s17  }
0x45: {  	[sflag:s13] =	ssyncadd.s32 $0xFFFFC000;
	p0 =	sne.s32 s17, s11  }
.Ltmp3:
0x46: {  	[bflag:$0x0] =	sbarrier.arrive $0xFFFF;
	(pc) =	sbr.rel @p0 .LBB2_1-.Ltmp3, $4  }
0x47: {  	[hbm:s10], [sflag:s15] =	dma.local [spmem:s16], $0x2800  }
0x48: {  	_ =	swait.ge [sflag:s13], $0x2800  }
0x49: {  	[sflag:s13] =	ssyncset.done $0x0  }
0x4a: {  	[sflag:s13] =	ssyncadd.s32 $0xFFFFD800  }
0x4b: {  	_ =	sfence.sel $0x180000  }
0x4c: {  	[bflag:$0x0] =	sbarrier.arrive $0xFFFF  }
0x4d: {  	p0 =	sne.s32 s0, $0x0;
	_ =	strace $0x90000047  }
0x4e: {  	s0 =	sadd.s32 @!p0 $0x100000, s1;
	[bflag:$0x2] =	sbarrier.arrive $0xFFFF  }
0x4f: {  	[sflag:s0] =	ssyncadd.tile.s32 @!p0 $0x1;
	_ =	shalt  }
.Lfunc_end2:
_tile_overlayer_lowered:
.L_overlay_start_2:
0x50: {  	(tag) =	ssettag $0x2  }
0x51: {  	s0 =	rddreg [dreg:$0x0];
	s2 =	stileid.u32  }
0x52: {  	s1 =	rddreg [dreg:$0x1];
	p0 =	sne.s32 s2, $0x0  }
0x53: {  	s3 =	rddreg [dreg:$0x2];
	[bflag:$0x3] =	sbarrier.arrive $0xFFFF;
	s2 =	simm.s32 @!p0 $0x1C01  }
0x54: {  	[timem:s3], [sflag:s2] =	dma.local @!p0 [hbm:s0], s1  }
0x55: {  	s0 =	simm.s32 @!p0 $0x1  }
0x56: {  	_ =	swait.ge @!p0 [sflag:s0], s1  }
0x57: {  	s1 =	ssub.s32 @!p0 $0x0, s1;
	[sflag:s0] =	ssyncset.done @!p0 $0x0  }
0x58: {  	[sflag:s0] =	ssyncadd.s32 @!p0 s1  }
0x59: {  	[bflag:$0x3] =	sbarrier.arrive $0xFFFF  }
0x5a: {  	_ =	shalt  }

</sc_bundles>
